<compile_context>
chip_gen: v7x
topology: tpu7x:2x2x1
jax: 0.10.2.dev20260603
libtpu: 0.0.44.dev20260713+nightly
codegen_flags: <defaults>
</compile_context>

<pallas_src>
import functools

import jax
import jax.numpy as jnp
from jax import lax
from jax.experimental import pallas as pl
from jax.experimental.pallas import tpu as pltpu
from jax.experimental.pallas import tpu_sc as plsc

B = 16384
TEAM_N = 1000000
GROUND_N = 100000
NC, NS = 2, 16
NW = NC * NS
BPW = B // NW
NPLANES = 8

SELU_ALPHA = 1.6732632423543772
SELU_SCALE = 1.0507009873554805


@functools.cache
def _sc_gather():
    mesh = plsc.VectorSubcoreMesh(core_axis_name="c", subcore_axis_name="s")

    @functools.partial(
        pl.kernel,
        mesh=mesh,
        out_type=jax.ShapeDtypeStruct((NPLANES, NW, BPW), jnp.float32),
        compiler_params=pltpu.CompilerParams(use_tc_tiling_on_sc=False),
        scratch_types=[
            pltpu.VMEM((NPLANES * BPW,), jnp.int32),
            pltpu.VMEM((NPLANES * BPW,), jnp.float32),
            pltpu.SemaphoreType.DMA,
        ],
    )
    def body(idx_hbm, team_hbm, ground_hbm, o, idx_v, val_v, sem):
        wid = lax.axis_index("s") * NC + lax.axis_index("c")
        sl = lambda j: pl.ds(j * BPW, BPW)
        cps = [pltpu.async_copy(idx_hbm.at[j, wid], idx_v.at[sl(j)], sem)
               for j in range(NPLANES)]
        for cp in cps:
            cp.wait()
        gs = []
        for j in range(NPLANES):
            src = team_hbm if j < 6 else ground_hbm
            gs.append(pltpu.async_copy(src.at[idx_v.at[sl(j)]],
                                       val_v.at[sl(j)], sem))
        for g in gs:
            g.wait()
        ws = [pltpu.async_copy(val_v.at[sl(j)], o.at[j, wid], sem)
              for j in range(NPLANES)]
        for w in ws:
            w.wait()

    return body


_FEAT_SRC = (0, 3, 1, 4, 2, 5, 6, 7)


def _mlp_body(g, toss, te, w1, b1, w2, b2, out):
    xs = [g[j] for j in _FEAT_SRC]
    tf = toss[...].astype(jnp.float32)
    te0, te1 = te[0, 0], te[1, 0]
    xs.append(te0 + (te1 - te0) * tf)
    acts = []
    for k in range(20):
        h = b1[0, k]
        for j in range(9):
            h = h + xs[j] * w1[j, k]
        acts.append(SELU_SCALE * jnp.where(
            h > 0, h, SELU_ALPHA * (jnp.exp(jnp.minimum(h, 0.0)) - 1.0)))
    outs = []
    for c in range(2):
        l = b2[0, c]
        for k in range(20):
            l = l + acts[k] * w2[k, c]
        outs.append(l)
    m = jnp.maximum(outs[0], outs[1])
    s0, s1 = outs[0] - m, outs[1] - m
    lse = jnp.log(jnp.exp(s0) + jnp.exp(s1))
    out[0] = s0 - lse
    out[1] = s1 - lse


@functools.cache
def _mlp():
    return pl.pallas_call(
        _mlp_body,
        out_shape=jax.ShapeDtypeStruct((2, 128, 128), jnp.float32),
    )


def kernel(batch, team_emb, ground_emb, toss_emb, W1, b1, W2, b2):
    t0, t1, t2, gr = (batch[:, j] for j in range(4))
    idx8 = jnp.stack([t0, t1, t2,
                      t0 + TEAM_N, t1 + TEAM_N, t2 + TEAM_N,
                      gr, gr + GROUND_N]).reshape(NPLANES, NW, BPW)

    gath = _sc_gather()(idx8, team_emb.T.reshape(-1), ground_emb.T.reshape(-1))

    o2 = _mlp()(gath.reshape(NPLANES, 128, 128),
                batch[:, 4].reshape(128, 128), toss_emb,
                W1, b1.reshape(1, -1), W2, b2.reshape(1, -1))
    return o2.reshape(2, B).T

# --- scband reference (transcript-rebuilt; emitter-appended) ---
"""Pipeline reference for scband-cricket-net-17179869768 (READ-ONLY COPY).

The authoritative reference and input builder live on the scoring server;
editing this copy changes nothing except your own understanding.
"""

import jax, jax.numpy as jnp
import numpy as np

B = 16384
TEAM_COUNT = 1000000
GROUND_COUNT = 100000
TEAM_E = 2
GROUND_E = 2
TOSS_E = 1
HIDDEN = 20
IN_SIZE = TEAM_E * 3 + GROUND_E + TOSS_E  # 9


def setup_inputs(seed: int = 0) -> dict:
    key = jax.random.key(seed)
    ks = jax.random.split(key, 10)
    # batch columns: 0,1,2 -> team ids; 3 -> ground id; 4 -> toss decision (0/1)
    teams = jax.random.randint(ks[0], (B, 3), 0, TEAM_COUNT)
    ground = jax.random.randint(ks[1], (B, 1), 0, GROUND_COUNT)
    toss = jax.random.randint(ks[2], (B, 1), 0, 2)
    batch = jnp.concatenate([teams, ground, toss], axis=1).astype(jnp.int32)
    team_emb = jax.random.normal(ks[3], (TEAM_COUNT, TEAM_E), dtype=jnp.float32)
    ground_emb = jax.random.normal(ks[4], (GROUND_COUNT, GROUND_E), dtype=jnp.float32)
    toss_emb = jax.random.normal(ks[5], (2, TOSS_E), dtype=jnp.float32)
    W1 = jax.random.normal(ks[6], (IN_SIZE, HIDDEN), dtype=jnp.float32) * (1.0 / np.sqrt(IN_SIZE))
    b1 = jnp.zeros((HIDDEN,), dtype=jnp.float32)
    W2 = jax.random.normal(ks[7], (HIDDEN, 2), dtype=jnp.float32) * (1.0 / np.sqrt(HIDDEN))
    b2 = jnp.zeros((2,), dtype=jnp.float32)
    return {"batch": batch, "team_emb": team_emb, "ground_emb": ground_emb,
            "toss_emb": toss_emb, "W1": W1, "b1": b1, "W2": W2, "b2": b2}


def reference(batch, team_emb, ground_emb, toss_emb, W1, b1, W2, b2):
    # Embedding gathers (SparseCore-friendly jnp.take / fancy indexing)
    team1 = jnp.take(team_emb, batch[:, 0], axis=0)
    team2 = jnp.take(team_emb, batch[:, 1], axis=0)
    toss_winner = jnp.take(team_emb, batch[:, 2], axis=0)
    host = jnp.take(ground_emb, batch[:, 3], axis=0)
    toss_decision = jnp.take(toss_emb, batch[:, 4], axis=0)
    inputs = jnp.concatenate((team1, team2, toss_winner, host, toss_decision), axis=1)
    # dropout(p=0.5) is identity in inference mode
    a = jax.nn.selu(inputs @ W1 + b1)
    b = a @ W2 + b2
    log_probs = jax.nn.log_softmax(b, axis=-1)
    return log_probs

if __name__ == "__main__":
    import jax
    _d = setup_inputs()
    print(jax.jit(kernel)(*tuple(_d.values())))

</pallas_src>

<mosaic_0001>
#map = affine_map<(d0, d1) -> (0, 0, 0)>
#map1 = affine_map<(d0, d1) -> (0)>
module attributes {stable_mosaic.version = 14 : i64} {
  func.func @body(%arg0: i32, %arg1: i32, %arg2: memref<8x32x512xi32, #tpu.memory_space<hbm>>, %arg3: memref<2000000xf32, #tpu.memory_space<hbm>>, %arg4: memref<200000xf32, #tpu.memory_space<hbm>>, %arg5: memref<8x32x512xf32, #tpu.memory_space<hbm>>, %arg6: memref<4096xi32, #tpu.memory_space<vmem>>, %arg7: memref<4096xf32, #tpu.memory_space<vmem>>, %arg8: memref<!tpu.dma_semaphore, #tpu.memory_space<semaphore_mem>>) attributes {dimension_semantics = [#tpu.dimension_semantics<core_parallel>, #tpu.dimension_semantics<subcore_parallel>], iteration_bounds = array<i64: 2, 16>, scalar_prefetch = 0 : i64, scratch_operands = 3 : i64, tpu.core_type = #tpu.core_type<sc_vector_subcore>, window_params = [{transform_indices = #map}, {transform_indices = #map1}, {transform_indices = #map1}, {transform_indices = #map}]} {
    %mul3A = arith.constant 2 : i32
    %mul3A_0 = arith.muli %arg1, %mul3A : i32
    %add3A = arith.addi %mul3A_0, %arg0 : i32
    %dma_start3A = arith.constant 0 : i32
    %dma_start3A_1 = arith.constant 0 : i32
    %dma_start3A_2 = tpu.memref_slice %arg6[%dma_start3A_1] : memref<4096xi32, #tpu.memory_space<vmem>> -> memref<512xi32, #tpu.memory_space<vmem>>
    %dma_start3A_3 = arith.constant 0 : i32
    %dma_start3A_4 = tpu.memref_slice %arg2[%dma_start3A, %add3A, %dma_start3A_3] : memref<8x32x512xi32, #tpu.memory_space<hbm>> -> memref<1x1x512xi32, #tpu.memory_space<hbm>>
    %dma_start3A_5 = tpu.memref_squeeze %dma_start3A_4 : memref<1x1x512xi32, #tpu.memory_space<hbm>> -> memref<512xi32, #tpu.memory_space<hbm>>
    %dma_start3A_6 = arith.constant 0 : i32
    %dma_start3A_7 = tpu.memref_slice %arg6[%dma_start3A_6] : memref<4096xi32, #tpu.memory_space<vmem>> -> memref<512xi32, #tpu.memory_space<vmem>>
    %dma_start3A_8 = arith.constant 0 : i32
    %dma_start3A_9 = tpu.memref_slice %arg2[%dma_start3A, %add3A, %dma_start3A_8] : memref<8x32x512xi32, #tpu.memory_space<hbm>> -> memref<1x1x512xi32, #tpu.memory_space<hbm>>
    %dma_start3A_10 = tpu.memref_squeeze %dma_start3A_9 : memref<1x1x512xi32, #tpu.memory_space<hbm>> -> memref<512xi32, #tpu.memory_space<hbm>>
    tpu.enqueue_dma source(%dma_start3A_10 : memref<512xi32, #tpu.memory_space<hbm>>) target(%dma_start3A_7 : memref<512xi32, #tpu.memory_space<vmem>>) target_semaphore(%arg8 : memref<!tpu.dma_semaphore, #tpu.memory_space<semaphore_mem>>)
    %dma_start3A_11 = arith.constant 1 : i32
    %dma_start3A_12 = arith.constant 512 : i32
    %dma_start3A_13 = tpu.memref_slice %arg6[%dma_start3A_12] : memref<4096xi32, #tpu.memory_space<vmem>> -> memref<512xi32, #tpu.memory_space<vmem>>
    %dma_start3A_14 = arith.constant 0 : i32
    %dma_start3A_15 = tpu.memref_slice %arg2[%dma_start3A_11, %add3A, %dma_start3A_14] : memref<8x32x512xi32, #tpu.memory_space<hbm>> -> memref<1x1x512xi32, #tpu.memory_space<hbm>>
    %dma_start3A_16 = tpu.memref_squeeze %dma_start3A_15 : memref<1x1x512xi32, #tpu.memory_space<hbm>> -> memref<512xi32, #tpu.memory_space<hbm>>
    %dma_start3A_17 = arith.constant 512 : i32
    %dma_start3A_18 = tpu.memref_slice %arg6[%dma_start3A_17] : memref<4096xi32, #tpu.memory_space<vmem>> -> memref<512xi32, #tpu.memory_space<vmem>>
    %dma_start3A_19 = arith.constant 0 : i32
    %dma_start3A_20 = tpu.memref_slice %arg2[%dma_start3A_11, %add3A, %dma_start3A_19] : memref<8x32x512xi32, #tpu.memory_space<hbm>> -> memref<1x1x512xi32, #tpu.memory_space<hbm>>
    %dma_start3A_21 = tpu.memref_squeeze %dma_start3A_20 : memref<1x1x512xi32, #tpu.memory_space<hbm>> -> memref<512xi32, #tpu.memory_space<hbm>>
    tpu.enqueue_dma source(%dma_start3A_21 : memref<512xi32, #tpu.memory_space<hbm>>) target(%dma_start3A_18 : memref<512xi32, #tpu.memory_space<vmem>>) target_semaphore(%arg8 : memref<!tpu.dma_semaphore, #tpu.memory_space<semaphore_mem>>)
    %dma_start3A_22 = arith.constant 2 : i32
    %dma_start3A_23 = arith.constant 1024 : i32
    %dma_start3A_24 = tpu.memref_slice %arg6[%dma_start3A_23] : memref<4096xi32, #tpu.memory_space<vmem>> -> memref<512xi32, #tpu.memory_space<vmem>>
    %dma_start3A_25 = arith.constant 0 : i32
    %dma_start3A_26 = tpu.memref_slice %arg2[%dma_start3A_22, %add3A, %dma_start3A_25] : memref<8x32x512xi32, #tpu.memory_space<hbm>> -> memref<1x1x512xi32, #tpu.memory_space<hbm>>
    %dma_start3A_27 = tpu.memref_squeeze %dma_start3A_26 : memref<1x1x512xi32, #tpu.memory_space<hbm>> -> memref<512xi32, #tpu.memory_space<hbm>>
    %dma_start3A_28 = arith.constant 1024 : i32
    %dma_start3A_29 = tpu.memref_slice %arg6[%dma_start3A_28] : memref<4096xi32, #tpu.memory_space<vmem>> -> memref<512xi32, #tpu.memory_space<vmem>>
    %dma_start3A_30 = arith.constant 0 : i32
    %dma_start3A_31 = tpu.memref_slice %arg2[%dma_start3A_22, %add3A, %dma_start3A_30] : memref<8x32x512xi32, #tpu.memory_space<hbm>> -> memref<1x1x512xi32, #tpu.memory_space<hbm>>
    %dma_start3A_32 = tpu.memref_squeeze %dma_start3A_31 : memref<1x1x512xi32, #tpu.memory_space<hbm>> -> memref<512xi32, #tpu.memory_space<hbm>>
    tpu.enqueue_dma source(%dma_start3A_32 : memref<512xi32, #tpu.memory_space<hbm>>) target(%dma_start3A_29 : memref<512xi32, #tpu.memory_space<vmem>>) target_semaphore(%arg8 : memref<!tpu.dma_semaphore, #tpu.memory_space<semaphore_mem>>)
    %dma_start3A_33 = arith.constant 3 : i32
    %dma_start3A_34 = arith.constant 1536 : i32
    %dma_start3A_35 = tpu.memref_slice %arg6[%dma_start3A_34] : memref<4096xi32, #tpu.memory_space<vmem>> -> memref<512xi32, #tpu.memory_space<vmem>>
    %dma_start3A_36 = arith.constant 0 : i32
    %dma_start3A_37 = tpu.memref_slice %arg2[%dma_start3A_33, %add3A, %dma_start3A_36] : memref<8x32x512xi32, #tpu.memory_space<hbm>> -> memref<1x1x512xi32, #tpu.memory_space<hbm>>
    %dma_start3A_38 = tpu.memref_squeeze %dma_start3A_37 : memref<1x1x512xi32, #tpu.memory_space<hbm>> -> memref<512xi32, #tpu.memory_space<hbm>>
    %dma_start3A_39 = arith.constant 1536 : i32
    %dma_start3A_40 = tpu.memref_slice %arg6[%dma_start3A_39] : memref<4096xi32, #tpu.memory_space<vmem>> -> memref<512xi32, #tpu.memory_space<vmem>>
    %dma_start3A_41 = arith.constant 0 : i32
    %dma_start3A_42 = tpu.memref_slice %arg2[%dma_start3A_33, %add3A, %dma_start3A_41] : memref<8x32x512xi32, #tpu.memory_space<hbm>> -> memref<1x1x512xi32, #tpu.memory_space<hbm>>
    %dma_start3A_43 = tpu.memref_squeeze %dma_start3A_42 : memref<1x1x512xi32, #tpu.memory_space<hbm>> -> memref<512xi32, #tpu.memory_space<hbm>>
    tpu.enqueue_dma source(%dma_start3A_43 : memref<512xi32, #tpu.memory_space<hbm>>) target(%dma_start3A_40 : memref<512xi32, #tpu.memory_space<vmem>>) target_semaphore(%arg8 : memref<!tpu.dma_semaphore, #tpu.memory_space<semaphore_mem>>)
    %dma_start3A_44 = arith.constant 4 : i32
    %dma_start3A_45 = arith.constant 2048 : i32
    %dma_start3A_46 = tpu.memref_slice %arg6[%dma_start3A_45] : memref<4096xi32, #tpu.memory_space<vmem>> -> memref<512xi32, #tpu.memory_space<vmem>>
    %dma_start3A_47 = arith.constant 0 : i32
    %dma_start3A_48 = tpu.memref_slice %arg2[%dma_start3A_44, %add3A, %dma_start3A_47] : memref<8x32x512xi32, #tpu.memory_space<hbm>> -> memref<1x1x512xi32, #tpu.memory_space<hbm>>
    %dma_start3A_49 = tpu.memref_squeeze %dma_start3A_48 : memref<1x1x512xi32, #tpu.memory_space<hbm>> -> memref<512xi32, #tpu.memory_space<hbm>>
    %dma_start3A_50 = arith.constant 2048 : i32
    %dma_start3A_51 = tpu.memref_slice %arg6[%dma_start3A_50] : memref<4096xi32, #tpu.memory_space<vmem>> -> memref<512xi32, #tpu.memory_space<vmem>>
    %dma_start3A_52 = arith.constant 0 : i32
    %dma_start3A_53 = tpu.memref_slice %arg2[%dma_start3A_44, %add3A, %dma_start3A_52] : memref<8x32x512xi32, #tpu.memory_space<hbm>> -> memref<1x1x512xi32, #tpu.memory_space<hbm>>
    %dma_start3A_54 = tpu.memref_squeeze %dma_start3A_53 : memref<1x1x512xi32, #tpu.memory_space<hbm>> -> memref<512xi32, #tpu.memory_space<hbm>>
    tpu.enqueue_dma source(%dma_start3A_54 : memref<512xi32, #tpu.memory_space<hbm>>) target(%dma_start3A_51 : memref<512xi32, #tpu.memory_space<vmem>>) target_semaphore(%arg8 : memref<!tpu.dma_semaphore, #tpu.memory_space<semaphore_mem>>)
    %dma_start3A_55 = arith.constant 5 : i32
    %dma_start3A_56 = arith.constant 2560 : i32
    %dma_start3A_57 = tpu.memref_slice %arg6[%dma_start3A_56] : memref<4096xi32, #tpu.memory_space<vmem>> -> memref<512xi32, #tpu.memory_space<vmem>>
    %dma_start3A_58 = arith.constant 0 : i32
    %dma_start3A_59 = tpu.memref_slice %arg2[%dma_start3A_55, %add3A, %dma_start3A_58] : memref<8x32x512xi32, #tpu.memory_space<hbm>> -> memref<1x1x512xi32, #tpu.memory_space<hbm>>
    %dma_start3A_60 = tpu.memref_squeeze %dma_start3A_59 : memref<1x1x512xi32, #tpu.memory_space<hbm>> -> memref<512xi32, #tpu.memory_space<hbm>>
    %dma_start3A_61 = arith.constant 2560 : i32
    %dma_start3A_62 = tpu.memref_slice %arg6[%dma_start3A_61] : memref<4096xi32, #tpu.memory_space<vmem>> -> memref<512xi32, #tpu.memory_space<vmem>>
    %dma_start3A_63 = arith.constant 0 : i32
    %dma_start3A_64 = tpu.memref_slice %arg2[%dma_start3A_55, %add3A, %dma_start3A_63] : memref<8x32x512xi32, #tpu.memory_space<hbm>> -> memref<1x1x512xi32, #tpu.memory_space<hbm>>
    %dma_start3A_65 = tpu.memref_squeeze %dma_start3A_64 : memref<1x1x512xi32, #tpu.memory_space<hbm>> -> memref<512xi32, #tpu.memory_space<hbm>>
    tpu.enqueue_dma source(%dma_start3A_65 : memref<512xi32, #tpu.memory_space<hbm>>) target(%dma_start3A_62 : memref<512xi32, #tpu.memory_space<vmem>>) target_semaphore(%arg8 : memref<!tpu.dma_semaphore, #tpu.memory_space<semaphore_mem>>)
    %dma_start3A_66 = arith.constant 6 : i32
    %dma_start3A_67 = arith.constant 3072 : i32
    %dma_start3A_68 = tpu.memref_slice %arg6[%dma_start3A_67] : memref<4096xi32, #tpu.memory_space<vmem>> -> memref<512xi32, #tpu.memory_space<vmem>>
    %dma_start3A_69 = arith.constant 0 : i32
    %dma_start3A_70 = tpu.memref_slice %arg2[%dma_start3A_66, %add3A, %dma_start3A_69] : memref<8x32x512xi32, #tpu.memory_space<hbm>> -> memref<1x1x512xi32, #tpu.memory_space<hbm>>
    %dma_start3A_71 = tpu.memref_squeeze %dma_start3A_70 : memref<1x1x512xi32, #tpu.memory_space<hbm>> -> memref<512xi32, #tpu.memory_space<hbm>>
    %dma_start3A_72 = arith.constant 3072 : i32
    %dma_start3A_73 = tpu.memref_slice %arg6[%dma_start3A_72] : memref<4096xi32, #tpu.memory_space<vmem>> -> memref<512xi32, #tpu.memory_space<vmem>>
    %dma_start3A_74 = arith.constant 0 : i32
    %dma_start3A_75 = tpu.memref_slice %arg2[%dma_start3A_66, %add3A, %dma_start3A_74] : memref<8x32x512xi32, #tpu.memory_space<hbm>> -> memref<1x1x512xi32, #tpu.memory_space<hbm>>
    %dma_start3A_76 = tpu.memref_squeeze %dma_start3A_75 : memref<1x1x512xi32, #tpu.memory_space<hbm>> -> memref<512xi32, #tpu.memory_space<hbm>>
    tpu.enqueue_dma source(%dma_start3A_76 : memref<512xi32, #tpu.memory_space<hbm>>) target(%dma_start3A_73 : memref<512xi32, #tpu.memory_space<vmem>>) target_semaphore(%arg8 : memref<!tpu.dma_semaphore, #tpu.memory_space<semaphore_mem>>)
    %dma_start3A_77 = arith.constant 7 : i32
    %dma_start3A_78 = arith.constant 3584 : i32
    %dma_start3A_79 = tpu.memref_slice %arg6[%dma_start3A_78] : memref<4096xi32, #tpu.memory_space<vmem>> -> memref<512xi32, #tpu.memory_space<vmem>>
    %dma_start3A_80 = arith.constant 0 : i32
    %dma_start3A_81 = tpu.memref_slice %arg2[%dma_start3A_77, %add3A, %dma_start3A_80] : memref<8x32x512xi32, #tpu.memory_space<hbm>> -> memref<1x1x512xi32, #tpu.memory_space<hbm>>
    %dma_start3A_82 = tpu.memref_squeeze %dma_start3A_81 : memref<1x1x512xi32, #tpu.memory_space<hbm>> -> memref<512xi32, #tpu.memory_space<hbm>>
    %dma_start3A_83 = arith.constant 3584 : i32
    %dma_start3A_84 = tpu.memref_slice %arg6[%dma_start3A_83] : memref<4096xi32, #tpu.memory_space<vmem>> -> memref<512xi32, #tpu.memory_space<vmem>>
    %dma_start3A_85 = arith.constant 0 : i32
    %dma_start3A_86 = tpu.memref_slice %arg2[%dma_start3A_77, %add3A, %dma_start3A_85] : memref<8x32x512xi32, #tpu.memory_space<hbm>> -> memref<1x1x512xi32, #tpu.memory_space<hbm>>
    %dma_start3A_87 = tpu.memref_squeeze %dma_start3A_86 : memref<1x1x512xi32, #tpu.memory_space<hbm>> -> memref<512xi32, #tpu.memory_space<hbm>>
    tpu.enqueue_dma source(%dma_start3A_87 : memref<512xi32, #tpu.memory_space<hbm>>) target(%dma_start3A_84 : memref<512xi32, #tpu.memory_space<vmem>>) target_semaphore(%arg8 : memref<!tpu.dma_semaphore, #tpu.memory_space<semaphore_mem>>)
    %dma_wait3A = arith.constant 0 : i32
    %dma_wait3A_88 = arith.constant 0 : i32
    %dma_wait3A_89 = tpu.memref_slice %arg6[%dma_wait3A_88] : memref<4096xi32, #tpu.memory_space<vmem>> -> memref<512xi32, #tpu.memory_space<vmem>>
    %dma_wait3A_90 = arith.constant 0 : i32
    %dma_wait3A_91 = tpu.memref_slice %arg2[%dma_wait3A, %add3A, %dma_wait3A_90] : memref<8x32x512xi32, #tpu.memory_space<hbm>> -> memref<1x1x512xi32, #tpu.memory_space<hbm>>
    %dma_wait3A_92 = tpu.memref_squeeze %dma_wait3A_91 : memref<1x1x512xi32, #tpu.memory_space<hbm>> -> memref<512xi32, #tpu.memory_space<hbm>>
    %dma_wait3A_93 = arith.constant 0 : i32
    %dma_wait3A_94 = tpu.memref_slice %arg6[%dma_wait3A_93] : memref<4096xi32, #tpu.memory_space<vmem>> -> memref<512xi32, #tpu.memory_space<vmem>>
    %dma_wait3A_95 = arith.constant 0 : i32
    %dma_wait3A_96 = tpu.memref_slice %arg2[%dma_wait3A, %add3A, %dma_wait3A_95] : memref<8x32x512xi32, #tpu.memory_space<hbm>> -> memref<1x1x512xi32, #tpu.memory_space<hbm>>
    %dma_wait3A_97 = tpu.memref_squeeze %dma_wait3A_96 : memref<1x1x512xi32, #tpu.memory_space<hbm>> -> memref<512xi32, #tpu.memory_space<hbm>>
    tpu.wait_dma2 semaphore(%arg8 : memref<!tpu.dma_semaphore, #tpu.memory_space<semaphore_mem>>) src(%dma_wait3A_97 : memref<512xi32, #tpu.memory_space<hbm>>) dst(%dma_wait3A_94 : memref<512xi32, #tpu.memory_space<vmem>>)
    %dma_wait3A_98 = arith.constant 1 : i32
    %dma_wait3A_99 = arith.constant 512 : i32
    %dma_wait3A_100 = tpu.memref_slice %arg6[%dma_wait3A_99] : memref<4096xi32, #tpu.memory_space<vmem>> -> memref<512xi32, #tpu.memory_space<vmem>>
    %dma_wait3A_101 = arith.constant 0 : i32
    %dma_wait3A_102 = tpu.memref_slice %arg2[%dma_wait3A_98, %add3A, %dma_wait3A_101] : memref<8x32x512xi32, #tpu.memory_space<hbm>> -> memref<1x1x512xi32, #tpu.memory_space<hbm>>
    %dma_wait3A_103 = tpu.memref_squeeze %dma_wait3A_102 : memref<1x1x512xi32, #tpu.memory_space<hbm>> -> memref<512xi32, #tpu.memory_space<hbm>>
    %dma_wait3A_104 = arith.constant 512 : i32
    %dma_wait3A_105 = tpu.memref_slice %arg6[%dma_wait3A_104] : memref<4096xi32, #tpu.memory_space<vmem>> -> memref<512xi32, #tpu.memory_space<vmem>>
    %dma_wait3A_106 = arith.constant 0 : i32
    %dma_wait3A_107 = tpu.memref_slice %arg2[%dma_wait3A_98, %add3A, %dma_wait3A_106] : memref<8x32x512xi32, #tpu.memory_space<hbm>> -> memref<1x1x512xi32, #tpu.memory_space<hbm>>
    %dma_wait3A_108 = tpu.memref_squeeze %dma_wait3A_107 : memref<1x1x512xi32, #tpu.memory_space<hbm>> -> memref<512xi32, #tpu.memory_space<hbm>>
    tpu.wait_dma2 semaphore(%arg8 : memref<!tpu.dma_semaphore, #tpu.memory_space<semaphore_mem>>) src(%dma_wait3A_108 : memref<512xi32, #tpu.memory_space<hbm>>) dst(%dma_wait3A_105 : memref<512xi32, #tpu.memory_space<vmem>>)
    %dma_wait3A_109 = arith.constant 2 : i32
    %dma_wait3A_110 = arith.constant 1024 : i32
    %dma_wait3A_111 = tpu.memref_slice %arg6[%dma_wait3A_110] : memref<4096xi32, #tpu.memory_space<vmem>> -> memref<512xi32, #tpu.memory_space<vmem>>
    %dma_wait3A_112 = arith.constant 0 : i32
    %dma_wait3A_113 = tpu.memref_slice %arg2[%dma_wait3A_109, %add3A, %dma_wait3A_112] : memref<8x32x512xi32, #tpu.memory_space<hbm>> -> memref<1x1x512xi32, #tpu.memory_space<hbm>>
    %dma_wait3A_114 = tpu.memref_squeeze %dma_wait3A_113 : memref<1x1x512xi32, #tpu.memory_space<hbm>> -> memref<512xi32, #tpu.memory_space<hbm>>
    %dma_wait3A_115 = arith.constant 1024 : i32
    %dma_wait3A_116 = tpu.memref_slice %arg6[%dma_wait3A_115] : memref<4096xi32, #tpu.memory_space<vmem>> -> memref<512xi32, #tpu.memory_space<vmem>>
    %dma_wait3A_117 = arith.constant 0 : i32
    %dma_wait3A_118 = tpu.memref_slice %arg2[%dma_wait3A_109, %add3A, %dma_wait3A_117] : memref<8x32x512xi32, #tpu.memory_space<hbm>> -> memref<1x1x512xi32, #tpu.memory_space<hbm>>
    %dma_wait3A_119 = tpu.memref_squeeze %dma_wait3A_118 : memref<1x1x512xi32, #tpu.memory_space<hbm>> -> memref<512xi32, #tpu.memory_space<hbm>>
    tpu.wait_dma2 semaphore(%arg8 : memref<!tpu.dma_semaphore, #tpu.memory_space<semaphore_mem>>) src(%dma_wait3A_119 : memref<512xi32, #tpu.memory_space<hbm>>) dst(%dma_wait3A_116 : memref<512xi32, #tpu.memory_space<vmem>>)
    %dma_wait3A_120 = arith.constant 3 : i32
    %dma_wait3A_121 = arith.constant 1536 : i32
    %dma_wait3A_122 = tpu.memref_slice %arg6[%dma_wait3A_121] : memref<4096xi32, #tpu.memory_space<vmem>> -> memref<512xi32, #tpu.memory_space<vmem>>
    %dma_wait3A_123 = arith.constant 0 : i32
    %dma_wait3A_124 = tpu.memref_slice %arg2[%dma_wait3A_120, %add3A, %dma_wait3A_123] : memref<8x32x512xi32, #tpu.memory_space<hbm>> -> memref<1x1x512xi32, #tpu.memory_space<hbm>>
    %dma_wait3A_125 = tpu.memref_squeeze %dma_wait3A_124 : memref<1x1x512xi32, #tpu.memory_space<hbm>> -> memref<512xi32, #tpu.memory_space<hbm>>
    %dma_wait3A_126 = arith.constant 1536 : i32
    %dma_wait3A_127 = tpu.memref_slice %arg6[%dma_wait3A_126] : memref<4096xi32, #tpu.memory_space<vmem>> -> memref<512xi32, #tpu.memory_space<vmem>>
    %dma_wait3A_128 = arith.constant 0 : i32
    %dma_wait3A_129 = tpu.memref_slice %arg2[%dma_wait3A_120, %add3A, %dma_wait3A_128] : memref<8x32x512xi32, #tpu.memory_space<hbm>> -> memref<1x1x512xi32, #tpu.memory_space<hbm>>
    %dma_wait3A_130 = tpu.memref_squeeze %dma_wait3A_129 : memref<1x1x512xi32, #tpu.memory_space<hbm>> -> memref<512xi32, #tpu.memory_space<hbm>>
    tpu.wait_dma2 semaphore(%arg8 : memref<!tpu.dma_semaphore, #tpu.memory_space<semaphore_mem>>) src(%dma_wait3A_130 : memref<512xi32, #tpu.memory_space<hbm>>) dst(%dma_wait3A_127 : memref<512xi32, #tpu.memory_space<vmem>>)
    %dma_wait3A_131 = arith.constant 4 : i32
    %dma_wait3A_132 = arith.constant 2048 : i32
    %dma_wait3A_133 = tpu.memref_slice %arg6[%dma_wait3A_132] : memref<4096xi32, #tpu.memory_space<vmem>> -> memref<512xi32, #tpu.memory_space<vmem>>
    %dma_wait3A_134 = arith.constant 0 : i32
    %dma_wait3A_135 = tpu.memref_slice %arg2[%dma_wait3A_131, %add3A, %dma_wait3A_134] : memref<8x32x512xi32, #tpu.memory_space<hbm>> -> memref<1x1x512xi32, #tpu.memory_space<hbm>>
    %dma_wait3A_136 = tpu.memref_squeeze %dma_wait3A_135 : memref<1x1x512xi32, #tpu.memory_space<hbm>> -> memref<512xi32, #tpu.memory_space<hbm>>
    %dma_wait3A_137 = arith.constant 2048 : i32
    %dma_wait3A_138 = tpu.memref_slice %arg6[%dma_wait3A_137] : memref<4096xi32, #tpu.memory_space<vmem>> -> memref<512xi32, #tpu.memory_space<vmem>>
    %dma_wait3A_139 = arith.constant 0 : i32
    %dma_wait3A_140 = tpu.memref_slice %arg2[%dma_wait3A_131, %add3A, %dma_wait3A_139] : memref<8x32x512xi32, #tpu.memory_space<hbm>> -> memref<1x1x512xi32, #tpu.memory_space<hbm>>
    %dma_wait3A_141 = tpu.memref_squeeze %dma_wait3A_140 : memref<1x1x512xi32, #tpu.memory_space<hbm>> -> memref<512xi32, #tpu.memory_space<hbm>>
    tpu.wait_dma2 semaphore(%arg8 : memref<!tpu.dma_semaphore, #tpu.memory_space<semaphore_mem>>) src(%dma_wait3A_141 : memref<512xi32, #tpu.memory_space<hbm>>) dst(%dma_wait3A_138 : memref<512xi32, #tpu.memory_space<vmem>>)
    %dma_wait3A_142 = arith.constant 5 : i32
    %dma_wait3A_143 = arith.constant 2560 : i32
    %dma_wait3A_144 = tpu.memref_slice %arg6[%dma_wait3A_143] : memref<4096xi32, #tpu.memory_space<vmem>> -> memref<512xi32, #tpu.memory_space<vmem>>
    %dma_wait3A_145 = arith.constant 0 : i32
    %dma_wait3A_146 = tpu.memref_slice %arg2[%dma_wait3A_142, %add3A, %dma_wait3A_145] : memref<8x32x512xi32, #tpu.memory_space<hbm>> -> memref<1x1x512xi32, #tpu.memory_space<hbm>>
    %dma_wait3A_147 = tpu.memref_squeeze %dma_wait3A_146 : memref<1x1x512xi32, #tpu.memory_space<hbm>> -> memref<512xi32, #tpu.memory_space<hbm>>
    %dma_wait3A_148 = arith.constant 2560 : i32
    %dma_wait3A_149 = tpu.memref_slice %arg6[%dma_wait3A_148] : memref<4096xi32, #tpu.memory_space<vmem>> -> memref<512xi32, #tpu.memory_space<vmem>>
    %dma_wait3A_150 = arith.constant 0 : i32
    %dma_wait3A_151 = tpu.memref_slice %arg2[%dma_wait3A_142, %add3A, %dma_wait3A_150] : memref<8x32x512xi32, #tpu.memory_space<hbm>> -> memref<1x1x512xi32, #tpu.memory_space<hbm>>
    %dma_wait3A_152 = tpu.memref_squeeze %dma_wait3A_151 : memref<1x1x512xi32, #tpu.memory_space<hbm>> -> memref<512xi32, #tpu.memory_space<hbm>>
    tpu.wait_dma2 semaphore(%arg8 : memref<!tpu.dma_semaphore, #tpu.memory_space<semaphore_mem>>) src(%dma_wait3A_152 : memref<512xi32, #tpu.memory_space<hbm>>) dst(%dma_wait3A_149 : memref<512xi32, #tpu.memory_space<vmem>>)
    %dma_wait3A_153 = arith.constant 6 : i32
    %dma_wait3A_154 = arith.constant 3072 : i32
    %dma_wait3A_155 = tpu.memref_slice %arg6[%dma_wait3A_154] : memref<4096xi32, #tpu.memory_space<vmem>> -> memref<512xi32, #tpu.memory_space<vmem>>
    %dma_wait3A_156 = arith.constant 0 : i32
    %dma_wait3A_157 = tpu.memref_slice %arg2[%dma_wait3A_153, %add3A, %dma_wait3A_156] : memref<8x32x512xi32, #tpu.memory_space<hbm>> -> memref<1x1x512xi32, #tpu.memory_space<hbm>>
    %dma_wait3A_158 = tpu.memref_squeeze %dma_wait3A_157 : memref<1x1x512xi32, #tpu.memory_space<hbm>> -> memref<512xi32, #tpu.memory_space<hbm>>
    %dma_wait3A_159 = arith.constant 3072 : i32
    %dma_wait3A_160 = tpu.memref_slice %arg6[%dma_wait3A_159] : memref<4096xi32, #tpu.memory_space<vmem>> -> memref<512xi32, #tpu.memory_space<vmem>>
    %dma_wait3A_161 = arith.constant 0 : i32
    %dma_wait3A_162 = tpu.memref_slice %arg2[%dma_wait3A_153, %add3A, %dma_wait3A_161] : memref<8x32x512xi32, #tpu.memory_space<hbm>> -> memref<1x1x512xi32, #tpu.memory_space<hbm>>
    %dma_wait3A_163 = tpu.memref_squeeze %dma_wait3A_162 : memref<1x1x512xi32, #tpu.memory_space<hbm>> -> memref<512xi32, #tpu.memory_space<hbm>>
    tpu.wait_dma2 semaphore(%arg8 : memref<!tpu.dma_semaphore, #tpu.memory_space<semaphore_mem>>) src(%dma_wait3A_163 : memref<512xi32, #tpu.memory_space<hbm>>) dst(%dma_wait3A_160 : memref<512xi32, #tpu.memory_space<vmem>>)
    %dma_wait3A_164 = arith.constant 7 : i32
    %dma_wait3A_165 = arith.constant 3584 : i32
    %dma_wait3A_166 = tpu.memref_slice %arg6[%dma_wait3A_165] : memref<4096xi32, #tpu.memory_space<vmem>> -> memref<512xi32, #tpu.memory_space<vmem>>
    %dma_wait3A_167 = arith.constant 0 : i32
    %dma_wait3A_168 = tpu.memref_slice %arg2[%dma_wait3A_164, %add3A, %dma_wait3A_167] : memref<8x32x512xi32, #tpu.memory_space<hbm>> -> memref<1x1x512xi32, #tpu.memory_space<hbm>>
    %dma_wait3A_169 = tpu.memref_squeeze %dma_wait3A_168 : memref<1x1x512xi32, #tpu.memory_space<hbm>> -> memref<512xi32, #tpu.memory_space<hbm>>
    %dma_wait3A_170 = arith.constant 3584 : i32
    %dma_wait3A_171 = tpu.memref_slice %arg6[%dma_wait3A_170] : memref<4096xi32, #tpu.memory_space<vmem>> -> memref<512xi32, #tpu.memory_space<vmem>>
    %dma_wait3A_172 = arith.constant 0 : i32
    %dma_wait3A_173 = tpu.memref_slice %arg2[%dma_wait3A_164, %add3A, %dma_wait3A_172] : memref<8x32x512xi32, #tpu.memory_space<hbm>> -> memref<1x1x512xi32, #tpu.memory_space<hbm>>
    %dma_wait3A_174 = tpu.memref_squeeze %dma_wait3A_173 : memref<1x1x512xi32, #tpu.memory_space<hbm>> -> memref<512xi32, #tpu.memory_space<hbm>>
    tpu.wait_dma2 semaphore(%arg8 : memref<!tpu.dma_semaphore, #tpu.memory_space<semaphore_mem>>) src(%dma_wait3A_174 : memref<512xi32, #tpu.memory_space<hbm>>) dst(%dma_wait3A_171 : memref<512xi32, #tpu.memory_space<vmem>>)
    %dma_start3A_175 = arith.constant 0 : i32
    %dma_start3A_176 = tpu.memref_slice %arg7[%dma_start3A_175] : memref<4096xf32, #tpu.memory_space<vmem>> -> memref<512xf32, #tpu.memory_space<vmem>>
    %dma_start3A_177 = arith.constant 0 : i32
    %dma_start3A_178 = tpu.memref_slice %arg6[%dma_start3A_177] : memref<4096xi32, #tpu.memory_space<vmem>> -> memref<512xi32, #tpu.memory_space<vmem>>
    %dma_start3A_179 = arith.constant 0 : i32
    %dma_start3A_180 = tpu.memref_slice %arg3[%dma_start3A_179] : memref<2000000xf32, #tpu.memory_space<hbm>> -> memref<2000000xf32, #tpu.memory_space<hbm>>
    tpu.enqueue_indirect_dma source(%dma_start3A_180 : memref<2000000xf32, #tpu.memory_space<hbm>>) target(%dma_start3A_176 : memref<512xf32, #tpu.memory_space<vmem>>) offsets(%dma_start3A_178 : memref<512xi32, #tpu.memory_space<vmem>>) semaphore(%arg8 : memref<!tpu.dma_semaphore, #tpu.memory_space<semaphore_mem>>)
    %dma_start3A_181 = arith.constant 512 : i32
    %dma_start3A_182 = tpu.memref_slice %arg7[%dma_start3A_181] : memref<4096xf32, #tpu.memory_space<vmem>> -> memref<512xf32, #tpu.memory_space<vmem>>
    %dma_start3A_183 = arith.constant 512 : i32
    %dma_start3A_184 = tpu.memref_slice %arg6[%dma_start3A_183] : memref<4096xi32, #tpu.memory_space<vmem>> -> memref<512xi32, #tpu.memory_space<vmem>>
    %dma_start3A_185 = arith.constant 0 : i32
    %dma_start3A_186 = tpu.memref_slice %arg3[%dma_start3A_185] : memref<2000000xf32, #tpu.memory_space<hbm>> -> memref<2000000xf32, #tpu.memory_space<hbm>>
    tpu.enqueue_indirect_dma source(%dma_start3A_186 : memref<2000000xf32, #tpu.memory_space<hbm>>) target(%dma_start3A_182 : memref<512xf32, #tpu.memory_space<vmem>>) offsets(%dma_start3A_184 : memref<512xi32, #tpu.memory_space<vmem>>) semaphore(%arg8 : memref<!tpu.dma_semaphore, #tpu.memory_space<semaphore_mem>>)
    %dma_start3A_187 = arith.constant 1024 : i32
    %dma_start3A_188 = tpu.memref_slice %arg7[%dma_start3A_187] : memref<4096xf32, #tpu.memory_space<vmem>> -> memref<512xf32, #tpu.memory_space<vmem>>
    %dma_start3A_189 = arith.constant 1024 : i32
    %dma_start3A_190 = tpu.memref_slice %arg6[%dma_start3A_189] : memref<4096xi32, #tpu.memory_space<vmem>> -> memref<512xi32, #tpu.memory_space<vmem>>
    %dma_start3A_191 = arith.constant 0 : i32
    %dma_start3A_192 = tpu.memref_slice %arg3[%dma_start3A_191] : memref<2000000xf32, #tpu.memory_space<hbm>> -> memref<2000000xf32, #tpu.memory_space<hbm>>
    tpu.enqueue_indirect_dma source(%dma_start3A_192 : memref<2000000xf32, #tpu.memory_space<hbm>>) target(%dma_start3A_188 : memref<512xf32, #tpu.memory_space<vmem>>) offsets(%dma_start3A_190 : memref<512xi32, #tpu.memory_space<vmem>>) semaphore(%arg8 : memref<!tpu.dma_semaphore, #tpu.memory_space<semaphore_mem>>)
    %dma_start3A_193 = arith.constant 1536 : i32
    %dma_start3A_194 = tpu.memref_slice %arg7[%dma_start3A_193] : memref<4096xf32, #tpu.memory_space<vmem>> -> memref<512xf32, #tpu.memory_space<vmem>>
    %dma_start3A_195 = arith.constant 1536 : i32
    %dma_start3A_196 = tpu.memref_slice %arg6[%dma_start3A_195] : memref<4096xi32, #tpu.memory_space<vmem>> -> memref<512xi32, #tpu.memory_space<vmem>>
    %dma_start3A_197 = arith.constant 0 : i32
    %dma_start3A_198 = tpu.memref_slice %arg3[%dma_start3A_197] : memref<2000000xf32, #tpu.memory_space<hbm>> -> memref<2000000xf32, #tpu.memory_space<hbm>>
    tpu.enqueue_indirect_dma source(%dma_start3A_198 : memref<2000000xf32, #tpu.memory_space<hbm>>) target(%dma_start3A_194 : memref<512xf32, #tpu.memory_space<vmem>>) offsets(%dma_start3A_196 : memref<512xi32, #tpu.memory_space<vmem>>) semaphore(%arg8 : memref<!tpu.dma_semaphore, #tpu.memory_space<semaphore_mem>>)
    %dma_start3A_199 = arith.constant 2048 : i32
    %dma_start3A_200 = tpu.memref_slice %arg7[%dma_start3A_199] : memref<4096xf32, #tpu.memory_space<vmem>> -> memref<512xf32, #tpu.memory_space<vmem>>
    %dma_start3A_201 = arith.constant 2048 : i32
    %dma_start3A_202 = tpu.memref_slice %arg6[%dma_start3A_201] : memref<4096xi32, #tpu.memory_space<vmem>> -> memref<512xi32, #tpu.memory_space<vmem>>
    %dma_start3A_203 = arith.constant 0 : i32
    %dma_start3A_204 = tpu.memref_slice %arg3[%dma_start3A_203] : memref<2000000xf32, #tpu.memory_space<hbm>> -> memref<2000000xf32, #tpu.memory_space<hbm>>
    tpu.enqueue_indirect_dma source(%dma_start3A_204 : memref<2000000xf32, #tpu.memory_space<hbm>>) target(%dma_start3A_200 : memref<512xf32, #tpu.memory_space<vmem>>) offsets(%dma_start3A_202 : memref<512xi32, #tpu.memory_space<vmem>>) semaphore(%arg8 : memref<!tpu.dma_semaphore, #tpu.memory_space<semaphore_mem>>)
    %dma_start3A_205 = arith.constant 2560 : i32
    %dma_start3A_206 = tpu.memref_slice %arg7[%dma_start3A_205] : memref<4096xf32, #tpu.memory_space<vmem>> -> memref<512xf32, #tpu.memory_space<vmem>>
    %dma_start3A_207 = arith.constant 2560 : i32
    %dma_start3A_208 = tpu.memref_slice %arg6[%dma_start3A_207] : memref<4096xi32, #tpu.memory_space<vmem>> -> memref<512xi32, #tpu.memory_space<vmem>>
    %dma_start3A_209 = arith.constant 0 : i32
    %dma_start3A_210 = tpu.memref_slice %arg3[%dma_start3A_209] : memref<2000000xf32, #tpu.memory_space<hbm>> -> memref<2000000xf32, #tpu.memory_space<hbm>>
    tpu.enqueue_indirect_dma source(%dma_start3A_210 : memref<2000000xf32, #tpu.memory_space<hbm>>) target(%dma_start3A_206 : memref<512xf32, #tpu.memory_space<vmem>>) offsets(%dma_start3A_208 : memref<512xi32, #tpu.memory_space<vmem>>) semaphore(%arg8 : memref<!tpu.dma_semaphore, #tpu.memory_space<semaphore_mem>>)
    %dma_start3A_211 = arith.constant 3072 : i32
    %dma_start3A_212 = tpu.memref_slice %arg7[%dma_start3A_211] : memref<4096xf32, #tpu.memory_space<vmem>> -> memref<512xf32, #tpu.memory_space<vmem>>
    %dma_start3A_213 = arith.constant 3072 : i32
    %dma_start3A_214 = tpu.memref_slice %arg6[%dma_start3A_213] : memref<4096xi32, #tpu.memory_space<vmem>> -> memref<512xi32, #tpu.memory_space<vmem>>
    %dma_start3A_215 = arith.constant 0 : i32
    %dma_start3A_216 = tpu.memref_slice %arg4[%dma_start3A_215] : memref<200000xf32, #tpu.memory_space<hbm>> -> memref<200000xf32, #tpu.memory_space<hbm>>
    tpu.enqueue_indirect_dma source(%dma_start3A_216 : memref<200000xf32, #tpu.memory_space<hbm>>) target(%dma_start3A_212 : memref<512xf32, #tpu.memory_space<vmem>>) offsets(%dma_start3A_214 : memref<512xi32, #tpu.memory_space<vmem>>) semaphore(%arg8 : memref<!tpu.dma_semaphore, #tpu.memory_space<semaphore_mem>>)
    %dma_start3A_217 = arith.constant 3584 : i32
    %dma_start3A_218 = tpu.memref_slice %arg7[%dma_start3A_217] : memref<4096xf32, #tpu.memory_space<vmem>> -> memref<512xf32, #tpu.memory_space<vmem>>
    %dma_start3A_219 = arith.constant 3584 : i32
    %dma_start3A_220 = tpu.memref_slice %arg6[%dma_start3A_219] : memref<4096xi32, #tpu.memory_space<vmem>> -> memref<512xi32, #tpu.memory_space<vmem>>
    %dma_start3A_221 = arith.constant 0 : i32
    %dma_start3A_222 = tpu.memref_slice %arg4[%dma_start3A_221] : memref<200000xf32, #tpu.memory_space<hbm>> -> memref<200000xf32, #tpu.memory_space<hbm>>
    tpu.enqueue_indirect_dma source(%dma_start3A_222 : memref<200000xf32, #tpu.memory_space<hbm>>) target(%dma_start3A_218 : memref<512xf32, #tpu.memory_space<vmem>>) offsets(%dma_start3A_220 : memref<512xi32, #tpu.memory_space<vmem>>) semaphore(%arg8 : memref<!tpu.dma_semaphore, #tpu.memory_space<semaphore_mem>>)
    %dma_wait3A_223 = arith.constant 0 : i32
    %dma_wait3A_224 = tpu.memref_slice %arg7[%dma_wait3A_223] : memref<4096xf32, #tpu.memory_space<vmem>> -> memref<512xf32, #tpu.memory_space<vmem>>
    %dma_wait3A_225 = arith.constant 0 : i32
    %dma_wait3A_226 = tpu.memref_slice %arg6[%dma_wait3A_225] : memref<4096xi32, #tpu.memory_space<vmem>> -> memref<512xi32, #tpu.memory_space<vmem>>
    %dma_wait3A_227 = arith.constant 0 : i32
    %dma_wait3A_228 = tpu.memref_slice %arg3[%dma_wait3A_227] : memref<2000000xf32, #tpu.memory_space<hbm>> -> memref<2000000xf32, #tpu.memory_space<hbm>>
    tpu.wait_indirect_dma semaphore(%arg8 : memref<!tpu.dma_semaphore, #tpu.memory_space<semaphore_mem>>) src(%dma_wait3A_228 : memref<2000000xf32, #tpu.memory_space<hbm>>) dst(%dma_wait3A_224 : memref<512xf32, #tpu.memory_space<vmem>>)
    %dma_wait3A_229 = arith.constant 512 : i32
    %dma_wait3A_230 = tpu.memref_slice %arg7[%dma_wait3A_229] : memref<4096xf32, #tpu.memory_space<vmem>> -> memref<512xf32, #tpu.memory_space<vmem>>
    %dma_wait3A_231 = arith.constant 512 : i32
    %dma_wait3A_232 = tpu.memref_slice %arg6[%dma_wait3A_231] : memref<4096xi32, #tpu.memory_space<vmem>> -> memref<512xi32, #tpu.memory_space<vmem>>
    %dma_wait3A_233 = arith.constant 0 : i32
    %dma_wait3A_234 = tpu.memref_slice %arg3[%dma_wait3A_233] : memref<2000000xf32, #tpu.memory_space<hbm>> -> memref<2000000xf32, #tpu.memory_space<hbm>>
    tpu.wait_indirect_dma semaphore(%arg8 : memref<!tpu.dma_semaphore, #tpu.memory_space<semaphore_mem>>) src(%dma_wait3A_234 : memref<2000000xf32, #tpu.memory_space<hbm>>) dst(%dma_wait3A_230 : memref<512xf32, #tpu.memory_space<vmem>>)
    %dma_wait3A_235 = arith.constant 1024 : i32
    %dma_wait3A_236 = tpu.memref_slice %arg7[%dma_wait3A_235] : memref<4096xf32, #tpu.memory_space<vmem>> -> memref<512xf32, #tpu.memory_space<vmem>>
    %dma_wait3A_237 = arith.constant 1024 : i32
    %dma_wait3A_238 = tpu.memref_slice %arg6[%dma_wait3A_237] : memref<4096xi32, #tpu.memory_space<vmem>> -> memref<512xi32, #tpu.memory_space<vmem>>
    %dma_wait3A_239 = arith.constant 0 : i32
    %dma_wait3A_240 = tpu.memref_slice %arg3[%dma_wait3A_239] : memref<2000000xf32, #tpu.memory_space<hbm>> -> memref<2000000xf32, #tpu.memory_space<hbm>>
    tpu.wait_indirect_dma semaphore(%arg8 : memref<!tpu.dma_semaphore, #tpu.memory_space<semaphore_mem>>) src(%dma_wait3A_240 : memref<2000000xf32, #tpu.memory_space<hbm>>) dst(%dma_wait3A_236 : memref<512xf32, #tpu.memory_space<vmem>>)
    %dma_wait3A_241 = arith.constant 1536 : i32
    %dma_wait3A_242 = tpu.memref_slice %arg7[%dma_wait3A_241] : memref<4096xf32, #tpu.memory_space<vmem>> -> memref<512xf32, #tpu.memory_space<vmem>>
    %dma_wait3A_243 = arith.constant 1536 : i32
    %dma_wait3A_244 = tpu.memref_slice %arg6[%dma_wait3A_243] : memref<4096xi32, #tpu.memory_space<vmem>> -> memref<512xi32, #tpu.memory_space<vmem>>
    %dma_wait3A_245 = arith.constant 0 : i32
    %dma_wait3A_246 = tpu.memref_slice %arg3[%dma_wait3A_245] : memref<2000000xf32, #tpu.memory_space<hbm>> -> memref<2000000xf32, #tpu.memory_space<hbm>>
    tpu.wait_indirect_dma semaphore(%arg8 : memref<!tpu.dma_semaphore, #tpu.memory_space<semaphore_mem>>) src(%dma_wait3A_246 : memref<2000000xf32, #tpu.memory_space<hbm>>) dst(%dma_wait3A_242 : memref<512xf32, #tpu.memory_space<vmem>>)
    %dma_wait3A_247 = arith.constant 2048 : i32
    %dma_wait3A_248 = tpu.memref_slice %arg7[%dma_wait3A_247] : memref<4096xf32, #tpu.memory_space<vmem>> -> memref<512xf32, #tpu.memory_space<vmem>>
    %dma_wait3A_249 = arith.constant 2048 : i32
    %dma_wait3A_250 = tpu.memref_slice %arg6[%dma_wait3A_249] : memref<4096xi32, #tpu.memory_space<vmem>> -> memref<512xi32, #tpu.memory_space<vmem>>
    %dma_wait3A_251 = arith.constant 0 : i32
    %dma_wait3A_252 = tpu.memref_slice %arg3[%dma_wait3A_251] : memref<2000000xf32, #tpu.memory_space<hbm>> -> memref<2000000xf32, #tpu.memory_space<hbm>>
    tpu.wait_indirect_dma semaphore(%arg8 : memref<!tpu.dma_semaphore, #tpu.memory_space<semaphore_mem>>) src(%dma_wait3A_252 : memref<2000000xf32, #tpu.memory_space<hbm>>) dst(%dma_wait3A_248 : memref<512xf32, #tpu.memory_space<vmem>>)
    %dma_wait3A_253 = arith.constant 2560 : i32
    %dma_wait3A_254 = tpu.memref_slice %arg7[%dma_wait3A_253] : memref<4096xf32, #tpu.memory_space<vmem>> -> memref<512xf32, #tpu.memory_space<vmem>>
    %dma_wait3A_255 = arith.constant 2560 : i32
    %dma_wait3A_256 = tpu.memref_slice %arg6[%dma_wait3A_255] : memref<4096xi32, #tpu.memory_space<vmem>> -> memref<512xi32, #tpu.memory_space<vmem>>
    %dma_wait3A_257 = arith.constant 0 : i32
    %dma_wait3A_258 = tpu.memref_slice %arg3[%dma_wait3A_257] : memref<2000000xf32, #tpu.memory_space<hbm>> -> memref<2000000xf32, #tpu.memory_space<hbm>>
    tpu.wait_indirect_dma semaphore(%arg8 : memref<!tpu.dma_semaphore, #tpu.memory_space<semaphore_mem>>) src(%dma_wait3A_258 : memref<2000000xf32, #tpu.memory_space<hbm>>) dst(%dma_wait3A_254 : memref<512xf32, #tpu.memory_space<vmem>>)
    %dma_wait3A_259 = arith.constant 3072 : i32
    %dma_wait3A_260 = tpu.memref_slice %arg7[%dma_wait3A_259] : memref<4096xf32, #tpu.memory_space<vmem>> -> memref<512xf32, #tpu.memory_space<vmem>>
    %dma_wait3A_261 = arith.constant 3072 : i32
    %dma_wait3A_262 = tpu.memref_slice %arg6[%dma_wait3A_261] : memref<4096xi32, #tpu.memory_space<vmem>> -> memref<512xi32, #tpu.memory_space<vmem>>
    %dma_wait3A_263 = arith.constant 0 : i32
    %dma_wait3A_264 = tpu.memref_slice %arg4[%dma_wait3A_263] : memref<200000xf32, #tpu.memory_space<hbm>> -> memref<200000xf32, #tpu.memory_space<hbm>>
    tpu.wait_indirect_dma semaphore(%arg8 : memref<!tpu.dma_semaphore, #tpu.memory_space<semaphore_mem>>) src(%dma_wait3A_264 : memref<200000xf32, #tpu.memory_space<hbm>>) dst(%dma_wait3A_260 : memref<512xf32, #tpu.memory_space<vmem>>)
    %dma_wait3A_265 = arith.constant 3584 : i32
    %dma_wait3A_266 = tpu.memref_slice %arg7[%dma_wait3A_265] : memref<4096xf32, #tpu.memory_space<vmem>> -> memref<512xf32, #tpu.memory_space<vmem>>
    %dma_wait3A_267 = arith.constant 3584 : i32
    %dma_wait3A_268 = tpu.memref_slice %arg6[%dma_wait3A_267] : memref<4096xi32, #tpu.memory_space<vmem>> -> memref<512xi32, #tpu.memory_space<vmem>>
    %dma_wait3A_269 = arith.constant 0 : i32
    %dma_wait3A_270 = tpu.memref_slice %arg4[%dma_wait3A_269] : memref<200000xf32, #tpu.memory_space<hbm>> -> memref<200000xf32, #tpu.memory_space<hbm>>
    tpu.wait_indirect_dma semaphore(%arg8 : memref<!tpu.dma_semaphore, #tpu.memory_space<semaphore_mem>>) src(%dma_wait3A_270 : memref<200000xf32, #tpu.memory_space<hbm>>) dst(%dma_wait3A_266 : memref<512xf32, #tpu.memory_space<vmem>>)
    %dma_start3A_271 = arith.constant 0 : i32
    %dma_start3A_272 = arith.constant 0 : i32
    %dma_start3A_273 = tpu.memref_slice %arg7[%dma_start3A_272] : memref<4096xf32, #tpu.memory_space<vmem>> -> memref<512xf32, #tpu.memory_space<vmem>>
    %dma_start3A_274 = arith.constant 0 : i32
    %dma_start3A_275 = tpu.memref_slice %arg5[%dma_start3A_271, %add3A, %dma_start3A_274] : memref<8x32x512xf32, #tpu.memory_space<hbm>> -> memref<1x1x512xf32, #tpu.memory_space<hbm>>
    %dma_start3A_276 = tpu.memref_squeeze %dma_start3A_275 : memref<1x1x512xf32, #tpu.memory_space<hbm>> -> memref<512xf32, #tpu.memory_space<hbm>>
    %dma_start3A_277 = arith.constant 0 : i32
    %dma_start3A_278 = tpu.memref_slice %arg5[%dma_start3A_271, %add3A, %dma_start3A_277] : memref<8x32x512xf32, #tpu.memory_space<hbm>> -> memref<1x1x512xf32, #tpu.memory_space<hbm>>
    %dma_start3A_279 = tpu.memref_squeeze %dma_start3A_278 : memref<1x1x512xf32, #tpu.memory_space<hbm>> -> memref<512xf32, #tpu.memory_space<hbm>>
    %dma_start3A_280 = arith.constant 0 : i32
    %dma_start3A_281 = tpu.memref_slice %arg7[%dma_start3A_280] : memref<4096xf32, #tpu.memory_space<vmem>> -> memref<512xf32, #tpu.memory_space<vmem>>
    tpu.enqueue_dma source(%dma_start3A_281 : memref<512xf32, #tpu.memory_space<vmem>>) target(%dma_start3A_279 : memref<512xf32, #tpu.memory_space<hbm>>) target_semaphore(%arg8 : memref<!tpu.dma_semaphore, #tpu.memory_space<semaphore_mem>>)
    %dma_start3A_282 = arith.constant 1 : i32
    %dma_start3A_283 = arith.constant 512 : i32
    %dma_start3A_284 = tpu.memref_slice %arg7[%dma_start3A_283] : memref<4096xf32, #tpu.memory_space<vmem>> -> memref<512xf32, #tpu.memory_space<vmem>>
    %dma_start3A_285 = arith.constant 0 : i32
    %dma_start3A_286 = tpu.memref_slice %arg5[%dma_start3A_282, %add3A, %dma_start3A_285] : memref<8x32x512xf32, #tpu.memory_space<hbm>> -> memref<1x1x512xf32, #tpu.memory_space<hbm>>
    %dma_start3A_287 = tpu.memref_squeeze %dma_start3A_286 : memref<1x1x512xf32, #tpu.memory_space<hbm>> -> memref<512xf32, #tpu.memory_space<hbm>>
    %dma_start3A_288 = arith.constant 0 : i32
    %dma_start3A_289 = tpu.memref_slice %arg5[%dma_start3A_282, %add3A, %dma_start3A_288] : memref<8x32x512xf32, #tpu.memory_space<hbm>> -> memref<1x1x512xf32, #tpu.memory_space<hbm>>
    %dma_start3A_290 = tpu.memref_squeeze %dma_start3A_289 : memref<1x1x512xf32, #tpu.memory_space<hbm>> -> memref<512xf32, #tpu.memory_space<hbm>>
    %dma_start3A_291 = arith.constant 512 : i32
    %dma_start3A_292 = tpu.memref_slice %arg7[%dma_start3A_291] : memref<4096xf32, #tpu.memory_space<vmem>> -> memref<512xf32, #tpu.memory_space<vmem>>
    tpu.enqueue_dma source(%dma_start3A_292 : memref<512xf32, #tpu.memory_space<vmem>>) target(%dma_start3A_290 : memref<512xf32, #tpu.memory_space<hbm>>) target_semaphore(%arg8 : memref<!tpu.dma_semaphore, #tpu.memory_space<semaphore_mem>>)
    %dma_start3A_293 = arith.constant 2 : i32
    %dma_start3A_294 = arith.constant 1024 : i32
    %dma_start3A_295 = tpu.memref_slice %arg7[%dma_start3A_294] : memref<4096xf32, #tpu.memory_space<vmem>> -> memref<512xf32, #tpu.memory_space<vmem>>
    %dma_start3A_296 = arith.constant 0 : i32
    %dma_start3A_297 = tpu.memref_slice %arg5[%dma_start3A_293, %add3A, %dma_start3A_296] : memref<8x32x512xf32, #tpu.memory_space<hbm>> -> memref<1x1x512xf32, #tpu.memory_space<hbm>>
    %dma_start3A_298 = tpu.memref_squeeze %dma_start3A_297 : memref<1x1x512xf32, #tpu.memory_space<hbm>> -> memref<512xf32, #tpu.memory_space<hbm>>
    %dma_start3A_299 = arith.constant 0 : i32
    %dma_start3A_300 = tpu.memref_slice %arg5[%dma_start3A_293, %add3A, %dma_start3A_299] : memref<8x32x512xf32, #tpu.memory_space<hbm>> -> memref<1x1x512xf32, #tpu.memory_space<hbm>>
    %dma_start3A_301 = tpu.memref_squeeze %dma_start3A_300 : memref<1x1x512xf32, #tpu.memory_space<hbm>> -> memref<512xf32, #tpu.memory_space<hbm>>
    %dma_start3A_302 = arith.constant 1024 : i32
    %dma_start3A_303 = tpu.memref_slice %arg7[%dma_start3A_302] : memref<4096xf32, #tpu.memory_space<vmem>> -> memref<512xf32, #tpu.memory_space<vmem>>
    tpu.enqueue_dma source(%dma_start3A_303 : memref<512xf32, #tpu.memory_space<vmem>>) target(%dma_start3A_301 : memref<512xf32, #tpu.memory_space<hbm>>) target_semaphore(%arg8 : memref<!tpu.dma_semaphore, #tpu.memory_space<semaphore_mem>>)
    %dma_start3A_304 = arith.constant 3 : i32
    %dma_start3A_305 = arith.constant 1536 : i32
    %dma_start3A_306 = tpu.memref_slice %arg7[%dma_start3A_305] : memref<4096xf32, #tpu.memory_space<vmem>> -> memref<512xf32, #tpu.memory_space<vmem>>
    %dma_start3A_307 = arith.constant 0 : i32
    %dma_start3A_308 = tpu.memref_slice %arg5[%dma_start3A_304, %add3A, %dma_start3A_307] : memref<8x32x512xf32, #tpu.memory_space<hbm>> -> memref<1x1x512xf32, #tpu.memory_space<hbm>>
    %dma_start3A_309 = tpu.memref_squeeze %dma_start3A_308 : memref<1x1x512xf32, #tpu.memory_space<hbm>> -> memref<512xf32, #tpu.memory_space<hbm>>
    %dma_start3A_310 = arith.constant 0 : i32
    %dma_start3A_311 = tpu.memref_slice %arg5[%dma_start3A_304, %add3A, %dma_start3A_310] : memref<8x32x512xf32, #tpu.memory_space<hbm>> -> memref<1x1x512xf32, #tpu.memory_space<hbm>>
    %dma_start3A_312 = tpu.memref_squeeze %dma_start3A_311 : memref<1x1x512xf32, #tpu.memory_space<hbm>> -> memref<512xf32, #tpu.memory_space<hbm>>
    %dma_start3A_313 = arith.constant 1536 : i32
    %dma_start3A_314 = tpu.memref_slice %arg7[%dma_start3A_313] : memref<4096xf32, #tpu.memory_space<vmem>> -> memref<512xf32, #tpu.memory_space<vmem>>
    tpu.enqueue_dma source(%dma_start3A_314 : memref<512xf32, #tpu.memory_space<vmem>>) target(%dma_start3A_312 : memref<512xf32, #tpu.memory_space<hbm>>) target_semaphore(%arg8 : memref<!tpu.dma_semaphore, #tpu.memory_space<semaphore_mem>>)
    %dma_start3A_315 = arith.constant 4 : i32
    %dma_start3A_316 = arith.constant 2048 : i32
    %dma_start3A_317 = tpu.memref_slice %arg7[%dma_start3A_316] : memref<4096xf32, #tpu.memory_space<vmem>> -> memref<512xf32, #tpu.memory_space<vmem>>
    %dma_start3A_318 = arith.constant 0 : i32
    %dma_start3A_319 = tpu.memref_slice %arg5[%dma_start3A_315, %add3A, %dma_start3A_318] : memref<8x32x512xf32, #tpu.memory_space<hbm>> -> memref<1x1x512xf32, #tpu.memory_space<hbm>>
    %dma_start3A_320 = tpu.memref_squeeze %dma_start3A_319 : memref<1x1x512xf32, #tpu.memory_space<hbm>> -> memref<512xf32, #tpu.memory_space<hbm>>
    %dma_start3A_321 = arith.constant 0 : i32
    %dma_start3A_322 = tpu.memref_slice %arg5[%dma_start3A_315, %add3A, %dma_start3A_321] : memref<8x32x512xf32, #tpu.memory_space<hbm>> -> memref<1x1x512xf32, #tpu.memory_space<hbm>>
    %dma_start3A_323 = tpu.memref_squeeze %dma_start3A_322 : memref<1x1x512xf32, #tpu.memory_space<hbm>> -> memref<512xf32, #tpu.memory_space<hbm>>
    %dma_start3A_324 = arith.constant 2048 : i32
    %dma_start3A_325 = tpu.memref_slice %arg7[%dma_start3A_324] : memref<4096xf32, #tpu.memory_space<vmem>> -> memref<512xf32, #tpu.memory_space<vmem>>
    tpu.enqueue_dma source(%dma_start3A_325 : memref<512xf32, #tpu.memory_space<vmem>>) target(%dma_start3A_323 : memref<512xf32, #tpu.memory_space<hbm>>) target_semaphore(%arg8 : memref<!tpu.dma_semaphore, #tpu.memory_space<semaphore_mem>>)
    %dma_start3A_326 = arith.constant 5 : i32
    %dma_start3A_327 = arith.constant 2560 : i32
    %dma_start3A_328 = tpu.memref_slice %arg7[%dma_start3A_327] : memref<4096xf32, #tpu.memory_space<vmem>> -> memref<512xf32, #tpu.memory_space<vmem>>
    %dma_start3A_329 = arith.constant 0 : i32
    %dma_start3A_330 = tpu.memref_slice %arg5[%dma_start3A_326, %add3A, %dma_start3A_329] : memref<8x32x512xf32, #tpu.memory_space<hbm>> -> memref<1x1x512xf32, #tpu.memory_space<hbm>>
    %dma_start3A_331 = tpu.memref_squeeze %dma_start3A_330 : memref<1x1x512xf32, #tpu.memory_space<hbm>> -> memref<512xf32, #tpu.memory_space<hbm>>
    %dma_start3A_332 = arith.constant 0 : i32
    %dma_start3A_333 = tpu.memref_slice %arg5[%dma_start3A_326, %add3A, %dma_start3A_332] : memref<8x32x512xf32, #tpu.memory_space<hbm>> -> memref<1x1x512xf32, #tpu.memory_space<hbm>>
    %dma_start3A_334 = tpu.memref_squeeze %dma_start3A_333 : memref<1x1x512xf32, #tpu.memory_space<hbm>> -> memref<512xf32, #tpu.memory_space<hbm>>
    %dma_start3A_335 = arith.constant 2560 : i32
    %dma_start3A_336 = tpu.memref_slice %arg7[%dma_start3A_335] : memref<4096xf32, #tpu.memory_space<vmem>> -> memref<512xf32, #tpu.memory_space<vmem>>
    tpu.enqueue_dma source(%dma_start3A_336 : memref<512xf32, #tpu.memory_space<vmem>>) target(%dma_start3A_334 : memref<512xf32, #tpu.memory_space<hbm>>) target_semaphore(%arg8 : memref<!tpu.dma_semaphore, #tpu.memory_space<semaphore_mem>>)
    %dma_start3A_337 = arith.constant 6 : i32
    %dma_start3A_338 = arith.constant 3072 : i32
    %dma_start3A_339 = tpu.memref_slice %arg7[%dma_start3A_338] : memref<4096xf32, #tpu.memory_space<vmem>> -> memref<512xf32, #tpu.memory_space<vmem>>
    %dma_start3A_340 = arith.constant 0 : i32
    %dma_start3A_341 = tpu.memref_slice %arg5[%dma_start3A_337, %add3A, %dma_start3A_340] : memref<8x32x512xf32, #tpu.memory_space<hbm>> -> memref<1x1x512xf32, #tpu.memory_space<hbm>>
    %dma_start3A_342 = tpu.memref_squeeze %dma_start3A_341 : memref<1x1x512xf32, #tpu.memory_space<hbm>> -> memref<512xf32, #tpu.memory_space<hbm>>
    %dma_start3A_343 = arith.constant 0 : i32
    %dma_start3A_344 = tpu.memref_slice %arg5[%dma_start3A_337, %add3A, %dma_start3A_343] : memref<8x32x512xf32, #tpu.memory_space<hbm>> -> memref<1x1x512xf32, #tpu.memory_space<hbm>>
    %dma_start3A_345 = tpu.memref_squeeze %dma_start3A_344 : memref<1x1x512xf32, #tpu.memory_space<hbm>> -> memref<512xf32, #tpu.memory_space<hbm>>
    %dma_start3A_346 = arith.constant 3072 : i32
    %dma_start3A_347 = tpu.memref_slice %arg7[%dma_start3A_346] : memref<4096xf32, #tpu.memory_space<vmem>> -> memref<512xf32, #tpu.memory_space<vmem>>
    tpu.enqueue_dma source(%dma_start3A_347 : memref<512xf32, #tpu.memory_space<vmem>>) target(%dma_start3A_345 : memref<512xf32, #tpu.memory_space<hbm>>) target_semaphore(%arg8 : memref<!tpu.dma_semaphore, #tpu.memory_space<semaphore_mem>>)
    %dma_start3A_348 = arith.constant 7 : i32
    %dma_start3A_349 = arith.constant 3584 : i32
    %dma_start3A_350 = tpu.memref_slice %arg7[%dma_start3A_349] : memref<4096xf32, #tpu.memory_space<vmem>> -> memref<512xf32, #tpu.memory_space<vmem>>
    %dma_start3A_351 = arith.constant 0 : i32
    %dma_start3A_352 = tpu.memref_slice %arg5[%dma_start3A_348, %add3A, %dma_start3A_351] : memref<8x32x512xf32, #tpu.memory_space<hbm>> -> memref<1x1x512xf32, #tpu.memory_space<hbm>>
    %dma_start3A_353 = tpu.memref_squeeze %dma_start3A_352 : memref<1x1x512xf32, #tpu.memory_space<hbm>> -> memref<512xf32, #tpu.memory_space<hbm>>
    %dma_start3A_354 = arith.constant 0 : i32
    %dma_start3A_355 = tpu.memref_slice %arg5[%dma_start3A_348, %add3A, %dma_start3A_354] : memref<8x32x512xf32, #tpu.memory_space<hbm>> -> memref<1x1x512xf32, #tpu.memory_space<hbm>>
    %dma_start3A_356 = tpu.memref_squeeze %dma_start3A_355 : memref<1x1x512xf32, #tpu.memory_space<hbm>> -> memref<512xf32, #tpu.memory_space<hbm>>
    %dma_start3A_357 = arith.constant 3584 : i32
    %dma_start3A_358 = tpu.memref_slice %arg7[%dma_start3A_357] : memref<4096xf32, #tpu.memory_space<vmem>> -> memref<512xf32, #tpu.memory_space<vmem>>
    tpu.enqueue_dma source(%dma_start3A_358 : memref<512xf32, #tpu.memory_space<vmem>>) target(%dma_start3A_356 : memref<512xf32, #tpu.memory_space<hbm>>) target_semaphore(%arg8 : memref<!tpu.dma_semaphore, #tpu.memory_space<semaphore_mem>>)
    %dma_wait3A_359 = arith.constant 0 : i32
    %dma_wait3A_360 = arith.constant 0 : i32
    %dma_wait3A_361 = tpu.memref_slice %arg7[%dma_wait3A_360] : memref<4096xf32, #tpu.memory_space<vmem>> -> memref<512xf32, #tpu.memory_space<vmem>>
    %dma_wait3A_362 = arith.constant 0 : i32
    %dma_wait3A_363 = tpu.memref_slice %arg5[%dma_wait3A_359, %add3A, %dma_wait3A_362] : memref<8x32x512xf32, #tpu.memory_space<hbm>> -> memref<1x1x512xf32, #tpu.memory_space<hbm>>
    %dma_wait3A_364 = tpu.memref_squeeze %dma_wait3A_363 : memref<1x1x512xf32, #tpu.memory_space<hbm>> -> memref<512xf32, #tpu.memory_space<hbm>>
    %dma_wait3A_365 = arith.constant 0 : i32
    %dma_wait3A_366 = tpu.memref_slice %arg5[%dma_wait3A_359, %add3A, %dma_wait3A_365] : memref<8x32x512xf32, #tpu.memory_space<hbm>> -> memref<1x1x512xf32, #tpu.memory_space<hbm>>
    %dma_wait3A_367 = tpu.memref_squeeze %dma_wait3A_366 : memref<1x1x512xf32, #tpu.memory_space<hbm>> -> memref<512xf32, #tpu.memory_space<hbm>>
    %dma_wait3A_368 = arith.constant 0 : i32
    %dma_wait3A_369 = tpu.memref_slice %arg7[%dma_wait3A_368] : memref<4096xf32, #tpu.memory_space<vmem>> -> memref<512xf32, #tpu.memory_space<vmem>>
    tpu.wait_dma2 semaphore(%arg8 : memref<!tpu.dma_semaphore, #tpu.memory_space<semaphore_mem>>) src(%dma_wait3A_369 : memref<512xf32, #tpu.memory_space<vmem>>) dst(%dma_wait3A_367 : memref<512xf32, #tpu.memory_space<hbm>>)
    %dma_wait3A_370 = arith.constant 1 : i32
    %dma_wait3A_371 = arith.constant 512 : i32
    %dma_wait3A_372 = tpu.memref_slice %arg7[%dma_wait3A_371] : memref<4096xf32, #tpu.memory_space<vmem>> -> memref<512xf32, #tpu.memory_space<vmem>>
    %dma_wait3A_373 = arith.constant 0 : i32
    %dma_wait3A_374 = tpu.memref_slice %arg5[%dma_wait3A_370, %add3A, %dma_wait3A_373] : memref<8x32x512xf32, #tpu.memory_space<hbm>> -> memref<1x1x512xf32, #tpu.memory_space<hbm>>
    %dma_wait3A_375 = tpu.memref_squeeze %dma_wait3A_374 : memref<1x1x512xf32, #tpu.memory_space<hbm>> -> memref<512xf32, #tpu.memory_space<hbm>>
    %dma_wait3A_376 = arith.constant 0 : i32
    %dma_wait3A_377 = tpu.memref_slice %arg5[%dma_wait3A_370, %add3A, %dma_wait3A_376] : memref<8x32x512xf32, #tpu.memory_space<hbm>> -> memref<1x1x512xf32, #tpu.memory_space<hbm>>
    %dma_wait3A_378 = tpu.memref_squeeze %dma_wait3A_377 : memref<1x1x512xf32, #tpu.memory_space<hbm>> -> memref<512xf32, #tpu.memory_space<hbm>>
    %dma_wait3A_379 = arith.constant 512 : i32
    %dma_wait3A_380 = tpu.memref_slice %arg7[%dma_wait3A_379] : memref<4096xf32, #tpu.memory_space<vmem>> -> memref<512xf32, #tpu.memory_space<vmem>>
    tpu.wait_dma2 semaphore(%arg8 : memref<!tpu.dma_semaphore, #tpu.memory_space<semaphore_mem>>) src(%dma_wait3A_380 : memref<512xf32, #tpu.memory_space<vmem>>) dst(%dma_wait3A_378 : memref<512xf32, #tpu.memory_space<hbm>>)
    %dma_wait3A_381 = arith.constant 2 : i32
    %dma_wait3A_382 = arith.constant 1024 : i32
    %dma_wait3A_383 = tpu.memref_slice %arg7[%dma_wait3A_382] : memref<4096xf32, #tpu.memory_space<vmem>> -> memref<512xf32, #tpu.memory_space<vmem>>
    %dma_wait3A_384 = arith.constant 0 : i32
    %dma_wait3A_385 = tpu.memref_slice %arg5[%dma_wait3A_381, %add3A, %dma_wait3A_384] : memref<8x32x512xf32, #tpu.memory_space<hbm>> -> memref<1x1x512xf32, #tpu.memory_space<hbm>>
    %dma_wait3A_386 = tpu.memref_squeeze %dma_wait3A_385 : memref<1x1x512xf32, #tpu.memory_space<hbm>> -> memref<512xf32, #tpu.memory_space<hbm>>
    %dma_wait3A_387 = arith.constant 0 : i32
    %dma_wait3A_388 = tpu.memref_slice %arg5[%dma_wait3A_381, %add3A, %dma_wait3A_387] : memref<8x32x512xf32, #tpu.memory_space<hbm>> -> memref<1x1x512xf32, #tpu.memory_space<hbm>>
    %dma_wait3A_389 = tpu.memref_squeeze %dma_wait3A_388 : memref<1x1x512xf32, #tpu.memory_space<hbm>> -> memref<512xf32, #tpu.memory_space<hbm>>
    %dma_wait3A_390 = arith.constant 1024 : i32
    %dma_wait3A_391 = tpu.memref_slice %arg7[%dma_wait3A_390] : memref<4096xf32, #tpu.memory_space<vmem>> -> memref<512xf32, #tpu.memory_space<vmem>>
    tpu.wait_dma2 semaphore(%arg8 : memref<!tpu.dma_semaphore, #tpu.memory_space<semaphore_mem>>) src(%dma_wait3A_391 : memref<512xf32, #tpu.memory_space<vmem>>) dst(%dma_wait3A_389 : memref<512xf32, #tpu.memory_space<hbm>>)
    %dma_wait3A_392 = arith.constant 3 : i32
    %dma_wait3A_393 = arith.constant 1536 : i32
    %dma_wait3A_394 = tpu.memref_slice %arg7[%dma_wait3A_393] : memref<4096xf32, #tpu.memory_space<vmem>> -> memref<512xf32, #tpu.memory_space<vmem>>
    %dma_wait3A_395 = arith.constant 0 : i32
    %dma_wait3A_396 = tpu.memref_slice %arg5[%dma_wait3A_392, %add3A, %dma_wait3A_395] : memref<8x32x512xf32, #tpu.memory_space<hbm>> -> memref<1x1x512xf32, #tpu.memory_space<hbm>>
    %dma_wait3A_397 = tpu.memref_squeeze %dma_wait3A_396 : memref<1x1x512xf32, #tpu.memory_space<hbm>> -> memref<512xf32, #tpu.memory_space<hbm>>
    %dma_wait3A_398 = arith.constant 0 : i32
    %dma_wait3A_399 = tpu.memref_slice %arg5[%dma_wait3A_392, %add3A, %dma_wait3A_398] : memref<8x32x512xf32, #tpu.memory_space<hbm>> -> memref<1x1x512xf32, #tpu.memory_space<hbm>>
    %dma_wait3A_400 = tpu.memref_squeeze %dma_wait3A_399 : memref<1x1x512xf32, #tpu.memory_space<hbm>> -> memref<512xf32, #tpu.memory_space<hbm>>
    %dma_wait3A_401 = arith.constant 1536 : i32
    %dma_wait3A_402 = tpu.memref_slice %arg7[%dma_wait3A_401] : memref<4096xf32, #tpu.memory_space<vmem>> -> memref<512xf32, #tpu.memory_space<vmem>>
    tpu.wait_dma2 semaphore(%arg8 : memref<!tpu.dma_semaphore, #tpu.memory_space<semaphore_mem>>) src(%dma_wait3A_402 : memref<512xf32, #tpu.memory_space<vmem>>) dst(%dma_wait3A_400 : memref<512xf32, #tpu.memory_space<hbm>>)
    %dma_wait3A_403 = arith.constant 4 : i32
    %dma_wait3A_404 = arith.constant 2048 : i32
    %dma_wait3A_405 = tpu.memref_slice %arg7[%dma_wait3A_404] : memref<4096xf32, #tpu.memory_space<vmem>> -> memref<512xf32, #tpu.memory_space<vmem>>
    %dma_wait3A_406 = arith.constant 0 : i32
    %dma_wait3A_407 = tpu.memref_slice %arg5[%dma_wait3A_403, %add3A, %dma_wait3A_406] : memref<8x32x512xf32, #tpu.memory_space<hbm>> -> memref<1x1x512xf32, #tpu.memory_space<hbm>>
    %dma_wait3A_408 = tpu.memref_squeeze %dma_wait3A_407 : memref<1x1x512xf32, #tpu.memory_space<hbm>> -> memref<512xf32, #tpu.memory_space<hbm>>
    %dma_wait3A_409 = arith.constant 0 : i32
    %dma_wait3A_410 = tpu.memref_slice %arg5[%dma_wait3A_403, %add3A, %dma_wait3A_409] : memref<8x32x512xf32, #tpu.memory_space<hbm>> -> memref<1x1x512xf32, #tpu.memory_space<hbm>>
    %dma_wait3A_411 = tpu.memref_squeeze %dma_wait3A_410 : memref<1x1x512xf32, #tpu.memory_space<hbm>> -> memref<512xf32, #tpu.memory_space<hbm>>
    %dma_wait3A_412 = arith.constant 2048 : i32
    %dma_wait3A_413 = tpu.memref_slice %arg7[%dma_wait3A_412] : memref<4096xf32, #tpu.memory_space<vmem>> -> memref<512xf32, #tpu.memory_space<vmem>>
    tpu.wait_dma2 semaphore(%arg8 : memref<!tpu.dma_semaphore, #tpu.memory_space<semaphore_mem>>) src(%dma_wait3A_413 : memref<512xf32, #tpu.memory_space<vmem>>) dst(%dma_wait3A_411 : memref<512xf32, #tpu.memory_space<hbm>>)
    %dma_wait3A_414 = arith.constant 5 : i32
    %dma_wait3A_415 = arith.constant 2560 : i32
    %dma_wait3A_416 = tpu.memref_slice %arg7[%dma_wait3A_415] : memref<4096xf32, #tpu.memory_space<vmem>> -> memref<512xf32, #tpu.memory_space<vmem>>
    %dma_wait3A_417 = arith.constant 0 : i32
    %dma_wait3A_418 = tpu.memref_slice %arg5[%dma_wait3A_414, %add3A, %dma_wait3A_417] : memref<8x32x512xf32, #tpu.memory_space<hbm>> -> memref<1x1x512xf32, #tpu.memory_space<hbm>>
    %dma_wait3A_419 = tpu.memref_squeeze %dma_wait3A_418 : memref<1x1x512xf32, #tpu.memory_space<hbm>> -> memref<512xf32, #tpu.memory_space<hbm>>
    %dma_wait3A_420 = arith.constant 0 : i32
    %dma_wait3A_421 = tpu.memref_slice %arg5[%dma_wait3A_414, %add3A, %dma_wait3A_420] : memref<8x32x512xf32, #tpu.memory_space<hbm>> -> memref<1x1x512xf32, #tpu.memory_space<hbm>>
    %dma_wait3A_422 = tpu.memref_squeeze %dma_wait3A_421 : memref<1x1x512xf32, #tpu.memory_space<hbm>> -> memref<512xf32, #tpu.memory_space<hbm>>
    %dma_wait3A_423 = arith.constant 2560 : i32
    %dma_wait3A_424 = tpu.memref_slice %arg7[%dma_wait3A_423] : memref<4096xf32, #tpu.memory_space<vmem>> -> memref<512xf32, #tpu.memory_space<vmem>>
    tpu.wait_dma2 semaphore(%arg8 : memref<!tpu.dma_semaphore, #tpu.memory_space<semaphore_mem>>) src(%dma_wait3A_424 : memref<512xf32, #tpu.memory_space<vmem>>) dst(%dma_wait3A_422 : memref<512xf32, #tpu.memory_space<hbm>>)
    %dma_wait3A_425 = arith.constant 6 : i32
    %dma_wait3A_426 = arith.constant 3072 : i32
    %dma_wait3A_427 = tpu.memref_slice %arg7[%dma_wait3A_426] : memref<4096xf32, #tpu.memory_space<vmem>> -> memref<512xf32, #tpu.memory_space<vmem>>
    %dma_wait3A_428 = arith.constant 0 : i32
    %dma_wait3A_429 = tpu.memref_slice %arg5[%dma_wait3A_425, %add3A, %dma_wait3A_428] : memref<8x32x512xf32, #tpu.memory_space<hbm>> -> memref<1x1x512xf32, #tpu.memory_space<hbm>>
    %dma_wait3A_430 = tpu.memref_squeeze %dma_wait3A_429 : memref<1x1x512xf32, #tpu.memory_space<hbm>> -> memref<512xf32, #tpu.memory_space<hbm>>
    %dma_wait3A_431 = arith.constant 0 : i32
    %dma_wait3A_432 = tpu.memref_slice %arg5[%dma_wait3A_425, %add3A, %dma_wait3A_431] : memref<8x32x512xf32, #tpu.memory_space<hbm>> -> memref<1x1x512xf32, #tpu.memory_space<hbm>>
    %dma_wait3A_433 = tpu.memref_squeeze %dma_wait3A_432 : memref<1x1x512xf32, #tpu.memory_space<hbm>> -> memref<512xf32, #tpu.memory_space<hbm>>
    %dma_wait3A_434 = arith.constant 3072 : i32
    %dma_wait3A_435 = tpu.memref_slice %arg7[%dma_wait3A_434] : memref<4096xf32, #tpu.memory_space<vmem>> -> memref<512xf32, #tpu.memory_space<vmem>>
    tpu.wait_dma2 semaphore(%arg8 : memref<!tpu.dma_semaphore, #tpu.memory_space<semaphore_mem>>) src(%dma_wait3A_435 : memref<512xf32, #tpu.memory_space<vmem>>) dst(%dma_wait3A_433 : memref<512xf32, #tpu.memory_space<hbm>>)
    %dma_wait3A_436 = arith.constant 7 : i32
    %dma_wait3A_437 = arith.constant 3584 : i32
    %dma_wait3A_438 = tpu.memref_slice %arg7[%dma_wait3A_437] : memref<4096xf32, #tpu.memory_space<vmem>> -> memref<512xf32, #tpu.memory_space<vmem>>
    %dma_wait3A_439 = arith.constant 0 : i32
    %dma_wait3A_440 = tpu.memref_slice %arg5[%dma_wait3A_436, %add3A, %dma_wait3A_439] : memref<8x32x512xf32, #tpu.memory_space<hbm>> -> memref<1x1x512xf32, #tpu.memory_space<hbm>>
    %dma_wait3A_441 = tpu.memref_squeeze %dma_wait3A_440 : memref<1x1x512xf32, #tpu.memory_space<hbm>> -> memref<512xf32, #tpu.memory_space<hbm>>
    %dma_wait3A_442 = arith.constant 0 : i32
    %dma_wait3A_443 = tpu.memref_slice %arg5[%dma_wait3A_436, %add3A, %dma_wait3A_442] : memref<8x32x512xf32, #tpu.memory_space<hbm>> -> memref<1x1x512xf32, #tpu.memory_space<hbm>>
    %dma_wait3A_444 = tpu.memref_squeeze %dma_wait3A_443 : memref<1x1x512xf32, #tpu.memory_space<hbm>> -> memref<512xf32, #tpu.memory_space<hbm>>
    %dma_wait3A_445 = arith.constant 3584 : i32
    %dma_wait3A_446 = tpu.memref_slice %arg7[%dma_wait3A_445] : memref<4096xf32, #tpu.memory_space<vmem>> -> memref<512xf32, #tpu.memory_space<vmem>>
    tpu.wait_dma2 semaphore(%arg8 : memref<!tpu.dma_semaphore, #tpu.memory_space<semaphore_mem>>) src(%dma_wait3A_446 : memref<512xf32, #tpu.memory_space<vmem>>) dst(%dma_wait3A_444 : memref<512xf32, #tpu.memory_space<hbm>>)
    return
  }
}

module attributes {stable_mosaic.version = 14 : i64} {
  func.func @_mlp_body(%arg0: memref<8x128x128xf32, #tpu.memory_space<vmem>>, %arg1: memref<128x128xi32, #tpu.memory_space<vmem>>, %arg2: memref<2x1xf32, #tpu.memory_space<vmem>>, %arg3: memref<9x20xf32, #tpu.memory_space<vmem>>, %arg4: memref<1x20xf32, #tpu.memory_space<vmem>>, %arg5: memref<20x2xf32, #tpu.memory_space<vmem>>, %arg6: memref<1x2xf32, #tpu.memory_space<vmem>>, %arg7: memref<2x128x128xf32, #tpu.memory_space<vmem>>) attributes {dimension_semantics = [], scalar_prefetch = 0 : i64, scratch_operands = 0 : i64, tpu.core_type = #tpu.core_type<tc>} {
    %get3A = arith.constant 0 : index
    %get3A_0 = arith.constant 0 : index
    %get3A_1 = arith.constant 0 : index
    %get3A_2 = vector.load %arg0[%get3A, %get3A_0, %get3A_1] : memref<8x128x128xf32, #tpu.memory_space<vmem>>, vector<1x128x128xf32>
    %get3A_3 = vector.shape_cast %get3A_2 : vector<1x128x128xf32> to vector<128x128xf32>
    %get3A_4 = arith.constant 3 : index
    %get3A_5 = arith.constant 0 : index
    %get3A_6 = arith.constant 0 : index
    %get3A_7 = vector.load %arg0[%get3A_4, %get3A_5, %get3A_6] : memref<8x128x128xf32, #tpu.memory_space<vmem>>, vector<1x128x128xf32>
    %get3A_8 = vector.shape_cast %get3A_7 : vector<1x128x128xf32> to vector<128x128xf32>
    %get3A_9 = arith.constant 1 : index
    %get3A_10 = arith.constant 0 : index
    %get3A_11 = arith.constant 0 : index
    %get3A_12 = vector.load %arg0[%get3A_9, %get3A_10, %get3A_11] : memref<8x128x128xf32, #tpu.memory_space<vmem>>, vector<1x128x128xf32>
    %get3A_13 = vector.shape_cast %get3A_12 : vector<1x128x128xf32> to vector<128x128xf32>
    %get3A_14 = arith.constant 4 : index
    %get3A_15 = arith.constant 0 : index
    %get3A_16 = arith.constant 0 : index
    %get3A_17 = vector.load %arg0[%get3A_14, %get3A_15, %get3A_16] : memref<8x128x128xf32, #tpu.memory_space<vmem>>, vector<1x128x128xf32>
    %get3A_18 = vector.shape_cast %get3A_17 : vector<1x128x128xf32> to vector<128x128xf32>
    %get3A_19 = arith.constant 2 : index
    %get3A_20 = arith.constant 0 : index
    %get3A_21 = arith.constant 0 : index
    %get3A_22 = vector.load %arg0[%get3A_19, %get3A_20, %get3A_21] : memref<8x128x128xf32, #tpu.memory_space<vmem>>, vector<1x128x128xf32>
    %get3A_23 = vector.shape_cast %get3A_22 : vector<1x128x128xf32> to vector<128x128xf32>
    %get3A_24 = arith.constant 5 : index
    %get3A_25 = arith.constant 0 : index
    %get3A_26 = arith.constant 0 : index
    %get3A_27 = vector.load %arg0[%get3A_24, %get3A_25, %get3A_26] : memref<8x128x128xf32, #tpu.memory_space<vmem>>, vector<1x128x128xf32>
    %get3A_28 = vector.shape_cast %get3A_27 : vector<1x128x128xf32> to vector<128x128xf32>
    %get3A_29 = arith.constant 6 : index
    %get3A_30 = arith.constant 0 : index
    %get3A_31 = arith.constant 0 : index
    %get3A_32 = vector.load %arg0[%get3A_29, %get3A_30, %get3A_31] : memref<8x128x128xf32, #tpu.memory_space<vmem>>, vector<1x128x128xf32>
    %get3A_33 = vector.shape_cast %get3A_32 : vector<1x128x128xf32> to vector<128x128xf32>
    %get3A_34 = arith.constant 7 : index
    %get3A_35 = arith.constant 0 : index
    %get3A_36 = arith.constant 0 : index
    %get3A_37 = vector.load %arg0[%get3A_34, %get3A_35, %get3A_36] : memref<8x128x128xf32, #tpu.memory_space<vmem>>, vector<1x128x128xf32>
    %get3A_38 = vector.shape_cast %get3A_37 : vector<1x128x128xf32> to vector<128x128xf32>
    %get3A_39 = arith.constant 0 : index
    %get3A_40 = arith.constant 0 : index
    %get3A_41 = vector.load %arg1[%get3A_39, %get3A_40] : memref<128x128xi32, #tpu.memory_space<vmem>>, vector<128x128xi32>
    %convert_element_type3A = arith.sitofp %get3A_41 : vector<128x128xi32> to vector<128x128xf32>
    %get3A_42 = arith.constant 0 : index
    %get3A_43 = arith.constant 0 : index
    %get3A_44 = vector.load %arg2[%get3A_42, %get3A_43] : memref<2x1xf32, #tpu.memory_space<vmem>>, vector<1x1xf32>
    %get3A_45 = vector.extract %get3A_44[0, 0] : f32 from vector<1x1xf32>
    %get3A_46 = arith.constant 1 : index
    %get3A_47 = arith.constant 0 : index
    %get3A_48 = vector.load %arg2[%get3A_46, %get3A_47] : memref<2x1xf32, #tpu.memory_space<vmem>>, vector<1x1xf32>
    %get3A_49 = vector.extract %get3A_48[0, 0] : f32 from vector<1x1xf32>
    %sub3A = arith.subf %get3A_49, %get3A_45 : f32
    %mul3A = vector.broadcast %sub3A : f32 to vector<128x128xf32>
    %mul3A_50 = arith.mulf %mul3A, %convert_element_type3A : vector<128x128xf32>
    %add3A = vector.broadcast %get3A_45 : f32 to vector<128x128xf32>
    %add3A_51 = arith.addf %add3A, %mul3A_50 : vector<128x128xf32>
    %get3A_52 = arith.constant 0 : index
    %get3A_53 = arith.constant 0 : index
    %get3A_54 = vector.load %arg4[%get3A_52, %get3A_53] : memref<1x20xf32, #tpu.memory_space<vmem>>, vector<1x1xf32>
    %get3A_55 = vector.extract %get3A_54[0, 0] : f32 from vector<1x1xf32>
    %get3A_56 = arith.constant 0 : index
    %get3A_57 = arith.constant 0 : index
    %get3A_58 = vector.load %arg3[%get3A_56, %get3A_57] : memref<9x20xf32, #tpu.memory_space<vmem>>, vector<1x1xf32>
    %get3A_59 = vector.extract %get3A_58[0, 0] : f32 from vector<1x1xf32>
    %mul3A_60 = vector.broadcast %get3A_59 : f32 to vector<128x128xf32>
    %mul3A_61 = arith.mulf %get3A_3, %mul3A_60 : vector<128x128xf32>
    %add3A_62 = vector.broadcast %get3A_55 : f32 to vector<128x128xf32>
    %add3A_63 = arith.addf %add3A_62, %mul3A_61 : vector<128x128xf32>
    %get3A_64 = arith.constant 1 : index
    %get3A_65 = arith.constant 0 : index
    %get3A_66 = vector.load %arg3[%get3A_64, %get3A_65] : memref<9x20xf32, #tpu.memory_space<vmem>>, vector<1x1xf32>
    %get3A_67 = vector.extract %get3A_66[0, 0] : f32 from vector<1x1xf32>
    %mul3A_68 = vector.broadcast %get3A_67 : f32 to vector<128x128xf32>
    %mul3A_69 = arith.mulf %get3A_8, %mul3A_68 : vector<128x128xf32>
    %add3A_70 = arith.addf %add3A_63, %mul3A_69 : vector<128x128xf32>
    %get3A_71 = arith.constant 2 : index
    %get3A_72 = arith.constant 0 : index
    %get3A_73 = vector.load %arg3[%get3A_71, %get3A_72] : memref<9x20xf32, #tpu.memory_space<vmem>>, vector<1x1xf32>
    %get3A_74 = vector.extract %get3A_73[0, 0] : f32 from vector<1x1xf32>
    %mul3A_75 = vector.broadcast %get3A_74 : f32 to vector<128x128xf32>
    %mul3A_76 = arith.mulf %get3A_13, %mul3A_75 : vector<128x128xf32>
    %add3A_77 = arith.addf %add3A_70, %mul3A_76 : vector<128x128xf32>
    %get3A_78 = arith.constant 3 : index
    %get3A_79 = arith.constant 0 : index
    %get3A_80 = vector.load %arg3[%get3A_78, %get3A_79] : memref<9x20xf32, #tpu.memory_space<vmem>>, vector<1x1xf32>
    %get3A_81 = vector.extract %get3A_80[0, 0] : f32 from vector<1x1xf32>
    %mul3A_82 = vector.broadcast %get3A_81 : f32 to vector<128x128xf32>
    %mul3A_83 = arith.mulf %get3A_18, %mul3A_82 : vector<128x128xf32>
    %add3A_84 = arith.addf %add3A_77, %mul3A_83 : vector<128x128xf32>
    %get3A_85 = arith.constant 4 : index
    %get3A_86 = arith.constant 0 : index
    %get3A_87 = vector.load %arg3[%get3A_85, %get3A_86] : memref<9x20xf32, #tpu.memory_space<vmem>>, vector<1x1xf32>
    %get3A_88 = vector.extract %get3A_87[0, 0] : f32 from vector<1x1xf32>
    %mul3A_89 = vector.broadcast %get3A_88 : f32 to vector<128x128xf32>
    %mul3A_90 = arith.mulf %get3A_23, %mul3A_89 : vector<128x128xf32>
    %add3A_91 = arith.addf %add3A_84, %mul3A_90 : vector<128x128xf32>
    %get3A_92 = arith.constant 5 : index
    %get3A_93 = arith.constant 0 : index
    %get3A_94 = vector.load %arg3[%get3A_92, %get3A_93] : memref<9x20xf32, #tpu.memory_space<vmem>>, vector<1x1xf32>
    %get3A_95 = vector.extract %get3A_94[0, 0] : f32 from vector<1x1xf32>
    %mul3A_96 = vector.broadcast %get3A_95 : f32 to vector<128x128xf32>
    %mul3A_97 = arith.mulf %get3A_28, %mul3A_96 : vector<128x128xf32>
    %add3A_98 = arith.addf %add3A_91, %mul3A_97 : vector<128x128xf32>
    %get3A_99 = arith.constant 6 : index
    %get3A_100 = arith.constant 0 : index
    %get3A_101 = vector.load %arg3[%get3A_99, %get3A_100] : memref<9x20xf32, #tpu.memory_space<vmem>>, vector<1x1xf32>
    %get3A_102 = vector.extract %get3A_101[0, 0] : f32 from vector<1x1xf32>
    %mul3A_103 = vector.broadcast %get3A_102 : f32 to vector<128x128xf32>
    %mul3A_104 = arith.mulf %get3A_33, %mul3A_103 : vector<128x128xf32>
    %add3A_105 = arith.addf %add3A_98, %mul3A_104 : vector<128x128xf32>
    %get3A_106 = arith.constant 7 : index
    %get3A_107 = arith.constant 0 : index
    %get3A_108 = vector.load %arg3[%get3A_106, %get3A_107] : memref<9x20xf32, #tpu.memory_space<vmem>>, vector<1x1xf32>
    %get3A_109 = vector.extract %get3A_108[0, 0] : f32 from vector<1x1xf32>
    %mul3A_110 = vector.broadcast %get3A_109 : f32 to vector<128x128xf32>
    %mul3A_111 = arith.mulf %get3A_38, %mul3A_110 : vector<128x128xf32>
    %add3A_112 = arith.addf %add3A_105, %mul3A_111 : vector<128x128xf32>
    %get3A_113 = arith.constant 8 : index
    %get3A_114 = arith.constant 0 : index
    %get3A_115 = vector.load %arg3[%get3A_113, %get3A_114] : memref<9x20xf32, #tpu.memory_space<vmem>>, vector<1x1xf32>
    %get3A_116 = vector.extract %get3A_115[0, 0] : f32 from vector<1x1xf32>
    %mul3A_117 = vector.broadcast %get3A_116 : f32 to vector<128x128xf32>
    %mul3A_118 = arith.mulf %add3A_51, %mul3A_117 : vector<128x128xf32>
    %add3A_119 = arith.addf %add3A_112, %mul3A_118 : vector<128x128xf32>
    %gt3A = arith.constant 0.000000e+00 : f32
    %gt3A_120 = vector.broadcast %gt3A : f32 to vector<128x128xf32>
    %gt3A_121 = arith.cmpf ogt, %add3A_119, %gt3A_120 : vector<128x128xf32>
    %min3A = arith.constant 0.000000e+00 : f32
    %min3A_122 = vector.broadcast %min3A : f32 to vector<128x128xf32>
    %min3A_123 = arith.minimumf %add3A_119, %min3A_122 : vector<128x128xf32>
    %exp3A = math.exp %min3A_123 : vector<128x128xf32>
    %sub3A_124 = arith.constant 1.000000e+00 : f32
    %sub3A_125 = vector.broadcast %sub3A_124 : f32 to vector<128x128xf32>
    %sub3A_126 = arith.subf %exp3A, %sub3A_125 : vector<128x128xf32>
    %mul3A_127 = arith.constant 1.67326319 : f32
    %mul3A_128 = vector.broadcast %mul3A_127 : f32 to vector<128x128xf32>
    %mul3A_129 = arith.mulf %mul3A_128, %sub3A_126 : vector<128x128xf32>
    %select_n3A = arith.select %gt3A_121, %add3A_119, %mul3A_129 : vector<128x128xi1>, vector<128x128xf32>
    %mul3A_130 = arith.constant 1.05070102 : f32
    %mul3A_131 = vector.broadcast %mul3A_130 : f32 to vector<128x128xf32>
    %mul3A_132 = arith.mulf %mul3A_131, %select_n3A : vector<128x128xf32>
    %get3A_133 = arith.constant 0 : index
    %get3A_134 = arith.constant 1 : index
    %get3A_135 = vector.load %arg4[%get3A_133, %get3A_134] : memref<1x20xf32, #tpu.memory_space<vmem>>, vector<1x1xf32>
    %get3A_136 = vector.extract %get3A_135[0, 0] : f32 from vector<1x1xf32>
    %get3A_137 = arith.constant 0 : index
    %get3A_138 = arith.constant 1 : index
    %get3A_139 = vector.load %arg3[%get3A_137, %get3A_138] : memref<9x20xf32, #tpu.memory_space<vmem>>, vector<1x1xf32>
    %get3A_140 = vector.extract %get3A_139[0, 0] : f32 from vector<1x1xf32>
    %mul3A_141 = vector.broadcast %get3A_140 : f32 to vector<128x128xf32>
    %mul3A_142 = arith.mulf %get3A_3, %mul3A_141 : vector<128x128xf32>
    %add3A_143 = vector.broadcast %get3A_136 : f32 to vector<128x128xf32>
    %add3A_144 = arith.addf %add3A_143, %mul3A_142 : vector<128x128xf32>
    %get3A_145 = arith.constant 1 : index
    %get3A_146 = arith.constant 1 : index
    %get3A_147 = vector.load %arg3[%get3A_145, %get3A_146] : memref<9x20xf32, #tpu.memory_space<vmem>>, vector<1x1xf32>
    %get3A_148 = vector.extract %get3A_147[0, 0] : f32 from vector<1x1xf32>
    %mul3A_149 = vector.broadcast %get3A_148 : f32 to vector<128x128xf32>
    %mul3A_150 = arith.mulf %get3A_8, %mul3A_149 : vector<128x128xf32>
    %add3A_151 = arith.addf %add3A_144, %mul3A_150 : vector<128x128xf32>
    %get3A_152 = arith.constant 2 : index
    %get3A_153 = arith.constant 1 : index
    %get3A_154 = vector.load %arg3[%get3A_152, %get3A_153] : memref<9x20xf32, #tpu.memory_space<vmem>>, vector<1x1xf32>
    %get3A_155 = vector.extract %get3A_154[0, 0] : f32 from vector<1x1xf32>
    %mul3A_156 = vector.broadcast %get3A_155 : f32 to vector<128x128xf32>
    %mul3A_157 = arith.mulf %get3A_13, %mul3A_156 : vector<128x128xf32>
    %add3A_158 = arith.addf %add3A_151, %mul3A_157 : vector<128x128xf32>
    %get3A_159 = arith.constant 3 : index
    %get3A_160 = arith.constant 1 : index
    %get3A_161 = vector.load %arg3[%get3A_159, %get3A_160] : memref<9x20xf32, #tpu.memory_space<vmem>>, vector<1x1xf32>
    %get3A_162 = vector.extract %get3A_161[0, 0] : f32 from vector<1x1xf32>
    %mul3A_163 = vector.broadcast %get3A_162 : f32 to vector<128x128xf32>
    %mul3A_164 = arith.mulf %get3A_18, %mul3A_163 : vector<128x128xf32>
    %add3A_165 = arith.addf %add3A_158, %mul3A_164 : vector<128x128xf32>
    %get3A_166 = arith.constant 4 : index
    %get3A_167 = arith.constant 1 : index
    %get3A_168 = vector.load %arg3[%get3A_166, %get3A_167] : memref<9x20xf32, #tpu.memory_space<vmem>>, vector<1x1xf32>
    %get3A_169 = vector.extract %get3A_168[0, 0] : f32 from vector<1x1xf32>
    %mul3A_170 = vector.broadcast %get3A_169 : f32 to vector<128x128xf32>
    %mul3A_171 = arith.mulf %get3A_23, %mul3A_170 : vector<128x128xf32>
    %add3A_172 = arith.addf %add3A_165, %mul3A_171 : vector<128x128xf32>
    %get3A_173 = arith.constant 5 : index
    %get3A_174 = arith.constant 1 : index
    %get3A_175 = vector.load %arg3[%get3A_173, %get3A_174] : memref<9x20xf32, #tpu.memory_space<vmem>>, vector<1x1xf32>
    %get3A_176 = vector.extract %get3A_175[0, 0] : f32 from vector<1x1xf32>
    %mul3A_177 = vector.broadcast %get3A_176 : f32 to vector<128x128xf32>
    %mul3A_178 = arith.mulf %get3A_28, %mul3A_177 : vector<128x128xf32>
    %add3A_179 = arith.addf %add3A_172, %mul3A_178 : vector<128x128xf32>
    %get3A_180 = arith.constant 6 : index
    %get3A_181 = arith.constant 1 : index
    %get3A_182 = vector.load %arg3[%get3A_180, %get3A_181] : memref<9x20xf32, #tpu.memory_space<vmem>>, vector<1x1xf32>
    %get3A_183 = vector.extract %get3A_182[0, 0] : f32 from vector<1x1xf32>
    %mul3A_184 = vector.broadcast %get3A_183 : f32 to vector<128x128xf32>
    %mul3A_185 = arith.mulf %get3A_33, %mul3A_184 : vector<128x128xf32>
    %add3A_186 = arith.addf %add3A_179, %mul3A_185 : vector<128x128xf32>
    %get3A_187 = arith.constant 7 : index
    %get3A_188 = arith.constant 1 : index
    %get3A_189 = vector.load %arg3[%get3A_187, %get3A_188] : memref<9x20xf32, #tpu.memory_space<vmem>>, vector<1x1xf32>
    %get3A_190 = vector.extract %get3A_189[0, 0] : f32 from vector<1x1xf32>
    %mul3A_191 = vector.broadcast %get3A_190 : f32 to vector<128x128xf32>
    %mul3A_192 = arith.mulf %get3A_38, %mul3A_191 : vector<128x128xf32>
    %add3A_193 = arith.addf %add3A_186, %mul3A_192 : vector<128x128xf32>
    %get3A_194 = arith.constant 8 : index
    %get3A_195 = arith.constant 1 : index
    %get3A_196 = vector.load %arg3[%get3A_194, %get3A_195] : memref<9x20xf32, #tpu.memory_space<vmem>>, vector<1x1xf32>
    %get3A_197 = vector.extract %get3A_196[0, 0] : f32 from vector<1x1xf32>
    %mul3A_198 = vector.broadcast %get3A_197 : f32 to vector<128x128xf32>
    %mul3A_199 = arith.mulf %add3A_51, %mul3A_198 : vector<128x128xf32>
    %add3A_200 = arith.addf %add3A_193, %mul3A_199 : vector<128x128xf32>
    %gt3A_201 = arith.constant 0.000000e+00 : f32
    %gt3A_202 = vector.broadcast %gt3A_201 : f32 to vector<128x128xf32>
    %gt3A_203 = arith.cmpf ogt, %add3A_200, %gt3A_202 : vector<128x128xf32>
    %min3A_204 = arith.constant 0.000000e+00 : f32
    %min3A_205 = vector.broadcast %min3A_204 : f32 to vector<128x128xf32>
    %min3A_206 = arith.minimumf %add3A_200, %min3A_205 : vector<128x128xf32>
    %exp3A_207 = math.exp %min3A_206 : vector<128x128xf32>
    %sub3A_208 = arith.constant 1.000000e+00 : f32
    %sub3A_209 = vector.broadcast %sub3A_208 : f32 to vector<128x128xf32>
    %sub3A_210 = arith.subf %exp3A_207, %sub3A_209 : vector<128x128xf32>
    %mul3A_211 = arith.constant 1.67326319 : f32
    %mul3A_212 = vector.broadcast %mul3A_211 : f32 to vector<128x128xf32>
    %mul3A_213 = arith.mulf %mul3A_212, %sub3A_210 : vector<128x128xf32>
    %select_n3A_214 = arith.select %gt3A_203, %add3A_200, %mul3A_213 : vector<128x128xi1>, vector<128x128xf32>
    %mul3A_215 = arith.constant 1.05070102 : f32
    %mul3A_216 = vector.broadcast %mul3A_215 : f32 to vector<128x128xf32>
    %mul3A_217 = arith.mulf %mul3A_216, %select_n3A_214 : vector<128x128xf32>
    %get3A_218 = arith.constant 0 : index
    %get3A_219 = arith.constant 2 : index
    %get3A_220 = vector.load %arg4[%get3A_218, %get3A_219] : memref<1x20xf32, #tpu.memory_space<vmem>>, vector<1x1xf32>
    %get3A_221 = vector.extract %get3A_220[0, 0] : f32 from vector<1x1xf32>
    %get3A_222 = arith.constant 0 : index
    %get3A_223 = arith.constant 2 : index
    %get3A_224 = vector.load %arg3[%get3A_222, %get3A_223] : memref<9x20xf32, #tpu.memory_space<vmem>>, vector<1x1xf32>
    %get3A_225 = vector.extract %get3A_224[0, 0] : f32 from vector<1x1xf32>
    %mul3A_226 = vector.broadcast %get3A_225 : f32 to vector<128x128xf32>
    %mul3A_227 = arith.mulf %get3A_3, %mul3A_226 : vector<128x128xf32>
    %add3A_228 = vector.broadcast %get3A_221 : f32 to vector<128x128xf32>
    %add3A_229 = arith.addf %add3A_228, %mul3A_227 : vector<128x128xf32>
    %get3A_230 = arith.constant 1 : index
    %get3A_231 = arith.constant 2 : index
    %get3A_232 = vector.load %arg3[%get3A_230, %get3A_231] : memref<9x20xf32, #tpu.memory_space<vmem>>, vector<1x1xf32>
    %get3A_233 = vector.extract %get3A_232[0, 0] : f32 from vector<1x1xf32>
    %mul3A_234 = vector.broadcast %get3A_233 : f32 to vector<128x128xf32>
    %mul3A_235 = arith.mulf %get3A_8, %mul3A_234 : vector<128x128xf32>
    %add3A_236 = arith.addf %add3A_229, %mul3A_235 : vector<128x128xf32>
    %get3A_237 = arith.constant 2 : index
    %get3A_238 = arith.constant 2 : index
    %get3A_239 = vector.load %arg3[%get3A_237, %get3A_238] : memref<9x20xf32, #tpu.memory_space<vmem>>, vector<1x1xf32>
    %get3A_240 = vector.extract %get3A_239[0, 0] : f32 from vector<1x1xf32>
    %mul3A_241 = vector.broadcast %get3A_240 : f32 to vector<128x128xf32>
    %mul3A_242 = arith.mulf %get3A_13, %mul3A_241 : vector<128x128xf32>
    %add3A_243 = arith.addf %add3A_236, %mul3A_242 : vector<128x128xf32>
    %get3A_244 = arith.constant 3 : index
    %get3A_245 = arith.constant 2 : index
    %get3A_246 = vector.load %arg3[%get3A_244, %get3A_245] : memref<9x20xf32, #tpu.memory_space<vmem>>, vector<1x1xf32>
    %get3A_247 = vector.extract %get3A_246[0, 0] : f32 from vector<1x1xf32>
    %mul3A_248 = vector.broadcast %get3A_247 : f32 to vector<128x128xf32>
    %mul3A_249 = arith.mulf %get3A_18, %mul3A_248 : vector<128x128xf32>
    %add3A_250 = arith.addf %add3A_243, %mul3A_249 : vector<128x128xf32>
    %get3A_251 = arith.constant 4 : index
    %get3A_252 = arith.constant 2 : index
    %get3A_253 = vector.load %arg3[%get3A_251, %get3A_252] : memref<9x20xf32, #tpu.memory_space<vmem>>, vector<1x1xf32>
    %get3A_254 = vector.extract %get3A_253[0, 0] : f32 from vector<1x1xf32>
    %mul3A_255 = vector.broadcast %get3A_254 : f32 to vector<128x128xf32>
    %mul3A_256 = arith.mulf %get3A_23, %mul3A_255 : vector<128x128xf32>
    %add3A_257 = arith.addf %add3A_250, %mul3A_256 : vector<128x128xf32>
    %get3A_258 = arith.constant 5 : index
    %get3A_259 = arith.constant 2 : index
    %get3A_260 = vector.load %arg3[%get3A_258, %get3A_259] : memref<9x20xf32, #tpu.memory_space<vmem>>, vector<1x1xf32>
    %get3A_261 = vector.extract %get3A_260[0, 0] : f32 from vector<1x1xf32>
    %mul3A_262 = vector.broadcast %get3A_261 : f32 to vector<128x128xf32>
    %mul3A_263 = arith.mulf %get3A_28, %mul3A_262 : vector<128x128xf32>
    %add3A_264 = arith.addf %add3A_257, %mul3A_263 : vector<128x128xf32>
    %get3A_265 = arith.constant 6 : index
    %get3A_266 = arith.constant 2 : index
    %get3A_267 = vector.load %arg3[%get3A_265, %get3A_266] : memref<9x20xf32, #tpu.memory_space<vmem>>, vector<1x1xf32>
    %get3A_268 = vector.extract %get3A_267[0, 0] : f32 from vector<1x1xf32>
    %mul3A_269 = vector.broadcast %get3A_268 : f32 to vector<128x128xf32>
    %mul3A_270 = arith.mulf %get3A_33, %mul3A_269 : vector<128x128xf32>
    %add3A_271 = arith.addf %add3A_264, %mul3A_270 : vector<128x128xf32>
    %get3A_272 = arith.constant 7 : index
    %get3A_273 = arith.constant 2 : index
    %get3A_274 = vector.load %arg3[%get3A_272, %get3A_273] : memref<9x20xf32, #tpu.memory_space<vmem>>, vector<1x1xf32>
    %get3A_275 = vector.extract %get3A_274[0, 0] : f32 from vector<1x1xf32>
    %mul3A_276 = vector.broadcast %get3A_275 : f32 to vector<128x128xf32>
    %mul3A_277 = arith.mulf %get3A_38, %mul3A_276 : vector<128x128xf32>
    %add3A_278 = arith.addf %add3A_271, %mul3A_277 : vector<128x128xf32>
    %get3A_279 = arith.constant 8 : index
    %get3A_280 = arith.constant 2 : index
    %get3A_281 = vector.load %arg3[%get3A_279, %get3A_280] : memref<9x20xf32, #tpu.memory_space<vmem>>, vector<1x1xf32>
    %get3A_282 = vector.extract %get3A_281[0, 0] : f32 from vector<1x1xf32>
    %mul3A_283 = vector.broadcast %get3A_282 : f32 to vector<128x128xf32>
    %mul3A_284 = arith.mulf %add3A_51, %mul3A_283 : vector<128x128xf32>
    %add3A_285 = arith.addf %add3A_278, %mul3A_284 : vector<128x128xf32>
    %gt3A_286 = arith.constant 0.000000e+00 : f32
    %gt3A_287 = vector.broadcast %gt3A_286 : f32 to vector<128x128xf32>
    %gt3A_288 = arith.cmpf ogt, %add3A_285, %gt3A_287 : vector<128x128xf32>
    %min3A_289 = arith.constant 0.000000e+00 : f32
    %min3A_290 = vector.broadcast %min3A_289 : f32 to vector<128x128xf32>
    %min3A_291 = arith.minimumf %add3A_285, %min3A_290 : vector<128x128xf32>
    %exp3A_292 = math.exp %min3A_291 : vector<128x128xf32>
    %sub3A_293 = arith.constant 1.000000e+00 : f32
    %sub3A_294 = vector.broadcast %sub3A_293 : f32 to vector<128x128xf32>
    %sub3A_295 = arith.subf %exp3A_292, %sub3A_294 : vector<128x128xf32>
    %mul3A_296 = arith.constant 1.67326319 : f32
    %mul3A_297 = vector.broadcast %mul3A_296 : f32 to vector<128x128xf32>
    %mul3A_298 = arith.mulf %mul3A_297, %sub3A_295 : vector<128x128xf32>
    %select_n3A_299 = arith.select %gt3A_288, %add3A_285, %mul3A_298 : vector<128x128xi1>, vector<128x128xf32>
    %mul3A_300 = arith.constant 1.05070102 : f32
    %mul3A_301 = vector.broadcast %mul3A_300 : f32 to vector<128x128xf32>
    %mul3A_302 = arith.mulf %mul3A_301, %select_n3A_299 : vector<128x128xf32>
    %get3A_303 = arith.constant 0 : index
    %get3A_304 = arith.constant 3 : index
    %get3A_305 = vector.load %arg4[%get3A_303, %get3A_304] : memref<1x20xf32, #tpu.memory_space<vmem>>, vector<1x1xf32>
    %get3A_306 = vector.extract %get3A_305[0, 0] : f32 from vector<1x1xf32>
    %get3A_307 = arith.constant 0 : index
    %get3A_308 = arith.constant 3 : index
    %get3A_309 = vector.load %arg3[%get3A_307, %get3A_308] : memref<9x20xf32, #tpu.memory_space<vmem>>, vector<1x1xf32>
    %get3A_310 = vector.extract %get3A_309[0, 0] : f32 from vector<1x1xf32>
    %mul3A_311 = vector.broadcast %get3A_310 : f32 to vector<128x128xf32>
    %mul3A_312 = arith.mulf %get3A_3, %mul3A_311 : vector<128x128xf32>
    %add3A_313 = vector.broadcast %get3A_306 : f32 to vector<128x128xf32>
    %add3A_314 = arith.addf %add3A_313, %mul3A_312 : vector<128x128xf32>
    %get3A_315 = arith.constant 1 : index
    %get3A_316 = arith.constant 3 : index
    %get3A_317 = vector.load %arg3[%get3A_315, %get3A_316] : memref<9x20xf32, #tpu.memory_space<vmem>>, vector<1x1xf32>
    %get3A_318 = vector.extract %get3A_317[0, 0] : f32 from vector<1x1xf32>
    %mul3A_319 = vector.broadcast %get3A_318 : f32 to vector<128x128xf32>
    %mul3A_320 = arith.mulf %get3A_8, %mul3A_319 : vector<128x128xf32>
    %add3A_321 = arith.addf %add3A_314, %mul3A_320 : vector<128x128xf32>
    %get3A_322 = arith.constant 2 : index
    %get3A_323 = arith.constant 3 : index
    %get3A_324 = vector.load %arg3[%get3A_322, %get3A_323] : memref<9x20xf32, #tpu.memory_space<vmem>>, vector<1x1xf32>
    %get3A_325 = vector.extract %get3A_324[0, 0] : f32 from vector<1x1xf32>
    %mul3A_326 = vector.broadcast %get3A_325 : f32 to vector<128x128xf32>
    %mul3A_327 = arith.mulf %get3A_13, %mul3A_326 : vector<128x128xf32>
    %add3A_328 = arith.addf %add3A_321, %mul3A_327 : vector<128x128xf32>
    %get3A_329 = arith.constant 3 : index
    %get3A_330 = arith.constant 3 : index
    %get3A_331 = vector.load %arg3[%get3A_329, %get3A_330] : memref<9x20xf32, #tpu.memory_space<vmem>>, vector<1x1xf32>
    %get3A_332 = vector.extract %get3A_331[0, 0] : f32 from vector<1x1xf32>
    %mul3A_333 = vector.broadcast %get3A_332 : f32 to vector<128x128xf32>
    %mul3A_334 = arith.mulf %get3A_18, %mul3A_333 : vector<128x128xf32>
    %add3A_335 = arith.addf %add3A_328, %mul3A_334 : vector<128x128xf32>
    %get3A_336 = arith.constant 4 : index
    %get3A_337 = arith.constant 3 : index
    %get3A_338 = vector.load %arg3[%get3A_336, %get3A_337] : memref<9x20xf32, #tpu.memory_space<vmem>>, vector<1x1xf32>
    %get3A_339 = vector.extract %get3A_338[0, 0] : f32 from vector<1x1xf32>
    %mul3A_340 = vector.broadcast %get3A_339 : f32 to vector<128x128xf32>
    %mul3A_341 = arith.mulf %get3A_23, %mul3A_340 : vector<128x128xf32>
    %add3A_342 = arith.addf %add3A_335, %mul3A_341 : vector<128x128xf32>
    %get3A_343 = arith.constant 5 : index
    %get3A_344 = arith.constant 3 : index
    %get3A_345 = vector.load %arg3[%get3A_343, %get3A_344] : memref<9x20xf32, #tpu.memory_space<vmem>>, vector<1x1xf32>
    %get3A_346 = vector.extract %get3A_345[0, 0] : f32 from vector<1x1xf32>
    %mul3A_347 = vector.broadcast %get3A_346 : f32 to vector<128x128xf32>
    %mul3A_348 = arith.mulf %get3A_28, %mul3A_347 : vector<128x128xf32>
    %add3A_349 = arith.addf %add3A_342, %mul3A_348 : vector<128x128xf32>
    %get3A_350 = arith.constant 6 : index
    %get3A_351 = arith.constant 3 : index
    %get3A_352 = vector.load %arg3[%get3A_350, %get3A_351] : memref<9x20xf32, #tpu.memory_space<vmem>>, vector<1x1xf32>
    %get3A_353 = vector.extract %get3A_352[0, 0] : f32 from vector<1x1xf32>
    %mul3A_354 = vector.broadcast %get3A_353 : f32 to vector<128x128xf32>
    %mul3A_355 = arith.mulf %get3A_33, %mul3A_354 : vector<128x128xf32>
    %add3A_356 = arith.addf %add3A_349, %mul3A_355 : vector<128x128xf32>
    %get3A_357 = arith.constant 7 : index
    %get3A_358 = arith.constant 3 : index
    %get3A_359 = vector.load %arg3[%get3A_357, %get3A_358] : memref<9x20xf32, #tpu.memory_space<vmem>>, vector<1x1xf32>
    %get3A_360 = vector.extract %get3A_359[0, 0] : f32 from vector<1x1xf32>
    %mul3A_361 = vector.broadcast %get3A_360 : f32 to vector<128x128xf32>
    %mul3A_362 = arith.mulf %get3A_38, %mul3A_361 : vector<128x128xf32>
    %add3A_363 = arith.addf %add3A_356, %mul3A_362 : vector<128x128xf32>
    %get3A_364 = arith.constant 8 : index
    %get3A_365 = arith.constant 3 : index
    %get3A_366 = vector.load %arg3[%get3A_364, %get3A_365] : memref<9x20xf32, #tpu.memory_space<vmem>>, vector<1x1xf32>
    %get3A_367 = vector.extract %get3A_366[0, 0] : f32 from vector<1x1xf32>
    %mul3A_368 = vector.broadcast %get3A_367 : f32 to vector<128x128xf32>
    %mul3A_369 = arith.mulf %add3A_51, %mul3A_368 : vector<128x128xf32>
    %add3A_370 = arith.addf %add3A_363, %mul3A_369 : vector<128x128xf32>
    %gt3A_371 = arith.constant 0.000000e+00 : f32
    %gt3A_372 = vector.broadcast %gt3A_371 : f32 to vector<128x128xf32>
    %gt3A_373 = arith.cmpf ogt, %add3A_370, %gt3A_372 : vector<128x128xf32>
    %min3A_374 = arith.constant 0.000000e+00 : f32
    %min3A_375 = vector.broadcast %min3A_374 : f32 to vector<128x128xf32>
    %min3A_376 = arith.minimumf %add3A_370, %min3A_375 : vector<128x128xf32>
    %exp3A_377 = math.exp %min3A_376 : vector<128x128xf32>
    %sub3A_378 = arith.constant 1.000000e+00 : f32
    %sub3A_379 = vector.broadcast %sub3A_378 : f32 to vector<128x128xf32>
    %sub3A_380 = arith.subf %exp3A_377, %sub3A_379 : vector<128x128xf32>
    %mul3A_381 = arith.constant 1.67326319 : f32
    %mul3A_382 = vector.broadcast %mul3A_381 : f32 to vector<128x128xf32>
    %mul3A_383 = arith.mulf %mul3A_382, %sub3A_380 : vector<128x128xf32>
    %select_n3A_384 = arith.select %gt3A_373, %add3A_370, %mul3A_383 : vector<128x128xi1>, vector<128x128xf32>
    %mul3A_385 = arith.constant 1.05070102 : f32
    %mul3A_386 = vector.broadcast %mul3A_385 : f32 to vector<128x128xf32>
    %mul3A_387 = arith.mulf %mul3A_386, %select_n3A_384 : vector<128x128xf32>
    %get3A_388 = arith.constant 0 : index
    %get3A_389 = arith.constant 4 : index
    %get3A_390 = vector.load %arg4[%get3A_388, %get3A_389] : memref<1x20xf32, #tpu.memory_space<vmem>>, vector<1x1xf32>
    %get3A_391 = vector.extract %get3A_390[0, 0] : f32 from vector<1x1xf32>
    %get3A_392 = arith.constant 0 : index
    %get3A_393 = arith.constant 4 : index
    %get3A_394 = vector.load %arg3[%get3A_392, %get3A_393] : memref<9x20xf32, #tpu.memory_space<vmem>>, vector<1x1xf32>
    %get3A_395 = vector.extract %get3A_394[0, 0] : f32 from vector<1x1xf32>
    %mul3A_396 = vector.broadcast %get3A_395 : f32 to vector<128x128xf32>
    %mul3A_397 = arith.mulf %get3A_3, %mul3A_396 : vector<128x128xf32>
    %add3A_398 = vector.broadcast %get3A_391 : f32 to vector<128x128xf32>
    %add3A_399 = arith.addf %add3A_398, %mul3A_397 : vector<128x128xf32>
    %get3A_400 = arith.constant 1 : index
    %get3A_401 = arith.constant 4 : index
    %get3A_402 = vector.load %arg3[%get3A_400, %get3A_401] : memref<9x20xf32, #tpu.memory_space<vmem>>, vector<1x1xf32>
    %get3A_403 = vector.extract %get3A_402[0, 0] : f32 from vector<1x1xf32>
    %mul3A_404 = vector.broadcast %get3A_403 : f32 to vector<128x128xf32>
    %mul3A_405 = arith.mulf %get3A_8, %mul3A_404 : vector<128x128xf32>
    %add3A_406 = arith.addf %add3A_399, %mul3A_405 : vector<128x128xf32>
    %get3A_407 = arith.constant 2 : index
    %get3A_408 = arith.constant 4 : index
    %get3A_409 = vector.load %arg3[%get3A_407, %get3A_408] : memref<9x20xf32, #tpu.memory_space<vmem>>, vector<1x1xf32>
    %get3A_410 = vector.extract %get3A_409[0, 0] : f32 from vector<1x1xf32>
    %mul3A_411 = vector.broadcast %get3A_410 : f32 to vector<128x128xf32>
    %mul3A_412 = arith.mulf %get3A_13, %mul3A_411 : vector<128x128xf32>
    %add3A_413 = arith.addf %add3A_406, %mul3A_412 : vector<128x128xf32>
    %get3A_414 = arith.constant 3 : index
    %get3A_415 = arith.constant 4 : index
    %get3A_416 = vector.load %arg3[%get3A_414, %get3A_415] : memref<9x20xf32, #tpu.memory_space<vmem>>, vector<1x1xf32>
    %get3A_417 = vector.extract %get3A_416[0, 0] : f32 from vector<1x1xf32>
    %mul3A_418 = vector.broadcast %get3A_417 : f32 to vector<128x128xf32>
    %mul3A_419 = arith.mulf %get3A_18, %mul3A_418 : vector<128x128xf32>
    %add3A_420 = arith.addf %add3A_413, %mul3A_419 : vector<128x128xf32>
    %get3A_421 = arith.constant 4 : index
    %get3A_422 = arith.constant 4 : index
    %get3A_423 = vector.load %arg3[%get3A_421, %get3A_422] : memref<9x20xf32, #tpu.memory_space<vmem>>, vector<1x1xf32>
    %get3A_424 = vector.extract %get3A_423[0, 0] : f32 from vector<1x1xf32>
    %mul3A_425 = vector.broadcast %get3A_424 : f32 to vector<128x128xf32>
    %mul3A_426 = arith.mulf %get3A_23, %mul3A_425 : vector<128x128xf32>
    %add3A_427 = arith.addf %add3A_420, %mul3A_426 : vector<128x128xf32>
    %get3A_428 = arith.constant 5 : index
    %get3A_429 = arith.constant 4 : index
    %get3A_430 = vector.load %arg3[%get3A_428, %get3A_429] : memref<9x20xf32, #tpu.memory_space<vmem>>, vector<1x1xf32>
    %get3A_431 = vector.extract %get3A_430[0, 0] : f32 from vector<1x1xf32>
    %mul3A_432 = vector.broadcast %get3A_431 : f32 to vector<128x128xf32>
    %mul3A_433 = arith.mulf %get3A_28, %mul3A_432 : vector<128x128xf32>
    %add3A_434 = arith.addf %add3A_427, %mul3A_433 : vector<128x128xf32>
    %get3A_435 = arith.constant 6 : index
    %get3A_436 = arith.constant 4 : index
    %get3A_437 = vector.load %arg3[%get3A_435, %get3A_436] : memref<9x20xf32, #tpu.memory_space<vmem>>, vector<1x1xf32>
    %get3A_438 = vector.extract %get3A_437[0, 0] : f32 from vector<1x1xf32>
    %mul3A_439 = vector.broadcast %get3A_438 : f32 to vector<128x128xf32>
    %mul3A_440 = arith.mulf %get3A_33, %mul3A_439 : vector<128x128xf32>
    %add3A_441 = arith.addf %add3A_434, %mul3A_440 : vector<128x128xf32>
    %get3A_442 = arith.constant 7 : index
    %get3A_443 = arith.constant 4 : index
    %get3A_444 = vector.load %arg3[%get3A_442, %get3A_443] : memref<9x20xf32, #tpu.memory_space<vmem>>, vector<1x1xf32>
    %get3A_445 = vector.extract %get3A_444[0, 0] : f32 from vector<1x1xf32>
    %mul3A_446 = vector.broadcast %get3A_445 : f32 to vector<128x128xf32>
    %mul3A_447 = arith.mulf %get3A_38, %mul3A_446 : vector<128x128xf32>
    %add3A_448 = arith.addf %add3A_441, %mul3A_447 : vector<128x128xf32>
    %get3A_449 = arith.constant 8 : index
    %get3A_450 = arith.constant 4 : index
    %get3A_451 = vector.load %arg3[%get3A_449, %get3A_450] : memref<9x20xf32, #tpu.memory_space<vmem>>, vector<1x1xf32>
    %get3A_452 = vector.extract %get3A_451[0, 0] : f32 from vector<1x1xf32>
    %mul3A_453 = vector.broadcast %get3A_452 : f32 to vector<128x128xf32>
    %mul3A_454 = arith.mulf %add3A_51, %mul3A_453 : vector<128x128xf32>
    %add3A_455 = arith.addf %add3A_448, %mul3A_454 : vector<128x128xf32>
    %gt3A_456 = arith.constant 0.000000e+00 : f32
    %gt3A_457 = vector.broadcast %gt3A_456 : f32 to vector<128x128xf32>
    %gt3A_458 = arith.cmpf ogt, %add3A_455, %gt3A_457 : vector<128x128xf32>
    %min3A_459 = arith.constant 0.000000e+00 : f32
    %min3A_460 = vector.broadcast %min3A_459 : f32 to vector<128x128xf32>
    %min3A_461 = arith.minimumf %add3A_455, %min3A_460 : vector<128x128xf32>
    %exp3A_462 = math.exp %min3A_461 : vector<128x128xf32>
    %sub3A_463 = arith.constant 1.000000e+00 : f32
    %sub3A_464 = vector.broadcast %sub3A_463 : f32 to vector<128x128xf32>
    %sub3A_465 = arith.subf %exp3A_462, %sub3A_464 : vector<128x128xf32>
    %mul3A_466 = arith.constant 1.67326319 : f32
    %mul3A_467 = vector.broadcast %mul3A_466 : f32 to vector<128x128xf32>
    %mul3A_468 = arith.mulf %mul3A_467, %sub3A_465 : vector<128x128xf32>
    %select_n3A_469 = arith.select %gt3A_458, %add3A_455, %mul3A_468 : vector<128x128xi1>, vector<128x128xf32>
    %mul3A_470 = arith.constant 1.05070102 : f32
    %mul3A_471 = vector.broadcast %mul3A_470 : f32 to vector<128x128xf32>
    %mul3A_472 = arith.mulf %mul3A_471, %select_n3A_469 : vector<128x128xf32>
    %get3A_473 = arith.constant 0 : index
    %get3A_474 = arith.constant 5 : index
    %get3A_475 = vector.load %arg4[%get3A_473, %get3A_474] : memref<1x20xf32, #tpu.memory_space<vmem>>, vector<1x1xf32>
    %get3A_476 = vector.extract %get3A_475[0, 0] : f32 from vector<1x1xf32>
    %get3A_477 = arith.constant 0 : index
    %get3A_478 = arith.constant 5 : index
    %get3A_479 = vector.load %arg3[%get3A_477, %get3A_478] : memref<9x20xf32, #tpu.memory_space<vmem>>, vector<1x1xf32>
    %get3A_480 = vector.extract %get3A_479[0, 0] : f32 from vector<1x1xf32>
    %mul3A_481 = vector.broadcast %get3A_480 : f32 to vector<128x128xf32>
    %mul3A_482 = arith.mulf %get3A_3, %mul3A_481 : vector<128x128xf32>
    %add3A_483 = vector.broadcast %get3A_476 : f32 to vector<128x128xf32>
    %add3A_484 = arith.addf %add3A_483, %mul3A_482 : vector<128x128xf32>
    %get3A_485 = arith.constant 1 : index
    %get3A_486 = arith.constant 5 : index
    %get3A_487 = vector.load %arg3[%get3A_485, %get3A_486] : memref<9x20xf32, #tpu.memory_space<vmem>>, vector<1x1xf32>
    %get3A_488 = vector.extract %get3A_487[0, 0] : f32 from vector<1x1xf32>
    %mul3A_489 = vector.broadcast %get3A_488 : f32 to vector<128x128xf32>
    %mul3A_490 = arith.mulf %get3A_8, %mul3A_489 : vector<128x128xf32>
    %add3A_491 = arith.addf %add3A_484, %mul3A_490 : vector<128x128xf32>
    %get3A_492 = arith.constant 2 : index
    %get3A_493 = arith.constant 5 : index
    %get3A_494 = vector.load %arg3[%get3A_492, %get3A_493] : memref<9x20xf32, #tpu.memory_space<vmem>>, vector<1x1xf32>
    %get3A_495 = vector.extract %get3A_494[0, 0] : f32 from vector<1x1xf32>
    %mul3A_496 = vector.broadcast %get3A_495 : f32 to vector<128x128xf32>
    %mul3A_497 = arith.mulf %get3A_13, %mul3A_496 : vector<128x128xf32>
    %add3A_498 = arith.addf %add3A_491, %mul3A_497 : vector<128x128xf32>
    %get3A_499 = arith.constant 3 : index
    %get3A_500 = arith.constant 5 : index
    %get3A_501 = vector.load %arg3[%get3A_499, %get3A_500] : memref<9x20xf32, #tpu.memory_space<vmem>>, vector<1x1xf32>
    %get3A_502 = vector.extract %get3A_501[0, 0] : f32 from vector<1x1xf32>
    %mul3A_503 = vector.broadcast %get3A_502 : f32 to vector<128x128xf32>
    %mul3A_504 = arith.mulf %get3A_18, %mul3A_503 : vector<128x128xf32>
    %add3A_505 = arith.addf %add3A_498, %mul3A_504 : vector<128x128xf32>
    %get3A_506 = arith.constant 4 : index
    %get3A_507 = arith.constant 5 : index
    %get3A_508 = vector.load %arg3[%get3A_506, %get3A_507] : memref<9x20xf32, #tpu.memory_space<vmem>>, vector<1x1xf32>
    %get3A_509 = vector.extract %get3A_508[0, 0] : f32 from vector<1x1xf32>
    %mul3A_510 = vector.broadcast %get3A_509 : f32 to vector<128x128xf32>
    %mul3A_511 = arith.mulf %get3A_23, %mul3A_510 : vector<128x128xf32>
    %add3A_512 = arith.addf %add3A_505, %mul3A_511 : vector<128x128xf32>
    %get3A_513 = arith.constant 5 : index
    %get3A_514 = arith.constant 5 : index
    %get3A_515 = vector.load %arg3[%get3A_513, %get3A_514] : memref<9x20xf32, #tpu.memory_space<vmem>>, vector<1x1xf32>
    %get3A_516 = vector.extract %get3A_515[0, 0] : f32 from vector<1x1xf32>
    %mul3A_517 = vector.broadcast %get3A_516 : f32 to vector<128x128xf32>
    %mul3A_518 = arith.mulf %get3A_28, %mul3A_517 : vector<128x128xf32>
    %add3A_519 = arith.addf %add3A_512, %mul3A_518 : vector<128x128xf32>
    %get3A_520 = arith.constant 6 : index
    %get3A_521 = arith.constant 5 : index
    %get3A_522 = vector.load %arg3[%get3A_520, %get3A_521] : memref<9x20xf32, #tpu.memory_space<vmem>>, vector<1x1xf32>
    %get3A_523 = vector.extract %get3A_522[0, 0] : f32 from vector<1x1xf32>
    %mul3A_524 = vector.broadcast %get3A_523 : f32 to vector<128x128xf32>
    %mul3A_525 = arith.mulf %get3A_33, %mul3A_524 : vector<128x128xf32>
    %add3A_526 = arith.addf %add3A_519, %mul3A_525 : vector<128x128xf32>
    %get3A_527 = arith.constant 7 : index
    %get3A_528 = arith.constant 5 : index
    %get3A_529 = vector.load %arg3[%get3A_527, %get3A_528] : memref<9x20xf32, #tpu.memory_space<vmem>>, vector<1x1xf32>
    %get3A_530 = vector.extract %get3A_529[0, 0] : f32 from vector<1x1xf32>
    %mul3A_531 = vector.broadcast %get3A_530 : f32 to vector<128x128xf32>
    %mul3A_532 = arith.mulf %get3A_38, %mul3A_531 : vector<128x128xf32>
    %add3A_533 = arith.addf %add3A_526, %mul3A_532 : vector<128x128xf32>
    %get3A_534 = arith.constant 8 : index
    %get3A_535 = arith.constant 5 : index
    %get3A_536 = vector.load %arg3[%get3A_534, %get3A_535] : memref<9x20xf32, #tpu.memory_space<vmem>>, vector<1x1xf32>
    %get3A_537 = vector.extract %get3A_536[0, 0] : f32 from vector<1x1xf32>
    %mul3A_538 = vector.broadcast %get3A_537 : f32 to vector<128x128xf32>
    %mul3A_539 = arith.mulf %add3A_51, %mul3A_538 : vector<128x128xf32>
    %add3A_540 = arith.addf %add3A_533, %mul3A_539 : vector<128x128xf32>
    %gt3A_541 = arith.constant 0.000000e+00 : f32
    %gt3A_542 = vector.broadcast %gt3A_541 : f32 to vector<128x128xf32>
    %gt3A_543 = arith.cmpf ogt, %add3A_540, %gt3A_542 : vector<128x128xf32>
    %min3A_544 = arith.constant 0.000000e+00 : f32
    %min3A_545 = vector.broadcast %min3A_544 : f32 to vector<128x128xf32>
    %min3A_546 = arith.minimumf %add3A_540, %min3A_545 : vector<128x128xf32>
    %exp3A_547 = math.exp %min3A_546 : vector<128x128xf32>
    %sub3A_548 = arith.constant 1.000000e+00 : f32
    %sub3A_549 = vector.broadcast %sub3A_548 : f32 to vector<128x128xf32>
    %sub3A_550 = arith.subf %exp3A_547, %sub3A_549 : vector<128x128xf32>
    %mul3A_551 = arith.constant 1.67326319 : f32
    %mul3A_552 = vector.broadcast %mul3A_551 : f32 to vector<128x128xf32>
    %mul3A_553 = arith.mulf %mul3A_552, %sub3A_550 : vector<128x128xf32>
    %select_n3A_554 = arith.select %gt3A_543, %add3A_540, %mul3A_553 : vector<128x128xi1>, vector<128x128xf32>
    %mul3A_555 = arith.constant 1.05070102 : f32
    %mul3A_556 = vector.broadcast %mul3A_555 : f32 to vector<128x128xf32>
    %mul3A_557 = arith.mulf %mul3A_556, %select_n3A_554 : vector<128x128xf32>
    %get3A_558 = arith.constant 0 : index
    %get3A_559 = arith.constant 6 : index
    %get3A_560 = vector.load %arg4[%get3A_558, %get3A_559] : memref<1x20xf32, #tpu.memory_space<vmem>>, vector<1x1xf32>
    %get3A_561 = vector.extract %get3A_560[0, 0] : f32 from vector<1x1xf32>
    %get3A_562 = arith.constant 0 : index
    %get3A_563 = arith.constant 6 : index
    %get3A_564 = vector.load %arg3[%get3A_562, %get3A_563] : memref<9x20xf32, #tpu.memory_space<vmem>>, vector<1x1xf32>
    %get3A_565 = vector.extract %get3A_564[0, 0] : f32 from vector<1x1xf32>
    %mul3A_566 = vector.broadcast %get3A_565 : f32 to vector<128x128xf32>
    %mul3A_567 = arith.mulf %get3A_3, %mul3A_566 : vector<128x128xf32>
    %add3A_568 = vector.broadcast %get3A_561 : f32 to vector<128x128xf32>
    %add3A_569 = arith.addf %add3A_568, %mul3A_567 : vector<128x128xf32>
    %get3A_570 = arith.constant 1 : index
    %get3A_571 = arith.constant 6 : index
    %get3A_572 = vector.load %arg3[%get3A_570, %get3A_571] : memref<9x20xf32, #tpu.memory_space<vmem>>, vector<1x1xf32>
    %get3A_573 = vector.extract %get3A_572[0, 0] : f32 from vector<1x1xf32>
    %mul3A_574 = vector.broadcast %get3A_573 : f32 to vector<128x128xf32>
    %mul3A_575 = arith.mulf %get3A_8, %mul3A_574 : vector<128x128xf32>
    %add3A_576 = arith.addf %add3A_569, %mul3A_575 : vector<128x128xf32>
    %get3A_577 = arith.constant 2 : index
    %get3A_578 = arith.constant 6 : index
    %get3A_579 = vector.load %arg3[%get3A_577, %get3A_578] : memref<9x20xf32, #tpu.memory_space<vmem>>, vector<1x1xf32>
    %get3A_580 = vector.extract %get3A_579[0, 0] : f32 from vector<1x1xf32>
    %mul3A_581 = vector.broadcast %get3A_580 : f32 to vector<128x128xf32>
    %mul3A_582 = arith.mulf %get3A_13, %mul3A_581 : vector<128x128xf32>
    %add3A_583 = arith.addf %add3A_576, %mul3A_582 : vector<128x128xf32>
    %get3A_584 = arith.constant 3 : index
    %get3A_585 = arith.constant 6 : index
    %get3A_586 = vector.load %arg3[%get3A_584, %get3A_585] : memref<9x20xf32, #tpu.memory_space<vmem>>, vector<1x1xf32>
    %get3A_587 = vector.extract %get3A_586[0, 0] : f32 from vector<1x1xf32>
    %mul3A_588 = vector.broadcast %get3A_587 : f32 to vector<128x128xf32>
    %mul3A_589 = arith.mulf %get3A_18, %mul3A_588 : vector<128x128xf32>
    %add3A_590 = arith.addf %add3A_583, %mul3A_589 : vector<128x128xf32>
    %get3A_591 = arith.constant 4 : index
    %get3A_592 = arith.constant 6 : index
    %get3A_593 = vector.load %arg3[%get3A_591, %get3A_592] : memref<9x20xf32, #tpu.memory_space<vmem>>, vector<1x1xf32>
    %get3A_594 = vector.extract %get3A_593[0, 0] : f32 from vector<1x1xf32>
    %mul3A_595 = vector.broadcast %get3A_594 : f32 to vector<128x128xf32>
    %mul3A_596 = arith.mulf %get3A_23, %mul3A_595 : vector<128x128xf32>
    %add3A_597 = arith.addf %add3A_590, %mul3A_596 : vector<128x128xf32>
    %get3A_598 = arith.constant 5 : index
    %get3A_599 = arith.constant 6 : index
    %get3A_600 = vector.load %arg3[%get3A_598, %get3A_599] : memref<9x20xf32, #tpu.memory_space<vmem>>, vector<1x1xf32>
    %get3A_601 = vector.extract %get3A_600[0, 0] : f32 from vector<1x1xf32>
    %mul3A_602 = vector.broadcast %get3A_601 : f32 to vector<128x128xf32>
    %mul3A_603 = arith.mulf %get3A_28, %mul3A_602 : vector<128x128xf32>
    %add3A_604 = arith.addf %add3A_597, %mul3A_603 : vector<128x128xf32>
    %get3A_605 = arith.constant 6 : index
    %get3A_606 = arith.constant 6 : index
    %get3A_607 = vector.load %arg3[%get3A_605, %get3A_606] : memref<9x20xf32, #tpu.memory_space<vmem>>, vector<1x1xf32>
    %get3A_608 = vector.extract %get3A_607[0, 0] : f32 from vector<1x1xf32>
    %mul3A_609 = vector.broadcast %get3A_608 : f32 to vector<128x128xf32>
    %mul3A_610 = arith.mulf %get3A_33, %mul3A_609 : vector<128x128xf32>
    %add3A_611 = arith.addf %add3A_604, %mul3A_610 : vector<128x128xf32>
    %get3A_612 = arith.constant 7 : index
    %get3A_613 = arith.constant 6 : index
    %get3A_614 = vector.load %arg3[%get3A_612, %get3A_613] : memref<9x20xf32, #tpu.memory_space<vmem>>, vector<1x1xf32>
    %get3A_615 = vector.extract %get3A_614[0, 0] : f32 from vector<1x1xf32>
    %mul3A_616 = vector.broadcast %get3A_615 : f32 to vector<128x128xf32>
    %mul3A_617 = arith.mulf %get3A_38, %mul3A_616 : vector<128x128xf32>
    %add3A_618 = arith.addf %add3A_611, %mul3A_617 : vector<128x128xf32>
    %get3A_619 = arith.constant 8 : index
    %get3A_620 = arith.constant 6 : index
    %get3A_621 = vector.load %arg3[%get3A_619, %get3A_620] : memref<9x20xf32, #tpu.memory_space<vmem>>, vector<1x1xf32>
    %get3A_622 = vector.extract %get3A_621[0, 0] : f32 from vector<1x1xf32>
    %mul3A_623 = vector.broadcast %get3A_622 : f32 to vector<128x128xf32>
    %mul3A_624 = arith.mulf %add3A_51, %mul3A_623 : vector<128x128xf32>
    %add3A_625 = arith.addf %add3A_618, %mul3A_624 : vector<128x128xf32>
    %gt3A_626 = arith.constant 0.000000e+00 : f32
    %gt3A_627 = vector.broadcast %gt3A_626 : f32 to vector<128x128xf32>
    %gt3A_628 = arith.cmpf ogt, %add3A_625, %gt3A_627 : vector<128x128xf32>
    %min3A_629 = arith.constant 0.000000e+00 : f32
    %min3A_630 = vector.broadcast %min3A_629 : f32 to vector<128x128xf32>
    %min3A_631 = arith.minimumf %add3A_625, %min3A_630 : vector<128x128xf32>
    %exp3A_632 = math.exp %min3A_631 : vector<128x128xf32>
    %sub3A_633 = arith.constant 1.000000e+00 : f32
    %sub3A_634 = vector.broadcast %sub3A_633 : f32 to vector<128x128xf32>
    %sub3A_635 = arith.subf %exp3A_632, %sub3A_634 : vector<128x128xf32>
    %mul3A_636 = arith.constant 1.67326319 : f32
    %mul3A_637 = vector.broadcast %mul3A_636 : f32 to vector<128x128xf32>
    %mul3A_638 = arith.mulf %mul3A_637, %sub3A_635 : vector<128x128xf32>
    %select_n3A_639 = arith.select %gt3A_628, %add3A_625, %mul3A_638 : vector<128x128xi1>, vector<128x128xf32>
    %mul3A_640 = arith.constant 1.05070102 : f32
    %mul3A_641 = vector.broadcast %mul3A_640 : f32 to vector<128x128xf32>
    %mul3A_642 = arith.mulf %mul3A_641, %select_n3A_639 : vector<128x128xf32>
    %get3A_643 = arith.constant 0 : index
    %get3A_644 = arith.constant 7 : index
    %get3A_645 = vector.load %arg4[%get3A_643, %get3A_644] : memref<1x20xf32, #tpu.memory_space<vmem>>, vector<1x1xf32>
    %get3A_646 = vector.extract %get3A_645[0, 0] : f32 from vector<1x1xf32>
    %get3A_647 = arith.constant 0 : index
    %get3A_648 = arith.constant 7 : index
    %get3A_649 = vector.load %arg3[%get3A_647, %get3A_648] : memref<9x20xf32, #tpu.memory_space<vmem>>, vector<1x1xf32>
    %get3A_650 = vector.extract %get3A_649[0, 0] : f32 from vector<1x1xf32>
    %mul3A_651 = vector.broadcast %get3A_650 : f32 to vector<128x128xf32>
    %mul3A_652 = arith.mulf %get3A_3, %mul3A_651 : vector<128x128xf32>
    %add3A_653 = vector.broadcast %get3A_646 : f32 to vector<128x128xf32>
    %add3A_654 = arith.addf %add3A_653, %mul3A_652 : vector<128x128xf32>
    %get3A_655 = arith.constant 1 : index
    %get3A_656 = arith.constant 7 : index
    %get3A_657 = vector.load %arg3[%get3A_655, %get3A_656] : memref<9x20xf32, #tpu.memory_space<vmem>>, vector<1x1xf32>
    %get3A_658 = vector.extract %get3A_657[0, 0] : f32 from vector<1x1xf32>
    %mul3A_659 = vector.broadcast %get3A_658 : f32 to vector<128x128xf32>
    %mul3A_660 = arith.mulf %get3A_8, %mul3A_659 : vector<128x128xf32>
    %add3A_661 = arith.addf %add3A_654, %mul3A_660 : vector<128x128xf32>
    %get3A_662 = arith.constant 2 : index
    %get3A_663 = arith.constant 7 : index
    %get3A_664 = vector.load %arg3[%get3A_662, %get3A_663] : memref<9x20xf32, #tpu.memory_space<vmem>>, vector<1x1xf32>
    %get3A_665 = vector.extract %get3A_664[0, 0] : f32 from vector<1x1xf32>
    %mul3A_666 = vector.broadcast %get3A_665 : f32 to vector<128x128xf32>
    %mul3A_667 = arith.mulf %get3A_13, %mul3A_666 : vector<128x128xf32>
    %add3A_668 = arith.addf %add3A_661, %mul3A_667 : vector<128x128xf32>
    %get3A_669 = arith.constant 3 : index
    %get3A_670 = arith.constant 7 : index
    %get3A_671 = vector.load %arg3[%get3A_669, %get3A_670] : memref<9x20xf32, #tpu.memory_space<vmem>>, vector<1x1xf32>
    %get3A_672 = vector.extract %get3A_671[0, 0] : f32 from vector<1x1xf32>
    %mul3A_673 = vector.broadcast %get3A_672 : f32 to vector<128x128xf32>
    %mul3A_674 = arith.mulf %get3A_18, %mul3A_673 : vector<128x128xf32>
    %add3A_675 = arith.addf %add3A_668, %mul3A_674 : vector<128x128xf32>
    %get3A_676 = arith.constant 4 : index
    %get3A_677 = arith.constant 7 : index
    %get3A_678 = vector.load %arg3[%get3A_676, %get3A_677] : memref<9x20xf32, #tpu.memory_space<vmem>>, vector<1x1xf32>
    %get3A_679 = vector.extract %get3A_678[0, 0] : f32 from vector<1x1xf32>
    %mul3A_680 = vector.broadcast %get3A_679 : f32 to vector<128x128xf32>
    %mul3A_681 = arith.mulf %get3A_23, %mul3A_680 : vector<128x128xf32>
    %add3A_682 = arith.addf %add3A_675, %mul3A_681 : vector<128x128xf32>
    %get3A_683 = arith.constant 5 : index
    %get3A_684 = arith.constant 7 : index
    %get3A_685 = vector.load %arg3[%get3A_683, %get3A_684] : memref<9x20xf32, #tpu.memory_space<vmem>>, vector<1x1xf32>
    %get3A_686 = vector.extract %get3A_685[0, 0] : f32 from vector<1x1xf32>
    %mul3A_687 = vector.broadcast %get3A_686 : f32 to vector<128x128xf32>
    %mul3A_688 = arith.mulf %get3A_28, %mul3A_687 : vector<128x128xf32>
    %add3A_689 = arith.addf %add3A_682, %mul3A_688 : vector<128x128xf32>
    %get3A_690 = arith.constant 6 : index
    %get3A_691 = arith.constant 7 : index
    %get3A_692 = vector.load %arg3[%get3A_690, %get3A_691] : memref<9x20xf32, #tpu.memory_space<vmem>>, vector<1x1xf32>
    %get3A_693 = vector.extract %get3A_692[0, 0] : f32 from vector<1x1xf32>
    %mul3A_694 = vector.broadcast %get3A_693 : f32 to vector<128x128xf32>
    %mul3A_695 = arith.mulf %get3A_33, %mul3A_694 : vector<128x128xf32>
    %add3A_696 = arith.addf %add3A_689, %mul3A_695 : vector<128x128xf32>
    %get3A_697 = arith.constant 7 : index
    %get3A_698 = arith.constant 7 : index
    %get3A_699 = vector.load %arg3[%get3A_697, %get3A_698] : memref<9x20xf32, #tpu.memory_space<vmem>>, vector<1x1xf32>
    %get3A_700 = vector.extract %get3A_699[0, 0] : f32 from vector<1x1xf32>
    %mul3A_701 = vector.broadcast %get3A_700 : f32 to vector<128x128xf32>
    %mul3A_702 = arith.mulf %get3A_38, %mul3A_701 : vector<128x128xf32>
    %add3A_703 = arith.addf %add3A_696, %mul3A_702 : vector<128x128xf32>
    %get3A_704 = arith.constant 8 : index
    %get3A_705 = arith.constant 7 : index
    %get3A_706 = vector.load %arg3[%get3A_704, %get3A_705] : memref<9x20xf32, #tpu.memory_space<vmem>>, vector<1x1xf32>
    %get3A_707 = vector.extract %get3A_706[0, 0] : f32 from vector<1x1xf32>
    %mul3A_708 = vector.broadcast %get3A_707 : f32 to vector<128x128xf32>
    %mul3A_709 = arith.mulf %add3A_51, %mul3A_708 : vector<128x128xf32>
    %add3A_710 = arith.addf %add3A_703, %mul3A_709 : vector<128x128xf32>
    %gt3A_711 = arith.constant 0.000000e+00 : f32
    %gt3A_712 = vector.broadcast %gt3A_711 : f32 to vector<128x128xf32>
    %gt3A_713 = arith.cmpf ogt, %add3A_710, %gt3A_712 : vector<128x128xf32>
    %min3A_714 = arith.constant 0.000000e+00 : f32
    %min3A_715 = vector.broadcast %min3A_714 : f32 to vector<128x128xf32>
    %min3A_716 = arith.minimumf %add3A_710, %min3A_715 : vector<128x128xf32>
    %exp3A_717 = math.exp %min3A_716 : vector<128x128xf32>
    %sub3A_718 = arith.constant 1.000000e+00 : f32
    %sub3A_719 = vector.broadcast %sub3A_718 : f32 to vector<128x128xf32>
    %sub3A_720 = arith.subf %exp3A_717, %sub3A_719 : vector<128x128xf32>
    %mul3A_721 = arith.constant 1.67326319 : f32
    %mul3A_722 = vector.broadcast %mul3A_721 : f32 to vector<128x128xf32>
    %mul3A_723 = arith.mulf %mul3A_722, %sub3A_720 : vector<128x128xf32>
    %select_n3A_724 = arith.select %gt3A_713, %add3A_710, %mul3A_723 : vector<128x128xi1>, vector<128x128xf32>
    %mul3A_725 = arith.constant 1.05070102 : f32
    %mul3A_726 = vector.broadcast %mul3A_725 : f32 to vector<128x128xf32>
    %mul3A_727 = arith.mulf %mul3A_726, %select_n3A_724 : vector<128x128xf32>
    %get3A_728 = arith.constant 0 : index
    %get3A_729 = arith.constant 8 : index
    %get3A_730 = vector.load %arg4[%get3A_728, %get3A_729] : memref<1x20xf32, #tpu.memory_space<vmem>>, vector<1x1xf32>
    %get3A_731 = vector.extract %get3A_730[0, 0] : f32 from vector<1x1xf32>
    %get3A_732 = arith.constant 0 : index
    %get3A_733 = arith.constant 8 : index
    %get3A_734 = vector.load %arg3[%get3A_732, %get3A_733] : memref<9x20xf32, #tpu.memory_space<vmem>>, vector<1x1xf32>
    %get3A_735 = vector.extract %get3A_734[0, 0] : f32 from vector<1x1xf32>
    %mul3A_736 = vector.broadcast %get3A_735 : f32 to vector<128x128xf32>
    %mul3A_737 = arith.mulf %get3A_3, %mul3A_736 : vector<128x128xf32>
    %add3A_738 = vector.broadcast %get3A_731 : f32 to vector<128x128xf32>
    %add3A_739 = arith.addf %add3A_738, %mul3A_737 : vector<128x128xf32>
    %get3A_740 = arith.constant 1 : index
    %get3A_741 = arith.constant 8 : index
    %get3A_742 = vector.load %arg3[%get3A_740, %get3A_741] : memref<9x20xf32, #tpu.memory_space<vmem>>, vector<1x1xf32>
    %get3A_743 = vector.extract %get3A_742[0, 0] : f32 from vector<1x1xf32>
    %mul3A_744 = vector.broadcast %get3A_743 : f32 to vector<128x128xf32>
    %mul3A_745 = arith.mulf %get3A_8, %mul3A_744 : vector<128x128xf32>
    %add3A_746 = arith.addf %add3A_739, %mul3A_745 : vector<128x128xf32>
    %get3A_747 = arith.constant 2 : index
    %get3A_748 = arith.constant 8 : index
    %get3A_749 = vector.load %arg3[%get3A_747, %get3A_748] : memref<9x20xf32, #tpu.memory_space<vmem>>, vector<1x1xf32>
    %get3A_750 = vector.extract %get3A_749[0, 0] : f32 from vector<1x1xf32>
    %mul3A_751 = vector.broadcast %get3A_750 : f32 to vector<128x128xf32>
    %mul3A_752 = arith.mulf %get3A_13, %mul3A_751 : vector<128x128xf32>
    %add3A_753 = arith.addf %add3A_746, %mul3A_752 : vector<128x128xf32>
    %get3A_754 = arith.constant 3 : index
    %get3A_755 = arith.constant 8 : index
    %get3A_756 = vector.load %arg3[%get3A_754, %get3A_755] : memref<9x20xf32, #tpu.memory_space<vmem>>, vector<1x1xf32>
    %get3A_757 = vector.extract %get3A_756[0, 0] : f32 from vector<1x1xf32>
    %mul3A_758 = vector.broadcast %get3A_757 : f32 to vector<128x128xf32>
    %mul3A_759 = arith.mulf %get3A_18, %mul3A_758 : vector<128x128xf32>
    %add3A_760 = arith.addf %add3A_753, %mul3A_759 : vector<128x128xf32>
    %get3A_761 = arith.constant 4 : index
    %get3A_762 = arith.constant 8 : index
    %get3A_763 = vector.load %arg3[%get3A_761, %get3A_762] : memref<9x20xf32, #tpu.memory_space<vmem>>, vector<1x1xf32>
    %get3A_764 = vector.extract %get3A_763[0, 0] : f32 from vector<1x1xf32>
    %mul3A_765 = vector.broadcast %get3A_764 : f32 to vector<128x128xf32>
    %mul3A_766 = arith.mulf %get3A_23, %mul3A_765 : vector<128x128xf32>
    %add3A_767 = arith.addf %add3A_760, %mul3A_766 : vector<128x128xf32>
    %get3A_768 = arith.constant 5 : index
    %get3A_769 = arith.constant 8 : index
    %get3A_770 = vector.load %arg3[%get3A_768, %get3A_769] : memref<9x20xf32, #tpu.memory_space<vmem>>, vector<1x1xf32>
    %get3A_771 = vector.extract %get3A_770[0, 0] : f32 from vector<1x1xf32>
    %mul3A_772 = vector.broadcast %get3A_771 : f32 to vector<128x128xf32>
    %mul3A_773 = arith.mulf %get3A_28, %mul3A_772 : vector<128x128xf32>
    %add3A_774 = arith.addf %add3A_767, %mul3A_773 : vector<128x128xf32>
    %get3A_775 = arith.constant 6 : index
    %get3A_776 = arith.constant 8 : index
    %get3A_777 = vector.load %arg3[%get3A_775, %get3A_776] : memref<9x20xf32, #tpu.memory_space<vmem>>, vector<1x1xf32>
    %get3A_778 = vector.extract %get3A_777[0, 0] : f32 from vector<1x1xf32>
    %mul3A_779 = vector.broadcast %get3A_778 : f32 to vector<128x128xf32>
    %mul3A_780 = arith.mulf %get3A_33, %mul3A_779 : vector<128x128xf32>
    %add3A_781 = arith.addf %add3A_774, %mul3A_780 : vector<128x128xf32>
    %get3A_782 = arith.constant 7 : index
    %get3A_783 = arith.constant 8 : index
    %get3A_784 = vector.load %arg3[%get3A_782, %get3A_783] : memref<9x20xf32, #tpu.memory_space<vmem>>, vector<1x1xf32>
    %get3A_785 = vector.extract %get3A_784[0, 0] : f32 from vector<1x1xf32>
    %mul3A_786 = vector.broadcast %get3A_785 : f32 to vector<128x128xf32>
    %mul3A_787 = arith.mulf %get3A_38, %mul3A_786 : vector<128x128xf32>
    %add3A_788 = arith.addf %add3A_781, %mul3A_787 : vector<128x128xf32>
    %get3A_789 = arith.constant 8 : index
    %get3A_790 = arith.constant 8 : index
    %get3A_791 = vector.load %arg3[%get3A_789, %get3A_790] : memref<9x20xf32, #tpu.memory_space<vmem>>, vector<1x1xf32>
    %get3A_792 = vector.extract %get3A_791[0, 0] : f32 from vector<1x1xf32>
    %mul3A_793 = vector.broadcast %get3A_792 : f32 to vector<128x128xf32>
    %mul3A_794 = arith.mulf %add3A_51, %mul3A_793 : vector<128x128xf32>
    %add3A_795 = arith.addf %add3A_788, %mul3A_794 : vector<128x128xf32>
    %gt3A_796 = arith.constant 0.000000e+00 : f32
    %gt3A_797 = vector.broadcast %gt3A_796 : f32 to vector<128x128xf32>
    %gt3A_798 = arith.cmpf ogt, %add3A_795, %gt3A_797 : vector<128x128xf32>
    %min3A_799 = arith.constant 0.000000e+00 : f32
    %min3A_800 = vector.broadcast %min3A_799 : f32 to vector<128x128xf32>
    %min3A_801 = arith.minimumf %add3A_795, %min3A_800 : vector<128x128xf32>
    %exp3A_802 = math.exp %min3A_801 : vector<128x128xf32>
    %sub3A_803 = arith.constant 1.000000e+00 : f32
    %sub3A_804 = vector.broadcast %sub3A_803 : f32 to vector<128x128xf32>
    %sub3A_805 = arith.subf %exp3A_802, %sub3A_804 : vector<128x128xf32>
    %mul3A_806 = arith.constant 1.67326319 : f32
    %mul3A_807 = vector.broadcast %mul3A_806 : f32 to vector<128x128xf32>
    %mul3A_808 = arith.mulf %mul3A_807, %sub3A_805 : vector<128x128xf32>
    %select_n3A_809 = arith.select %gt3A_798, %add3A_795, %mul3A_808 : vector<128x128xi1>, vector<128x128xf32>
    %mul3A_810 = arith.constant 1.05070102 : f32
    %mul3A_811 = vector.broadcast %mul3A_810 : f32 to vector<128x128xf32>
    %mul3A_812 = arith.mulf %mul3A_811, %select_n3A_809 : vector<128x128xf32>
    %get3A_813 = arith.constant 0 : index
    %get3A_814 = arith.constant 9 : index
    %get3A_815 = vector.load %arg4[%get3A_813, %get3A_814] : memref<1x20xf32, #tpu.memory_space<vmem>>, vector<1x1xf32>
    %get3A_816 = vector.extract %get3A_815[0, 0] : f32 from vector<1x1xf32>
    %get3A_817 = arith.constant 0 : index
    %get3A_818 = arith.constant 9 : index
    %get3A_819 = vector.load %arg3[%get3A_817, %get3A_818] : memref<9x20xf32, #tpu.memory_space<vmem>>, vector<1x1xf32>
    %get3A_820 = vector.extract %get3A_819[0, 0] : f32 from vector<1x1xf32>
    %mul3A_821 = vector.broadcast %get3A_820 : f32 to vector<128x128xf32>
    %mul3A_822 = arith.mulf %get3A_3, %mul3A_821 : vector<128x128xf32>
    %add3A_823 = vector.broadcast %get3A_816 : f32 to vector<128x128xf32>
    %add3A_824 = arith.addf %add3A_823, %mul3A_822 : vector<128x128xf32>
    %get3A_825 = arith.constant 1 : index
    %get3A_826 = arith.constant 9 : index
    %get3A_827 = vector.load %arg3[%get3A_825, %get3A_826] : memref<9x20xf32, #tpu.memory_space<vmem>>, vector<1x1xf32>
    %get3A_828 = vector.extract %get3A_827[0, 0] : f32 from vector<1x1xf32>
    %mul3A_829 = vector.broadcast %get3A_828 : f32 to vector<128x128xf32>
    %mul3A_830 = arith.mulf %get3A_8, %mul3A_829 : vector<128x128xf32>
    %add3A_831 = arith.addf %add3A_824, %mul3A_830 : vector<128x128xf32>
    %get3A_832 = arith.constant 2 : index
    %get3A_833 = arith.constant 9 : index
    %get3A_834 = vector.load %arg3[%get3A_832, %get3A_833] : memref<9x20xf32, #tpu.memory_space<vmem>>, vector<1x1xf32>
    %get3A_835 = vector.extract %get3A_834[0, 0] : f32 from vector<1x1xf32>
    %mul3A_836 = vector.broadcast %get3A_835 : f32 to vector<128x128xf32>
    %mul3A_837 = arith.mulf %get3A_13, %mul3A_836 : vector<128x128xf32>
    %add3A_838 = arith.addf %add3A_831, %mul3A_837 : vector<128x128xf32>
    %get3A_839 = arith.constant 3 : index
    %get3A_840 = arith.constant 9 : index
    %get3A_841 = vector.load %arg3[%get3A_839, %get3A_840] : memref<9x20xf32, #tpu.memory_space<vmem>>, vector<1x1xf32>
    %get3A_842 = vector.extract %get3A_841[0, 0] : f32 from vector<1x1xf32>
    %mul3A_843 = vector.broadcast %get3A_842 : f32 to vector<128x128xf32>
    %mul3A_844 = arith.mulf %get3A_18, %mul3A_843 : vector<128x128xf32>
    %add3A_845 = arith.addf %add3A_838, %mul3A_844 : vector<128x128xf32>
    %get3A_846 = arith.constant 4 : index
    %get3A_847 = arith.constant 9 : index
    %get3A_848 = vector.load %arg3[%get3A_846, %get3A_847] : memref<9x20xf32, #tpu.memory_space<vmem>>, vector<1x1xf32>
    %get3A_849 = vector.extract %get3A_848[0, 0] : f32 from vector<1x1xf32>
    %mul3A_850 = vector.broadcast %get3A_849 : f32 to vector<128x128xf32>
    %mul3A_851 = arith.mulf %get3A_23, %mul3A_850 : vector<128x128xf32>
    %add3A_852 = arith.addf %add3A_845, %mul3A_851 : vector<128x128xf32>
    %get3A_853 = arith.constant 5 : index
    %get3A_854 = arith.constant 9 : index
    %get3A_855 = vector.load %arg3[%get3A_853, %get3A_854] : memref<9x20xf32, #tpu.memory_space<vmem>>, vector<1x1xf32>
    %get3A_856 = vector.extract %get3A_855[0, 0] : f32 from vector<1x1xf32>
    %mul3A_857 = vector.broadcast %get3A_856 : f32 to vector<128x128xf32>
    %mul3A_858 = arith.mulf %get3A_28, %mul3A_857 : vector<128x128xf32>
    %add3A_859 = arith.addf %add3A_852, %mul3A_858 : vector<128x128xf32>
    %get3A_860 = arith.constant 6 : index
    %get3A_861 = arith.constant 9 : index
    %get3A_862 = vector.load %arg3[%get3A_860, %get3A_861] : memref<9x20xf32, #tpu.memory_space<vmem>>, vector<1x1xf32>
    %get3A_863 = vector.extract %get3A_862[0, 0] : f32 from vector<1x1xf32>
    %mul3A_864 = vector.broadcast %get3A_863 : f32 to vector<128x128xf32>
    %mul3A_865 = arith.mulf %get3A_33, %mul3A_864 : vector<128x128xf32>
    %add3A_866 = arith.addf %add3A_859, %mul3A_865 : vector<128x128xf32>
    %get3A_867 = arith.constant 7 : index
    %get3A_868 = arith.constant 9 : index
    %get3A_869 = vector.load %arg3[%get3A_867, %get3A_868] : memref<9x20xf32, #tpu.memory_space<vmem>>, vector<1x1xf32>
    %get3A_870 = vector.extract %get3A_869[0, 0] : f32 from vector<1x1xf32>
    %mul3A_871 = vector.broadcast %get3A_870 : f32 to vector<128x128xf32>
    %mul3A_872 = arith.mulf %get3A_38, %mul3A_871 : vector<128x128xf32>
    %add3A_873 = arith.addf %add3A_866, %mul3A_872 : vector<128x128xf32>
    %get3A_874 = arith.constant 8 : index
    %get3A_875 = arith.constant 9 : index
    %get3A_876 = vector.load %arg3[%get3A_874, %get3A_875] : memref<9x20xf32, #tpu.memory_space<vmem>>, vector<1x1xf32>
    %get3A_877 = vector.extract %get3A_876[0, 0] : f32 from vector<1x1xf32>
    %mul3A_878 = vector.broadcast %get3A_877 : f32 to vector<128x128xf32>
    %mul3A_879 = arith.mulf %add3A_51, %mul3A_878 : vector<128x128xf32>
    %add3A_880 = arith.addf %add3A_873, %mul3A_879 : vector<128x128xf32>
    %gt3A_881 = arith.constant 0.000000e+00 : f32
    %gt3A_882 = vector.broadcast %gt3A_881 : f32 to vector<128x128xf32>
    %gt3A_883 = arith.cmpf ogt, %add3A_880, %gt3A_882 : vector<128x128xf32>
    %min3A_884 = arith.constant 0.000000e+00 : f32
    %min3A_885 = vector.broadcast %min3A_884 : f32 to vector<128x128xf32>
    %min3A_886 = arith.minimumf %add3A_880, %min3A_885 : vector<128x128xf32>
    %exp3A_887 = math.exp %min3A_886 : vector<128x128xf32>
    %sub3A_888 = arith.constant 1.000000e+00 : f32
    %sub3A_889 = vector.broadcast %sub3A_888 : f32 to vector<128x128xf32>
    %sub3A_890 = arith.subf %exp3A_887, %sub3A_889 : vector<128x128xf32>
    %mul3A_891 = arith.constant 1.67326319 : f32
    %mul3A_892 = vector.broadcast %mul3A_891 : f32 to vector<128x128xf32>
    %mul3A_893 = arith.mulf %mul3A_892, %sub3A_890 : vector<128x128xf32>
    %select_n3A_894 = arith.select %gt3A_883, %add3A_880, %mul3A_893 : vector<128x128xi1>, vector<128x128xf32>
    %mul3A_895 = arith.constant 1.05070102 : f32
    %mul3A_896 = vector.broadcast %mul3A_895 : f32 to vector<128x128xf32>
    %mul3A_897 = arith.mulf %mul3A_896, %select_n3A_894 : vector<128x128xf32>
    %get3A_898 = arith.constant 0 : index
    %get3A_899 = arith.constant 10 : index
    %get3A_900 = vector.load %arg4[%get3A_898, %get3A_899] : memref<1x20xf32, #tpu.memory_space<vmem>>, vector<1x1xf32>
    %get3A_901 = vector.extract %get3A_900[0, 0] : f32 from vector<1x1xf32>
    %get3A_902 = arith.constant 0 : index
    %get3A_903 = arith.constant 10 : index
    %get3A_904 = vector.load %arg3[%get3A_902, %get3A_903] : memref<9x20xf32, #tpu.memory_space<vmem>>, vector<1x1xf32>
    %get3A_905 = vector.extract %get3A_904[0, 0] : f32 from vector<1x1xf32>
    %mul3A_906 = vector.broadcast %get3A_905 : f32 to vector<128x128xf32>
    %mul3A_907 = arith.mulf %get3A_3, %mul3A_906 : vector<128x128xf32>
    %add3A_908 = vector.broadcast %get3A_901 : f32 to vector<128x128xf32>
    %add3A_909 = arith.addf %add3A_908, %mul3A_907 : vector<128x128xf32>
    %get3A_910 = arith.constant 1 : index
    %get3A_911 = arith.constant 10 : index
    %get3A_912 = vector.load %arg3[%get3A_910, %get3A_911] : memref<9x20xf32, #tpu.memory_space<vmem>>, vector<1x1xf32>
    %get3A_913 = vector.extract %get3A_912[0, 0] : f32 from vector<1x1xf32>
    %mul3A_914 = vector.broadcast %get3A_913 : f32 to vector<128x128xf32>
    %mul3A_915 = arith.mulf %get3A_8, %mul3A_914 : vector<128x128xf32>
    %add3A_916 = arith.addf %add3A_909, %mul3A_915 : vector<128x128xf32>
    %get3A_917 = arith.constant 2 : index
    %get3A_918 = arith.constant 10 : index
    %get3A_919 = vector.load %arg3[%get3A_917, %get3A_918] : memref<9x20xf32, #tpu.memory_space<vmem>>, vector<1x1xf32>
    %get3A_920 = vector.extract %get3A_919[0, 0] : f32 from vector<1x1xf32>
    %mul3A_921 = vector.broadcast %get3A_920 : f32 to vector<128x128xf32>
    %mul3A_922 = arith.mulf %get3A_13, %mul3A_921 : vector<128x128xf32>
    %add3A_923 = arith.addf %add3A_916, %mul3A_922 : vector<128x128xf32>
    %get3A_924 = arith.constant 3 : index
    %get3A_925 = arith.constant 10 : index
    %get3A_926 = vector.load %arg3[%get3A_924, %get3A_925] : memref<9x20xf32, #tpu.memory_space<vmem>>, vector<1x1xf32>
    %get3A_927 = vector.extract %get3A_926[0, 0] : f32 from vector<1x1xf32>
    %mul3A_928 = vector.broadcast %get3A_927 : f32 to vector<128x128xf32>
    %mul3A_929 = arith.mulf %get3A_18, %mul3A_928 : vector<128x128xf32>
    %add3A_930 = arith.addf %add3A_923, %mul3A_929 : vector<128x128xf32>
    %get3A_931 = arith.constant 4 : index
    %get3A_932 = arith.constant 10 : index
    %get3A_933 = vector.load %arg3[%get3A_931, %get3A_932] : memref<9x20xf32, #tpu.memory_space<vmem>>, vector<1x1xf32>
    %get3A_934 = vector.extract %get3A_933[0, 0] : f32 from vector<1x1xf32>
    %mul3A_935 = vector.broadcast %get3A_934 : f32 to vector<128x128xf32>
    %mul3A_936 = arith.mulf %get3A_23, %mul3A_935 : vector<128x128xf32>
    %add3A_937 = arith.addf %add3A_930, %mul3A_936 : vector<128x128xf32>
    %get3A_938 = arith.constant 5 : index
    %get3A_939 = arith.constant 10 : index
    %get3A_940 = vector.load %arg3[%get3A_938, %get3A_939] : memref<9x20xf32, #tpu.memory_space<vmem>>, vector<1x1xf32>
    %get3A_941 = vector.extract %get3A_940[0, 0] : f32 from vector<1x1xf32>
    %mul3A_942 = vector.broadcast %get3A_941 : f32 to vector<128x128xf32>
    %mul3A_943 = arith.mulf %get3A_28, %mul3A_942 : vector<128x128xf32>
    %add3A_944 = arith.addf %add3A_937, %mul3A_943 : vector<128x128xf32>
    %get3A_945 = arith.constant 6 : index
    %get3A_946 = arith.constant 10 : index
    %get3A_947 = vector.load %arg3[%get3A_945, %get3A_946] : memref<9x20xf32, #tpu.memory_space<vmem>>, vector<1x1xf32>
    %get3A_948 = vector.extract %get3A_947[0, 0] : f32 from vector<1x1xf32>
    %mul3A_949 = vector.broadcast %get3A_948 : f32 to vector<128x128xf32>
    %mul3A_950 = arith.mulf %get3A_33, %mul3A_949 : vector<128x128xf32>
    %add3A_951 = arith.addf %add3A_944, %mul3A_950 : vector<128x128xf32>
    %get3A_952 = arith.constant 7 : index
    %get3A_953 = arith.constant 10 : index
    %get3A_954 = vector.load %arg3[%get3A_952, %get3A_953] : memref<9x20xf32, #tpu.memory_space<vmem>>, vector<1x1xf32>
    %get3A_955 = vector.extract %get3A_954[0, 0] : f32 from vector<1x1xf32>
    %mul3A_956 = vector.broadcast %get3A_955 : f32 to vector<128x128xf32>
    %mul3A_957 = arith.mulf %get3A_38, %mul3A_956 : vector<128x128xf32>
    %add3A_958 = arith.addf %add3A_951, %mul3A_957 : vector<128x128xf32>
    %get3A_959 = arith.constant 8 : index
    %get3A_960 = arith.constant 10 : index
    %get3A_961 = vector.load %arg3[%get3A_959, %get3A_960] : memref<9x20xf32, #tpu.memory_space<vmem>>, vector<1x1xf32>
    %get3A_962 = vector.extract %get3A_961[0, 0] : f32 from vector<1x1xf32>
    %mul3A_963 = vector.broadcast %get3A_962 : f32 to vector<128x128xf32>
    %mul3A_964 = arith.mulf %add3A_51, %mul3A_963 : vector<128x128xf32>
    %add3A_965 = arith.addf %add3A_958, %mul3A_964 : vector<128x128xf32>
    %gt3A_966 = arith.constant 0.000000e+00 : f32
    %gt3A_967 = vector.broadcast %gt3A_966 : f32 to vector<128x128xf32>
    %gt3A_968 = arith.cmpf ogt, %add3A_965, %gt3A_967 : vector<128x128xf32>
    %min3A_969 = arith.constant 0.000000e+00 : f32
    %min3A_970 = vector.broadcast %min3A_969 : f32 to vector<128x128xf32>
    %min3A_971 = arith.minimumf %add3A_965, %min3A_970 : vector<128x128xf32>
    %exp3A_972 = math.exp %min3A_971 : vector<128x128xf32>
    %sub3A_973 = arith.constant 1.000000e+00 : f32
    %sub3A_974 = vector.broadcast %sub3A_973 : f32 to vector<128x128xf32>
    %sub3A_975 = arith.subf %exp3A_972, %sub3A_974 : vector<128x128xf32>
    %mul3A_976 = arith.constant 1.67326319 : f32
    %mul3A_977 = vector.broadcast %mul3A_976 : f32 to vector<128x128xf32>
    %mul3A_978 = arith.mulf %mul3A_977, %sub3A_975 : vector<128x128xf32>
    %select_n3A_979 = arith.select %gt3A_968, %add3A_965, %mul3A_978 : vector<128x128xi1>, vector<128x128xf32>
    %mul3A_980 = arith.constant 1.05070102 : f32
    %mul3A_981 = vector.broadcast %mul3A_980 : f32 to vector<128x128xf32>
    %mul3A_982 = arith.mulf %mul3A_981, %select_n3A_979 : vector<128x128xf32>
    %get3A_983 = arith.constant 0 : index
    %get3A_984 = arith.constant 11 : index
    %get3A_985 = vector.load %arg4[%get3A_983, %get3A_984] : memref<1x20xf32, #tpu.memory_space<vmem>>, vector<1x1xf32>
    %get3A_986 = vector.extract %get3A_985[0, 0] : f32 from vector<1x1xf32>
    %get3A_987 = arith.constant 0 : index
    %get3A_988 = arith.constant 11 : index
    %get3A_989 = vector.load %arg3[%get3A_987, %get3A_988] : memref<9x20xf32, #tpu.memory_space<vmem>>, vector<1x1xf32>
    %get3A_990 = vector.extract %get3A_989[0, 0] : f32 from vector<1x1xf32>
    %mul3A_991 = vector.broadcast %get3A_990 : f32 to vector<128x128xf32>
    %mul3A_992 = arith.mulf %get3A_3, %mul3A_991 : vector<128x128xf32>
    %add3A_993 = vector.broadcast %get3A_986 : f32 to vector<128x128xf32>
    %add3A_994 = arith.addf %add3A_993, %mul3A_992 : vector<128x128xf32>
    %get3A_995 = arith.constant 1 : index
    %get3A_996 = arith.constant 11 : index
    %get3A_997 = vector.load %arg3[%get3A_995, %get3A_996] : memref<9x20xf32, #tpu.memory_space<vmem>>, vector<1x1xf32>
    %get3A_998 = vector.extract %get3A_997[0, 0] : f32 from vector<1x1xf32>
    %mul3A_999 = vector.broadcast %get3A_998 : f32 to vector<128x128xf32>
    %mul3A_1000 = arith.mulf %get3A_8, %mul3A_999 : vector<128x128xf32>
    %add3A_1001 = arith.addf %add3A_994, %mul3A_1000 : vector<128x128xf32>
    %get3A_1002 = arith.constant 2 : index
    %get3A_1003 = arith.constant 11 : index
    %get3A_1004 = vector.load %arg3[%get3A_1002, %get3A_1003] : memref<9x20xf32, #tpu.memory_space<vmem>>, vector<1x1xf32>
    %get3A_1005 = vector.extract %get3A_1004[0, 0] : f32 from vector<1x1xf32>
    %mul3A_1006 = vector.broadcast %get3A_1005 : f32 to vector<128x128xf32>
    %mul3A_1007 = arith.mulf %get3A_13, %mul3A_1006 : vector<128x128xf32>
    %add3A_1008 = arith.addf %add3A_1001, %mul3A_1007 : vector<128x128xf32>
    %get3A_1009 = arith.constant 3 : index
    %get3A_1010 = arith.constant 11 : index
    %get3A_1011 = vector.load %arg3[%get3A_1009, %get3A_1010] : memref<9x20xf32, #tpu.memory_space<vmem>>, vector<1x1xf32>
    %get3A_1012 = vector.extract %get3A_1011[0, 0] : f32 from vector<1x1xf32>
    %mul3A_1013 = vector.broadcast %get3A_1012 : f32 to vector<128x128xf32>
    %mul3A_1014 = arith.mulf %get3A_18, %mul3A_1013 : vector<128x128xf32>
    %add3A_1015 = arith.addf %add3A_1008, %mul3A_1014 : vector<128x128xf32>
    %get3A_1016 = arith.constant 4 : index
    %get3A_1017 = arith.constant 11 : index
    %get3A_1018 = vector.load %arg3[%get3A_1016, %get3A_1017] : memref<9x20xf32, #tpu.memory_space<vmem>>, vector<1x1xf32>
    %get3A_1019 = vector.extract %get3A_1018[0, 0] : f32 from vector<1x1xf32>
    %mul3A_1020 = vector.broadcast %get3A_1019 : f32 to vector<128x128xf32>
    %mul3A_1021 = arith.mulf %get3A_23, %mul3A_1020 : vector<128x128xf32>
    %add3A_1022 = arith.addf %add3A_1015, %mul3A_1021 : vector<128x128xf32>
    %get3A_1023 = arith.constant 5 : index
    %get3A_1024 = arith.constant 11 : index
    %get3A_1025 = vector.load %arg3[%get3A_1023, %get3A_1024] : memref<9x20xf32, #tpu.memory_space<vmem>>, vector<1x1xf32>
    %get3A_1026 = vector.extract %get3A_1025[0, 0] : f32 from vector<1x1xf32>
    %mul3A_1027 = vector.broadcast %get3A_1026 : f32 to vector<128x128xf32>
    %mul3A_1028 = arith.mulf %get3A_28, %mul3A_1027 : vector<128x128xf32>
    %add3A_1029 = arith.addf %add3A_1022, %mul3A_1028 : vector<128x128xf32>
    %get3A_1030 = arith.constant 6 : index
    %get3A_1031 = arith.constant 11 : index
    %get3A_1032 = vector.load %arg3[%get3A_1030, %get3A_1031] : memref<9x20xf32, #tpu.memory_space<vmem>>, vector<1x1xf32>
    %get3A_1033 = vector.extract %get3A_1032[0, 0] : f32 from vector<1x1xf32>
    %mul3A_1034 = vector.broadcast %get3A_1033 : f32 to vector<128x128xf32>
    %mul3A_1035 = arith.mulf %get3A_33, %mul3A_1034 : vector<128x128xf32>
    %add3A_1036 = arith.addf %add3A_1029, %mul3A_1035 : vector<128x128xf32>
    %get3A_1037 = arith.constant 7 : index
    %get3A_1038 = arith.constant 11 : index
    %get3A_1039 = vector.load %arg3[%get3A_1037, %get3A_1038] : memref<9x20xf32, #tpu.memory_space<vmem>>, vector<1x1xf32>
    %get3A_1040 = vector.extract %get3A_1039[0, 0] : f32 from vector<1x1xf32>
    %mul3A_1041 = vector.broadcast %get3A_1040 : f32 to vector<128x128xf32>
    %mul3A_1042 = arith.mulf %get3A_38, %mul3A_1041 : vector<128x128xf32>
    %add3A_1043 = arith.addf %add3A_1036, %mul3A_1042 : vector<128x128xf32>
    %get3A_1044 = arith.constant 8 : index
    %get3A_1045 = arith.constant 11 : index
    %get3A_1046 = vector.load %arg3[%get3A_1044, %get3A_1045] : memref<9x20xf32, #tpu.memory_space<vmem>>, vector<1x1xf32>
    %get3A_1047 = vector.extract %get3A_1046[0, 0] : f32 from vector<1x1xf32>
    %mul3A_1048 = vector.broadcast %get3A_1047 : f32 to vector<128x128xf32>
    %mul3A_1049 = arith.mulf %add3A_51, %mul3A_1048 : vector<128x128xf32>
    %add3A_1050 = arith.addf %add3A_1043, %mul3A_1049 : vector<128x128xf32>
    %gt3A_1051 = arith.constant 0.000000e+00 : f32
    %gt3A_1052 = vector.broadcast %gt3A_1051 : f32 to vector<128x128xf32>
    %gt3A_1053 = arith.cmpf ogt, %add3A_1050, %gt3A_1052 : vector<128x128xf32>
    %min3A_1054 = arith.constant 0.000000e+00 : f32
    %min3A_1055 = vector.broadcast %min3A_1054 : f32 to vector<128x128xf32>
    %min3A_1056 = arith.minimumf %add3A_1050, %min3A_1055 : vector<128x128xf32>
    %exp3A_1057 = math.exp %min3A_1056 : vector<128x128xf32>
    %sub3A_1058 = arith.constant 1.000000e+00 : f32
    %sub3A_1059 = vector.broadcast %sub3A_1058 : f32 to vector<128x128xf32>
    %sub3A_1060 = arith.subf %exp3A_1057, %sub3A_1059 : vector<128x128xf32>
    %mul3A_1061 = arith.constant 1.67326319 : f32
    %mul3A_1062 = vector.broadcast %mul3A_1061 : f32 to vector<128x128xf32>
    %mul3A_1063 = arith.mulf %mul3A_1062, %sub3A_1060 : vector<128x128xf32>
    %select_n3A_1064 = arith.select %gt3A_1053, %add3A_1050, %mul3A_1063 : vector<128x128xi1>, vector<128x128xf32>
    %mul3A_1065 = arith.constant 1.05070102 : f32
    %mul3A_1066 = vector.broadcast %mul3A_1065 : f32 to vector<128x128xf32>
    %mul3A_1067 = arith.mulf %mul3A_1066, %select_n3A_1064 : vector<128x128xf32>
    %get3A_1068 = arith.constant 0 : index
    %get3A_1069 = arith.constant 12 : index
    %get3A_1070 = vector.load %arg4[%get3A_1068, %get3A_1069] : memref<1x20xf32, #tpu.memory_space<vmem>>, vector<1x1xf32>
    %get3A_1071 = vector.extract %get3A_1070[0, 0] : f32 from vector<1x1xf32>
    %get3A_1072 = arith.constant 0 : index
    %get3A_1073 = arith.constant 12 : index
    %get3A_1074 = vector.load %arg3[%get3A_1072, %get3A_1073] : memref<9x20xf32, #tpu.memory_space<vmem>>, vector<1x1xf32>
    %get3A_1075 = vector.extract %get3A_1074[0, 0] : f32 from vector<1x1xf32>
    %mul3A_1076 = vector.broadcast %get3A_1075 : f32 to vector<128x128xf32>
    %mul3A_1077 = arith.mulf %get3A_3, %mul3A_1076 : vector<128x128xf32>
    %add3A_1078 = vector.broadcast %get3A_1071 : f32 to vector<128x128xf32>
    %add3A_1079 = arith.addf %add3A_1078, %mul3A_1077 : vector<128x128xf32>
    %get3A_1080 = arith.constant 1 : index
    %get3A_1081 = arith.constant 12 : index
    %get3A_1082 = vector.load %arg3[%get3A_1080, %get3A_1081] : memref<9x20xf32, #tpu.memory_space<vmem>>, vector<1x1xf32>
    %get3A_1083 = vector.extract %get3A_1082[0, 0] : f32 from vector<1x1xf32>
    %mul3A_1084 = vector.broadcast %get3A_1083 : f32 to vector<128x128xf32>
    %mul3A_1085 = arith.mulf %get3A_8, %mul3A_1084 : vector<128x128xf32>
    %add3A_1086 = arith.addf %add3A_1079, %mul3A_1085 : vector<128x128xf32>
    %get3A_1087 = arith.constant 2 : index
    %get3A_1088 = arith.constant 12 : index
    %get3A_1089 = vector.load %arg3[%get3A_1087, %get3A_1088] : memref<9x20xf32, #tpu.memory_space<vmem>>, vector<1x1xf32>
    %get3A_1090 = vector.extract %get3A_1089[0, 0] : f32 from vector<1x1xf32>
    %mul3A_1091 = vector.broadcast %get3A_1090 : f32 to vector<128x128xf32>
    %mul3A_1092 = arith.mulf %get3A_13, %mul3A_1091 : vector<128x128xf32>
    %add3A_1093 = arith.addf %add3A_1086, %mul3A_1092 : vector<128x128xf32>
    %get3A_1094 = arith.constant 3 : index
    %get3A_1095 = arith.constant 12 : index
    %get3A_1096 = vector.load %arg3[%get3A_1094, %get3A_1095] : memref<9x20xf32, #tpu.memory_space<vmem>>, vector<1x1xf32>
    %get3A_1097 = vector.extract %get3A_1096[0, 0] : f32 from vector<1x1xf32>
    %mul3A_1098 = vector.broadcast %get3A_1097 : f32 to vector<128x128xf32>
    %mul3A_1099 = arith.mulf %get3A_18, %mul3A_1098 : vector<128x128xf32>
    %add3A_1100 = arith.addf %add3A_1093, %mul3A_1099 : vector<128x128xf32>
    %get3A_1101 = arith.constant 4 : index
    %get3A_1102 = arith.constant 12 : index
    %get3A_1103 = vector.load %arg3[%get3A_1101, %get3A_1102] : memref<9x20xf32, #tpu.memory_space<vmem>>, vector<1x1xf32>
    %get3A_1104 = vector.extract %get3A_1103[0, 0] : f32 from vector<1x1xf32>
    %mul3A_1105 = vector.broadcast %get3A_1104 : f32 to vector<128x128xf32>
    %mul3A_1106 = arith.mulf %get3A_23, %mul3A_1105 : vector<128x128xf32>
    %add3A_1107 = arith.addf %add3A_1100, %mul3A_1106 : vector<128x128xf32>
    %get3A_1108 = arith.constant 5 : index
    %get3A_1109 = arith.constant 12 : index
    %get3A_1110 = vector.load %arg3[%get3A_1108, %get3A_1109] : memref<9x20xf32, #tpu.memory_space<vmem>>, vector<1x1xf32>
    %get3A_1111 = vector.extract %get3A_1110[0, 0] : f32 from vector<1x1xf32>
    %mul3A_1112 = vector.broadcast %get3A_1111 : f32 to vector<128x128xf32>
    %mul3A_1113 = arith.mulf %get3A_28, %mul3A_1112 : vector<128x128xf32>
    %add3A_1114 = arith.addf %add3A_1107, %mul3A_1113 : vector<128x128xf32>
    %get3A_1115 = arith.constant 6 : index
    %get3A_1116 = arith.constant 12 : index
    %get3A_1117 = vector.load %arg3[%get3A_1115, %get3A_1116] : memref<9x20xf32, #tpu.memory_space<vmem>>, vector<1x1xf32>
    %get3A_1118 = vector.extract %get3A_1117[0, 0] : f32 from vector<1x1xf32>
    %mul3A_1119 = vector.broadcast %get3A_1118 : f32 to vector<128x128xf32>
    %mul3A_1120 = arith.mulf %get3A_33, %mul3A_1119 : vector<128x128xf32>
    %add3A_1121 = arith.addf %add3A_1114, %mul3A_1120 : vector<128x128xf32>
    %get3A_1122 = arith.constant 7 : index
    %get3A_1123 = arith.constant 12 : index
    %get3A_1124 = vector.load %arg3[%get3A_1122, %get3A_1123] : memref<9x20xf32, #tpu.memory_space<vmem>>, vector<1x1xf32>
    %get3A_1125 = vector.extract %get3A_1124[0, 0] : f32 from vector<1x1xf32>
    %mul3A_1126 = vector.broadcast %get3A_1125 : f32 to vector<128x128xf32>
    %mul3A_1127 = arith.mulf %get3A_38, %mul3A_1126 : vector<128x128xf32>
    %add3A_1128 = arith.addf %add3A_1121, %mul3A_1127 : vector<128x128xf32>
    %get3A_1129 = arith.constant 8 : index
    %get3A_1130 = arith.constant 12 : index
    %get3A_1131 = vector.load %arg3[%get3A_1129, %get3A_1130] : memref<9x20xf32, #tpu.memory_space<vmem>>, vector<1x1xf32>
    %get3A_1132 = vector.extract %get3A_1131[0, 0] : f32 from vector<1x1xf32>
    %mul3A_1133 = vector.broadcast %get3A_1132 : f32 to vector<128x128xf32>
    %mul3A_1134 = arith.mulf %add3A_51, %mul3A_1133 : vector<128x128xf32>
    %add3A_1135 = arith.addf %add3A_1128, %mul3A_1134 : vector<128x128xf32>
    %gt3A_1136 = arith.constant 0.000000e+00 : f32
    %gt3A_1137 = vector.broadcast %gt3A_1136 : f32 to vector<128x128xf32>
    %gt3A_1138 = arith.cmpf ogt, %add3A_1135, %gt3A_1137 : vector<128x128xf32>
    %min3A_1139 = arith.constant 0.000000e+00 : f32
    %min3A_1140 = vector.broadcast %min3A_1139 : f32 to vector<128x128xf32>
    %min3A_1141 = arith.minimumf %add3A_1135, %min3A_1140 : vector<128x128xf32>
    %exp3A_1142 = math.exp %min3A_1141 : vector<128x128xf32>
    %sub3A_1143 = arith.constant 1.000000e+00 : f32
    %sub3A_1144 = vector.broadcast %sub3A_1143 : f32 to vector<128x128xf32>
    %sub3A_1145 = arith.subf %exp3A_1142, %sub3A_1144 : vector<128x128xf32>
    %mul3A_1146 = arith.constant 1.67326319 : f32
    %mul3A_1147 = vector.broadcast %mul3A_1146 : f32 to vector<128x128xf32>
    %mul3A_1148 = arith.mulf %mul3A_1147, %sub3A_1145 : vector<128x128xf32>
    %select_n3A_1149 = arith.select %gt3A_1138, %add3A_1135, %mul3A_1148 : vector<128x128xi1>, vector<128x128xf32>
    %mul3A_1150 = arith.constant 1.05070102 : f32
    %mul3A_1151 = vector.broadcast %mul3A_1150 : f32 to vector<128x128xf32>
    %mul3A_1152 = arith.mulf %mul3A_1151, %select_n3A_1149 : vector<128x128xf32>
    %get3A_1153 = arith.constant 0 : index
    %get3A_1154 = arith.constant 13 : index
    %get3A_1155 = vector.load %arg4[%get3A_1153, %get3A_1154] : memref<1x20xf32, #tpu.memory_space<vmem>>, vector<1x1xf32>
    %get3A_1156 = vector.extract %get3A_1155[0, 0] : f32 from vector<1x1xf32>
    %get3A_1157 = arith.constant 0 : index
    %get3A_1158 = arith.constant 13 : index
    %get3A_1159 = vector.load %arg3[%get3A_1157, %get3A_1158] : memref<9x20xf32, #tpu.memory_space<vmem>>, vector<1x1xf32>
    %get3A_1160 = vector.extract %get3A_1159[0, 0] : f32 from vector<1x1xf32>
    %mul3A_1161 = vector.broadcast %get3A_1160 : f32 to vector<128x128xf32>
    %mul3A_1162 = arith.mulf %get3A_3, %mul3A_1161 : vector<128x128xf32>
    %add3A_1163 = vector.broadcast %get3A_1156 : f32 to vector<128x128xf32>
    %add3A_1164 = arith.addf %add3A_1163, %mul3A_1162 : vector<128x128xf32>
    %get3A_1165 = arith.constant 1 : index
    %get3A_1166 = arith.constant 13 : index
    %get3A_1167 = vector.load %arg3[%get3A_1165, %get3A_1166] : memref<9x20xf32, #tpu.memory_space<vmem>>, vector<1x1xf32>
    %get3A_1168 = vector.extract %get3A_1167[0, 0] : f32 from vector<1x1xf32>
    %mul3A_1169 = vector.broadcast %get3A_1168 : f32 to vector<128x128xf32>
    %mul3A_1170 = arith.mulf %get3A_8, %mul3A_1169 : vector<128x128xf32>
    %add3A_1171 = arith.addf %add3A_1164, %mul3A_1170 : vector<128x128xf32>
    %get3A_1172 = arith.constant 2 : index
    %get3A_1173 = arith.constant 13 : index
    %get3A_1174 = vector.load %arg3[%get3A_1172, %get3A_1173] : memref<9x20xf32, #tpu.memory_space<vmem>>, vector<1x1xf32>
    %get3A_1175 = vector.extract %get3A_1174[0, 0] : f32 from vector<1x1xf32>
    %mul3A_1176 = vector.broadcast %get3A_1175 : f32 to vector<128x128xf32>
    %mul3A_1177 = arith.mulf %get3A_13, %mul3A_1176 : vector<128x128xf32>
    %add3A_1178 = arith.addf %add3A_1171, %mul3A_1177 : vector<128x128xf32>
    %get3A_1179 = arith.constant 3 : index
    %get3A_1180 = arith.constant 13 : index
    %get3A_1181 = vector.load %arg3[%get3A_1179, %get3A_1180] : memref<9x20xf32, #tpu.memory_space<vmem>>, vector<1x1xf32>
    %get3A_1182 = vector.extract %get3A_1181[0, 0] : f32 from vector<1x1xf32>
    %mul3A_1183 = vector.broadcast %get3A_1182 : f32 to vector<128x128xf32>
    %mul3A_1184 = arith.mulf %get3A_18, %mul3A_1183 : vector<128x128xf32>
    %add3A_1185 = arith.addf %add3A_1178, %mul3A_1184 : vector<128x128xf32>
    %get3A_1186 = arith.constant 4 : index
    %get3A_1187 = arith.constant 13 : index
    %get3A_1188 = vector.load %arg3[%get3A_1186, %get3A_1187] : memref<9x20xf32, #tpu.memory_space<vmem>>, vector<1x1xf32>
    %get3A_1189 = vector.extract %get3A_1188[0, 0] : f32 from vector<1x1xf32>
    %mul3A_1190 = vector.broadcast %get3A_1189 : f32 to vector<128x128xf32>
    %mul3A_1191 = arith.mulf %get3A_23, %mul3A_1190 : vector<128x128xf32>
    %add3A_1192 = arith.addf %add3A_1185, %mul3A_1191 : vector<128x128xf32>
    %get3A_1193 = arith.constant 5 : index
    %get3A_1194 = arith.constant 13 : index
    %get3A_1195 = vector.load %arg3[%get3A_1193, %get3A_1194] : memref<9x20xf32, #tpu.memory_space<vmem>>, vector<1x1xf32>
    %get3A_1196 = vector.extract %get3A_1195[0, 0] : f32 from vector<1x1xf32>
    %mul3A_1197 = vector.broadcast %get3A_1196 : f32 to vector<128x128xf32>
    %mul3A_1198 = arith.mulf %get3A_28, %mul3A_1197 : vector<128x128xf32>
    %add3A_1199 = arith.addf %add3A_1192, %mul3A_1198 : vector<128x128xf32>
    %get3A_1200 = arith.constant 6 : index
    %get3A_1201 = arith.constant 13 : index
    %get3A_1202 = vector.load %arg3[%get3A_1200, %get3A_1201] : memref<9x20xf32, #tpu.memory_space<vmem>>, vector<1x1xf32>
    %get3A_1203 = vector.extract %get3A_1202[0, 0] : f32 from vector<1x1xf32>
    %mul3A_1204 = vector.broadcast %get3A_1203 : f32 to vector<128x128xf32>
    %mul3A_1205 = arith.mulf %get3A_33, %mul3A_1204 : vector<128x128xf32>
    %add3A_1206 = arith.addf %add3A_1199, %mul3A_1205 : vector<128x128xf32>
    %get3A_1207 = arith.constant 7 : index
    %get3A_1208 = arith.constant 13 : index
    %get3A_1209 = vector.load %arg3[%get3A_1207, %get3A_1208] : memref<9x20xf32, #tpu.memory_space<vmem>>, vector<1x1xf32>
    %get3A_1210 = vector.extract %get3A_1209[0, 0] : f32 from vector<1x1xf32>
    %mul3A_1211 = vector.broadcast %get3A_1210 : f32 to vector<128x128xf32>
    %mul3A_1212 = arith.mulf %get3A_38, %mul3A_1211 : vector<128x128xf32>
    %add3A_1213 = arith.addf %add3A_1206, %mul3A_1212 : vector<128x128xf32>
    %get3A_1214 = arith.constant 8 : index
    %get3A_1215 = arith.constant 13 : index
    %get3A_1216 = vector.load %arg3[%get3A_1214, %get3A_1215] : memref<9x20xf32, #tpu.memory_space<vmem>>, vector<1x1xf32>
    %get3A_1217 = vector.extract %get3A_1216[0, 0] : f32 from vector<1x1xf32>
    %mul3A_1218 = vector.broadcast %get3A_1217 : f32 to vector<128x128xf32>
    %mul3A_1219 = arith.mulf %add3A_51, %mul3A_1218 : vector<128x128xf32>
    %add3A_1220 = arith.addf %add3A_1213, %mul3A_1219 : vector<128x128xf32>
    %gt3A_1221 = arith.constant 0.000000e+00 : f32
    %gt3A_1222 = vector.broadcast %gt3A_1221 : f32 to vector<128x128xf32>
    %gt3A_1223 = arith.cmpf ogt, %add3A_1220, %gt3A_1222 : vector<128x128xf32>
    %min3A_1224 = arith.constant 0.000000e+00 : f32
    %min3A_1225 = vector.broadcast %min3A_1224 : f32 to vector<128x128xf32>
    %min3A_1226 = arith.minimumf %add3A_1220, %min3A_1225 : vector<128x128xf32>
    %exp3A_1227 = math.exp %min3A_1226 : vector<128x128xf32>
    %sub3A_1228 = arith.constant 1.000000e+00 : f32
    %sub3A_1229 = vector.broadcast %sub3A_1228 : f32 to vector<128x128xf32>
    %sub3A_1230 = arith.subf %exp3A_1227, %sub3A_1229 : vector<128x128xf32>
    %mul3A_1231 = arith.constant 1.67326319 : f32
    %mul3A_1232 = vector.broadcast %mul3A_1231 : f32 to vector<128x128xf32>
    %mul3A_1233 = arith.mulf %mul3A_1232, %sub3A_1230 : vector<128x128xf32>
    %select_n3A_1234 = arith.select %gt3A_1223, %add3A_1220, %mul3A_1233 : vector<128x128xi1>, vector<128x128xf32>
    %mul3A_1235 = arith.constant 1.05070102 : f32
    %mul3A_1236 = vector.broadcast %mul3A_1235 : f32 to vector<128x128xf32>
    %mul3A_1237 = arith.mulf %mul3A_1236, %select_n3A_1234 : vector<128x128xf32>
    %get3A_1238 = arith.constant 0 : index
    %get3A_1239 = arith.constant 14 : index
    %get3A_1240 = vector.load %arg4[%get3A_1238, %get3A_1239] : memref<1x20xf32, #tpu.memory_space<vmem>>, vector<1x1xf32>
    %get3A_1241 = vector.extract %get3A_1240[0, 0] : f32 from vector<1x1xf32>
    %get3A_1242 = arith.constant 0 : index
    %get3A_1243 = arith.constant 14 : index
    %get3A_1244 = vector.load %arg3[%get3A_1242, %get3A_1243] : memref<9x20xf32, #tpu.memory_space<vmem>>, vector<1x1xf32>
    %get3A_1245 = vector.extract %get3A_1244[0, 0] : f32 from vector<1x1xf32>
    %mul3A_1246 = vector.broadcast %get3A_1245 : f32 to vector<128x128xf32>
    %mul3A_1247 = arith.mulf %get3A_3, %mul3A_1246 : vector<128x128xf32>
    %add3A_1248 = vector.broadcast %get3A_1241 : f32 to vector<128x128xf32>
    %add3A_1249 = arith.addf %add3A_1248, %mul3A_1247 : vector<128x128xf32>
    %get3A_1250 = arith.constant 1 : index
    %get3A_1251 = arith.constant 14 : index
    %get3A_1252 = vector.load %arg3[%get3A_1250, %get3A_1251] : memref<9x20xf32, #tpu.memory_space<vmem>>, vector<1x1xf32>
    %get3A_1253 = vector.extract %get3A_1252[0, 0] : f32 from vector<1x1xf32>
    %mul3A_1254 = vector.broadcast %get3A_1253 : f32 to vector<128x128xf32>
    %mul3A_1255 = arith.mulf %get3A_8, %mul3A_1254 : vector<128x128xf32>
    %add3A_1256 = arith.addf %add3A_1249, %mul3A_1255 : vector<128x128xf32>
    %get3A_1257 = arith.constant 2 : index
    %get3A_1258 = arith.constant 14 : index
    %get3A_1259 = vector.load %arg3[%get3A_1257, %get3A_1258] : memref<9x20xf32, #tpu.memory_space<vmem>>, vector<1x1xf32>
    %get3A_1260 = vector.extract %get3A_1259[0, 0] : f32 from vector<1x1xf32>
    %mul3A_1261 = vector.broadcast %get3A_1260 : f32 to vector<128x128xf32>
    %mul3A_1262 = arith.mulf %get3A_13, %mul3A_1261 : vector<128x128xf32>
    %add3A_1263 = arith.addf %add3A_1256, %mul3A_1262 : vector<128x128xf32>
    %get3A_1264 = arith.constant 3 : index
    %get3A_1265 = arith.constant 14 : index
    %get3A_1266 = vector.load %arg3[%get3A_1264, %get3A_1265] : memref<9x20xf32, #tpu.memory_space<vmem>>, vector<1x1xf32>
    %get3A_1267 = vector.extract %get3A_1266[0, 0] : f32 from vector<1x1xf32>
    %mul3A_1268 = vector.broadcast %get3A_1267 : f32 to vector<128x128xf32>
    %mul3A_1269 = arith.mulf %get3A_18, %mul3A_1268 : vector<128x128xf32>
    %add3A_1270 = arith.addf %add3A_1263, %mul3A_1269 : vector<128x128xf32>
    %get3A_1271 = arith.constant 4 : index
    %get3A_1272 = arith.constant 14 : index
    %get3A_1273 = vector.load %arg3[%get3A_1271, %get3A_1272] : memref<9x20xf32, #tpu.memory_space<vmem>>, vector<1x1xf32>
    %get3A_1274 = vector.extract %get3A_1273[0, 0] : f32 from vector<1x1xf32>
    %mul3A_1275 = vector.broadcast %get3A_1274 : f32 to vector<128x128xf32>
    %mul3A_1276 = arith.mulf %get3A_23, %mul3A_1275 : vector<128x128xf32>
    %add3A_1277 = arith.addf %add3A_1270, %mul3A_1276 : vector<128x128xf32>
    %get3A_1278 = arith.constant 5 : index
    %get3A_1279 = arith.constant 14 : index
    %get3A_1280 = vector.load %arg3[%get3A_1278, %get3A_1279] : memref<9x20xf32, #tpu.memory_space<vmem>>, vector<1x1xf32>
    %get3A_1281 = vector.extract %get3A_1280[0, 0] : f32 from vector<1x1xf32>
    %mul3A_1282 = vector.broadcast %get3A_1281 : f32 to vector<128x128xf32>
    %mul3A_1283 = arith.mulf %get3A_28, %mul3A_1282 : vector<128x128xf32>
    %add3A_1284 = arith.addf %add3A_1277, %mul3A_1283 : vector<128x128xf32>
    %get3A_1285 = arith.constant 6 : index
    %get3A_1286 = arith.constant 14 : index
    %get3A_1287 = vector.load %arg3[%get3A_1285, %get3A_1286] : memref<9x20xf32, #tpu.memory_space<vmem>>, vector<1x1xf32>
    %get3A_1288 = vector.extract %get3A_1287[0, 0] : f32 from vector<1x1xf32>
    %mul3A_1289 = vector.broadcast %get3A_1288 : f32 to vector<128x128xf32>
    %mul3A_1290 = arith.mulf %get3A_33, %mul3A_1289 : vector<128x128xf32>
    %add3A_1291 = arith.addf %add3A_1284, %mul3A_1290 : vector<128x128xf32>
    %get3A_1292 = arith.constant 7 : index
    %get3A_1293 = arith.constant 14 : index
    %get3A_1294 = vector.load %arg3[%get3A_1292, %get3A_1293] : memref<9x20xf32, #tpu.memory_space<vmem>>, vector<1x1xf32>
    %get3A_1295 = vector.extract %get3A_1294[0, 0] : f32 from vector<1x1xf32>
    %mul3A_1296 = vector.broadcast %get3A_1295 : f32 to vector<128x128xf32>
    %mul3A_1297 = arith.mulf %get3A_38, %mul3A_1296 : vector<128x128xf32>
    %add3A_1298 = arith.addf %add3A_1291, %mul3A_1297 : vector<128x128xf32>
    %get3A_1299 = arith.constant 8 : index
    %get3A_1300 = arith.constant 14 : index
    %get3A_1301 = vector.load %arg3[%get3A_1299, %get3A_1300] : memref<9x20xf32, #tpu.memory_space<vmem>>, vector<1x1xf32>
    %get3A_1302 = vector.extract %get3A_1301[0, 0] : f32 from vector<1x1xf32>
    %mul3A_1303 = vector.broadcast %get3A_1302 : f32 to vector<128x128xf32>
    %mul3A_1304 = arith.mulf %add3A_51, %mul3A_1303 : vector<128x128xf32>
    %add3A_1305 = arith.addf %add3A_1298, %mul3A_1304 : vector<128x128xf32>
    %gt3A_1306 = arith.constant 0.000000e+00 : f32
    %gt3A_1307 = vector.broadcast %gt3A_1306 : f32 to vector<128x128xf32>
    %gt3A_1308 = arith.cmpf ogt, %add3A_1305, %gt3A_1307 : vector<128x128xf32>
    %min3A_1309 = arith.constant 0.000000e+00 : f32
    %min3A_1310 = vector.broadcast %min3A_1309 : f32 to vector<128x128xf32>
    %min3A_1311 = arith.minimumf %add3A_1305, %min3A_1310 : vector<128x128xf32>
    %exp3A_1312 = math.exp %min3A_1311 : vector<128x128xf32>
    %sub3A_1313 = arith.constant 1.000000e+00 : f32
    %sub3A_1314 = vector.broadcast %sub3A_1313 : f32 to vector<128x128xf32>
    %sub3A_1315 = arith.subf %exp3A_1312, %sub3A_1314 : vector<128x128xf32>
    %mul3A_1316 = arith.constant 1.67326319 : f32
    %mul3A_1317 = vector.broadcast %mul3A_1316 : f32 to vector<128x128xf32>
    %mul3A_1318 = arith.mulf %mul3A_1317, %sub3A_1315 : vector<128x128xf32>
    %select_n3A_1319 = arith.select %gt3A_1308, %add3A_1305, %mul3A_1318 : vector<128x128xi1>, vector<128x128xf32>
    %mul3A_1320 = arith.constant 1.05070102 : f32
    %mul3A_1321 = vector.broadcast %mul3A_1320 : f32 to vector<128x128xf32>
    %mul3A_1322 = arith.mulf %mul3A_1321, %select_n3A_1319 : vector<128x128xf32>
    %get3A_1323 = arith.constant 0 : index
    %get3A_1324 = arith.constant 15 : index
    %get3A_1325 = vector.load %arg4[%get3A_1323, %get3A_1324] : memref<1x20xf32, #tpu.memory_space<vmem>>, vector<1x1xf32>
    %get3A_1326 = vector.extract %get3A_1325[0, 0] : f32 from vector<1x1xf32>
    %get3A_1327 = arith.constant 0 : index
    %get3A_1328 = arith.constant 15 : index
    %get3A_1329 = vector.load %arg3[%get3A_1327, %get3A_1328] : memref<9x20xf32, #tpu.memory_space<vmem>>, vector<1x1xf32>
    %get3A_1330 = vector.extract %get3A_1329[0, 0] : f32 from vector<1x1xf32>
    %mul3A_1331 = vector.broadcast %get3A_1330 : f32 to vector<128x128xf32>
    %mul3A_1332 = arith.mulf %get3A_3, %mul3A_1331 : vector<128x128xf32>
    %add3A_1333 = vector.broadcast %get3A_1326 : f32 to vector<128x128xf32>
    %add3A_1334 = arith.addf %add3A_1333, %mul3A_1332 : vector<128x128xf32>
    %get3A_1335 = arith.constant 1 : index
    %get3A_1336 = arith.constant 15 : index
    %get3A_1337 = vector.load %arg3[%get3A_1335, %get3A_1336] : memref<9x20xf32, #tpu.memory_space<vmem>>, vector<1x1xf32>
    %get3A_1338 = vector.extract %get3A_1337[0, 0] : f32 from vector<1x1xf32>
    %mul3A_1339 = vector.broadcast %get3A_1338 : f32 to vector<128x128xf32>
    %mul3A_1340 = arith.mulf %get3A_8, %mul3A_1339 : vector<128x128xf32>
    %add3A_1341 = arith.addf %add3A_1334, %mul3A_1340 : vector<128x128xf32>
    %get3A_1342 = arith.constant 2 : index
    %get3A_1343 = arith.constant 15 : index
    %get3A_1344 = vector.load %arg3[%get3A_1342, %get3A_1343] : memref<9x20xf32, #tpu.memory_space<vmem>>, vector<1x1xf32>
    %get3A_1345 = vector.extract %get3A_1344[0, 0] : f32 from vector<1x1xf32>
    %mul3A_1346 = vector.broadcast %get3A_1345 : f32 to vector<128x128xf32>
    %mul3A_1347 = arith.mulf %get3A_13, %mul3A_1346 : vector<128x128xf32>
    %add3A_1348 = arith.addf %add3A_1341, %mul3A_1347 : vector<128x128xf32>
    %get3A_1349 = arith.constant 3 : index
    %get3A_1350 = arith.constant 15 : index
    %get3A_1351 = vector.load %arg3[%get3A_1349, %get3A_1350] : memref<9x20xf32, #tpu.memory_space<vmem>>, vector<1x1xf32>
    %get3A_1352 = vector.extract %get3A_1351[0, 0] : f32 from vector<1x1xf32>
    %mul3A_1353 = vector.broadcast %get3A_1352 : f32 to vector<128x128xf32>
    %mul3A_1354 = arith.mulf %get3A_18, %mul3A_1353 : vector<128x128xf32>
    %add3A_1355 = arith.addf %add3A_1348, %mul3A_1354 : vector<128x128xf32>
    %get3A_1356 = arith.constant 4 : index
    %get3A_1357 = arith.constant 15 : index
    %get3A_1358 = vector.load %arg3[%get3A_1356, %get3A_1357] : memref<9x20xf32, #tpu.memory_space<vmem>>, vector<1x1xf32>
    %get3A_1359 = vector.extract %get3A_1358[0, 0] : f32 from vector<1x1xf32>
    %mul3A_1360 = vector.broadcast %get3A_1359 : f32 to vector<128x128xf32>
    %mul3A_1361 = arith.mulf %get3A_23, %mul3A_1360 : vector<128x128xf32>
    %add3A_1362 = arith.addf %add3A_1355, %mul3A_1361 : vector<128x128xf32>
    %get3A_1363 = arith.constant 5 : index
    %get3A_1364 = arith.constant 15 : index
    %get3A_1365 = vector.load %arg3[%get3A_1363, %get3A_1364] : memref<9x20xf32, #tpu.memory_space<vmem>>, vector<1x1xf32>
    %get3A_1366 = vector.extract %get3A_1365[0, 0] : f32 from vector<1x1xf32>
    %mul3A_1367 = vector.broadcast %get3A_1366 : f32 to vector<128x128xf32>
    %mul3A_1368 = arith.mulf %get3A_28, %mul3A_1367 : vector<128x128xf32>
    %add3A_1369 = arith.addf %add3A_1362, %mul3A_1368 : vector<128x128xf32>
    %get3A_1370 = arith.constant 6 : index
    %get3A_1371 = arith.constant 15 : index
    %get3A_1372 = vector.load %arg3[%get3A_1370, %get3A_1371] : memref<9x20xf32, #tpu.memory_space<vmem>>, vector<1x1xf32>
    %get3A_1373 = vector.extract %get3A_1372[0, 0] : f32 from vector<1x1xf32>
    %mul3A_1374 = vector.broadcast %get3A_1373 : f32 to vector<128x128xf32>
    %mul3A_1375 = arith.mulf %get3A_33, %mul3A_1374 : vector<128x128xf32>
    %add3A_1376 = arith.addf %add3A_1369, %mul3A_1375 : vector<128x128xf32>
    %get3A_1377 = arith.constant 7 : index
    %get3A_1378 = arith.constant 15 : index
    %get3A_1379 = vector.load %arg3[%get3A_1377, %get3A_1378] : memref<9x20xf32, #tpu.memory_space<vmem>>, vector<1x1xf32>
    %get3A_1380 = vector.extract %get3A_1379[0, 0] : f32 from vector<1x1xf32>
    %mul3A_1381 = vector.broadcast %get3A_1380 : f32 to vector<128x128xf32>
    %mul3A_1382 = arith.mulf %get3A_38, %mul3A_1381 : vector<128x128xf32>
    %add3A_1383 = arith.addf %add3A_1376, %mul3A_1382 : vector<128x128xf32>
    %get3A_1384 = arith.constant 8 : index
    %get3A_1385 = arith.constant 15 : index
    %get3A_1386 = vector.load %arg3[%get3A_1384, %get3A_1385] : memref<9x20xf32, #tpu.memory_space<vmem>>, vector<1x1xf32>
    %get3A_1387 = vector.extract %get3A_1386[0, 0] : f32 from vector<1x1xf32>
    %mul3A_1388 = vector.broadcast %get3A_1387 : f32 to vector<128x128xf32>
    %mul3A_1389 = arith.mulf %add3A_51, %mul3A_1388 : vector<128x128xf32>
    %add3A_1390 = arith.addf %add3A_1383, %mul3A_1389 : vector<128x128xf32>
    %gt3A_1391 = arith.constant 0.000000e+00 : f32
    %gt3A_1392 = vector.broadcast %gt3A_1391 : f32 to vector<128x128xf32>
    %gt3A_1393 = arith.cmpf ogt, %add3A_1390, %gt3A_1392 : vector<128x128xf32>
    %min3A_1394 = arith.constant 0.000000e+00 : f32
    %min3A_1395 = vector.broadcast %min3A_1394 : f32 to vector<128x128xf32>
    %min3A_1396 = arith.minimumf %add3A_1390, %min3A_1395 : vector<128x128xf32>
    %exp3A_1397 = math.exp %min3A_1396 : vector<128x128xf32>
    %sub3A_1398 = arith.constant 1.000000e+00 : f32
    %sub3A_1399 = vector.broadcast %sub3A_1398 : f32 to vector<128x128xf32>
    %sub3A_1400 = arith.subf %exp3A_1397, %sub3A_1399 : vector<128x128xf32>
    %mul3A_1401 = arith.constant 1.67326319 : f32
    %mul3A_1402 = vector.broadcast %mul3A_1401 : f32 to vector<128x128xf32>
    %mul3A_1403 = arith.mulf %mul3A_1402, %sub3A_1400 : vector<128x128xf32>
    %select_n3A_1404 = arith.select %gt3A_1393, %add3A_1390, %mul3A_1403 : vector<128x128xi1>, vector<128x128xf32>
    %mul3A_1405 = arith.constant 1.05070102 : f32
    %mul3A_1406 = vector.broadcast %mul3A_1405 : f32 to vector<128x128xf32>
    %mul3A_1407 = arith.mulf %mul3A_1406, %select_n3A_1404 : vector<128x128xf32>
    %get3A_1408 = arith.constant 0 : index
    %get3A_1409 = arith.constant 16 : index
    %get3A_1410 = vector.load %arg4[%get3A_1408, %get3A_1409] : memref<1x20xf32, #tpu.memory_space<vmem>>, vector<1x1xf32>
    %get3A_1411 = vector.extract %get3A_1410[0, 0] : f32 from vector<1x1xf32>
    %get3A_1412 = arith.constant 0 : index
    %get3A_1413 = arith.constant 16 : index
    %get3A_1414 = vector.load %arg3[%get3A_1412, %get3A_1413] : memref<9x20xf32, #tpu.memory_space<vmem>>, vector<1x1xf32>
    %get3A_1415 = vector.extract %get3A_1414[0, 0] : f32 from vector<1x1xf32>
    %mul3A_1416 = vector.broadcast %get3A_1415 : f32 to vector<128x128xf32>
    %mul3A_1417 = arith.mulf %get3A_3, %mul3A_1416 : vector<128x128xf32>
    %add3A_1418 = vector.broadcast %get3A_1411 : f32 to vector<128x128xf32>
    %add3A_1419 = arith.addf %add3A_1418, %mul3A_1417 : vector<128x128xf32>
    %get3A_1420 = arith.constant 1 : index
    %get3A_1421 = arith.constant 16 : index
    %get3A_1422 = vector.load %arg3[%get3A_1420, %get3A_1421] : memref<9x20xf32, #tpu.memory_space<vmem>>, vector<1x1xf32>
    %get3A_1423 = vector.extract %get3A_1422[0, 0] : f32 from vector<1x1xf32>
    %mul3A_1424 = vector.broadcast %get3A_1423 : f32 to vector<128x128xf32>
    %mul3A_1425 = arith.mulf %get3A_8, %mul3A_1424 : vector<128x128xf32>
    %add3A_1426 = arith.addf %add3A_1419, %mul3A_1425 : vector<128x128xf32>
    %get3A_1427 = arith.constant 2 : index
    %get3A_1428 = arith.constant 16 : index
    %get3A_1429 = vector.load %arg3[%get3A_1427, %get3A_1428] : memref<9x20xf32, #tpu.memory_space<vmem>>, vector<1x1xf32>
    %get3A_1430 = vector.extract %get3A_1429[0, 0] : f32 from vector<1x1xf32>
    %mul3A_1431 = vector.broadcast %get3A_1430 : f32 to vector<128x128xf32>
    %mul3A_1432 = arith.mulf %get3A_13, %mul3A_1431 : vector<128x128xf32>
    %add3A_1433 = arith.addf %add3A_1426, %mul3A_1432 : vector<128x128xf32>
    %get3A_1434 = arith.constant 3 : index
    %get3A_1435 = arith.constant 16 : index
    %get3A_1436 = vector.load %arg3[%get3A_1434, %get3A_1435] : memref<9x20xf32, #tpu.memory_space<vmem>>, vector<1x1xf32>
    %get3A_1437 = vector.extract %get3A_1436[0, 0] : f32 from vector<1x1xf32>
    %mul3A_1438 = vector.broadcast %get3A_1437 : f32 to vector<128x128xf32>
    %mul3A_1439 = arith.mulf %get3A_18, %mul3A_1438 : vector<128x128xf32>
    %add3A_1440 = arith.addf %add3A_1433, %mul3A_1439 : vector<128x128xf32>
    %get3A_1441 = arith.constant 4 : index
    %get3A_1442 = arith.constant 16 : index
    %get3A_1443 = vector.load %arg3[%get3A_1441, %get3A_1442] : memref<9x20xf32, #tpu.memory_space<vmem>>, vector<1x1xf32>
    %get3A_1444 = vector.extract %get3A_1443[0, 0] : f32 from vector<1x1xf32>
    %mul3A_1445 = vector.broadcast %get3A_1444 : f32 to vector<128x128xf32>
    %mul3A_1446 = arith.mulf %get3A_23, %mul3A_1445 : vector<128x128xf32>
    %add3A_1447 = arith.addf %add3A_1440, %mul3A_1446 : vector<128x128xf32>
    %get3A_1448 = arith.constant 5 : index
    %get3A_1449 = arith.constant 16 : index
    %get3A_1450 = vector.load %arg3[%get3A_1448, %get3A_1449] : memref<9x20xf32, #tpu.memory_space<vmem>>, vector<1x1xf32>
    %get3A_1451 = vector.extract %get3A_1450[0, 0] : f32 from vector<1x1xf32>
    %mul3A_1452 = vector.broadcast %get3A_1451 : f32 to vector<128x128xf32>
    %mul3A_1453 = arith.mulf %get3A_28, %mul3A_1452 : vector<128x128xf32>
    %add3A_1454 = arith.addf %add3A_1447, %mul3A_1453 : vector<128x128xf32>
    %get3A_1455 = arith.constant 6 : index
    %get3A_1456 = arith.constant 16 : index
    %get3A_1457 = vector.load %arg3[%get3A_1455, %get3A_1456] : memref<9x20xf32, #tpu.memory_space<vmem>>, vector<1x1xf32>
    %get3A_1458 = vector.extract %get3A_1457[0, 0] : f32 from vector<1x1xf32>
    %mul3A_1459 = vector.broadcast %get3A_1458 : f32 to vector<128x128xf32>
    %mul3A_1460 = arith.mulf %get3A_33, %mul3A_1459 : vector<128x128xf32>
    %add3A_1461 = arith.addf %add3A_1454, %mul3A_1460 : vector<128x128xf32>
    %get3A_1462 = arith.constant 7 : index
    %get3A_1463 = arith.constant 16 : index
    %get3A_1464 = vector.load %arg3[%get3A_1462, %get3A_1463] : memref<9x20xf32, #tpu.memory_space<vmem>>, vector<1x1xf32>
    %get3A_1465 = vector.extract %get3A_1464[0, 0] : f32 from vector<1x1xf32>
    %mul3A_1466 = vector.broadcast %get3A_1465 : f32 to vector<128x128xf32>
    %mul3A_1467 = arith.mulf %get3A_38, %mul3A_1466 : vector<128x128xf32>
    %add3A_1468 = arith.addf %add3A_1461, %mul3A_1467 : vector<128x128xf32>
    %get3A_1469 = arith.constant 8 : index
    %get3A_1470 = arith.constant 16 : index
    %get3A_1471 = vector.load %arg3[%get3A_1469, %get3A_1470] : memref<9x20xf32, #tpu.memory_space<vmem>>, vector<1x1xf32>
    %get3A_1472 = vector.extract %get3A_1471[0, 0] : f32 from vector<1x1xf32>
    %mul3A_1473 = vector.broadcast %get3A_1472 : f32 to vector<128x128xf32>
    %mul3A_1474 = arith.mulf %add3A_51, %mul3A_1473 : vector<128x128xf32>
    %add3A_1475 = arith.addf %add3A_1468, %mul3A_1474 : vector<128x128xf32>
    %gt3A_1476 = arith.constant 0.000000e+00 : f32
    %gt3A_1477 = vector.broadcast %gt3A_1476 : f32 to vector<128x128xf32>
    %gt3A_1478 = arith.cmpf ogt, %add3A_1475, %gt3A_1477 : vector<128x128xf32>
    %min3A_1479 = arith.constant 0.000000e+00 : f32
    %min3A_1480 = vector.broadcast %min3A_1479 : f32 to vector<128x128xf32>
    %min3A_1481 = arith.minimumf %add3A_1475, %min3A_1480 : vector<128x128xf32>
    %exp3A_1482 = math.exp %min3A_1481 : vector<128x128xf32>
    %sub3A_1483 = arith.constant 1.000000e+00 : f32
    %sub3A_1484 = vector.broadcast %sub3A_1483 : f32 to vector<128x128xf32>
    %sub3A_1485 = arith.subf %exp3A_1482, %sub3A_1484 : vector<128x128xf32>
    %mul3A_1486 = arith.constant 1.67326319 : f32
    %mul3A_1487 = vector.broadcast %mul3A_1486 : f32 to vector<128x128xf32>
    %mul3A_1488 = arith.mulf %mul3A_1487, %sub3A_1485 : vector<128x128xf32>
    %select_n3A_1489 = arith.select %gt3A_1478, %add3A_1475, %mul3A_1488 : vector<128x128xi1>, vector<128x128xf32>
    %mul3A_1490 = arith.constant 1.05070102 : f32
    %mul3A_1491 = vector.broadcast %mul3A_1490 : f32 to vector<128x128xf32>
    %mul3A_1492 = arith.mulf %mul3A_1491, %select_n3A_1489 : vector<128x128xf32>
    %get3A_1493 = arith.constant 0 : index
    %get3A_1494 = arith.constant 17 : index
    %get3A_1495 = vector.load %arg4[%get3A_1493, %get3A_1494] : memref<1x20xf32, #tpu.memory_space<vmem>>, vector<1x1xf32>
    %get3A_1496 = vector.extract %get3A_1495[0, 0] : f32 from vector<1x1xf32>
    %get3A_1497 = arith.constant 0 : index
    %get3A_1498 = arith.constant 17 : index
    %get3A_1499 = vector.load %arg3[%get3A_1497, %get3A_1498] : memref<9x20xf32, #tpu.memory_space<vmem>>, vector<1x1xf32>
    %get3A_1500 = vector.extract %get3A_1499[0, 0] : f32 from vector<1x1xf32>
    %mul3A_1501 = vector.broadcast %get3A_1500 : f32 to vector<128x128xf32>
    %mul3A_1502 = arith.mulf %get3A_3, %mul3A_1501 : vector<128x128xf32>
    %add3A_1503 = vector.broadcast %get3A_1496 : f32 to vector<128x128xf32>
    %add3A_1504 = arith.addf %add3A_1503, %mul3A_1502 : vector<128x128xf32>
    %get3A_1505 = arith.constant 1 : index
    %get3A_1506 = arith.constant 17 : index
    %get3A_1507 = vector.load %arg3[%get3A_1505, %get3A_1506] : memref<9x20xf32, #tpu.memory_space<vmem>>, vector<1x1xf32>
    %get3A_1508 = vector.extract %get3A_1507[0, 0] : f32 from vector<1x1xf32>
    %mul3A_1509 = vector.broadcast %get3A_1508 : f32 to vector<128x128xf32>
    %mul3A_1510 = arith.mulf %get3A_8, %mul3A_1509 : vector<128x128xf32>
    %add3A_1511 = arith.addf %add3A_1504, %mul3A_1510 : vector<128x128xf32>
    %get3A_1512 = arith.constant 2 : index
    %get3A_1513 = arith.constant 17 : index
    %get3A_1514 = vector.load %arg3[%get3A_1512, %get3A_1513] : memref<9x20xf32, #tpu.memory_space<vmem>>, vector<1x1xf32>
    %get3A_1515 = vector.extract %get3A_1514[0, 0] : f32 from vector<1x1xf32>
    %mul3A_1516 = vector.broadcast %get3A_1515 : f32 to vector<128x128xf32>
    %mul3A_1517 = arith.mulf %get3A_13, %mul3A_1516 : vector<128x128xf32>
    %add3A_1518 = arith.addf %add3A_1511, %mul3A_1517 : vector<128x128xf32>
    %get3A_1519 = arith.constant 3 : index
    %get3A_1520 = arith.constant 17 : index
    %get3A_1521 = vector.load %arg3[%get3A_1519, %get3A_1520] : memref<9x20xf32, #tpu.memory_space<vmem>>, vector<1x1xf32>
    %get3A_1522 = vector.extract %get3A_1521[0, 0] : f32 from vector<1x1xf32>
    %mul3A_1523 = vector.broadcast %get3A_1522 : f32 to vector<128x128xf32>
    %mul3A_1524 = arith.mulf %get3A_18, %mul3A_1523 : vector<128x128xf32>
    %add3A_1525 = arith.addf %add3A_1518, %mul3A_1524 : vector<128x128xf32>
    %get3A_1526 = arith.constant 4 : index
    %get3A_1527 = arith.constant 17 : index
    %get3A_1528 = vector.load %arg3[%get3A_1526, %get3A_1527] : memref<9x20xf32, #tpu.memory_space<vmem>>, vector<1x1xf32>
    %get3A_1529 = vector.extract %get3A_1528[0, 0] : f32 from vector<1x1xf32>
    %mul3A_1530 = vector.broadcast %get3A_1529 : f32 to vector<128x128xf32>
    %mul3A_1531 = arith.mulf %get3A_23, %mul3A_1530 : vector<128x128xf32>
    %add3A_1532 = arith.addf %add3A_1525, %mul3A_1531 : vector<128x128xf32>
    %get3A_1533 = arith.constant 5 : index
    %get3A_1534 = arith.constant 17 : index
    %get3A_1535 = vector.load %arg3[%get3A_1533, %get3A_1534] : memref<9x20xf32, #tpu.memory_space<vmem>>, vector<1x1xf32>
    %get3A_1536 = vector.extract %get3A_1535[0, 0] : f32 from vector<1x1xf32>
    %mul3A_1537 = vector.broadcast %get3A_1536 : f32 to vector<128x128xf32>
    %mul3A_1538 = arith.mulf %get3A_28, %mul3A_1537 : vector<128x128xf32>
    %add3A_1539 = arith.addf %add3A_1532, %mul3A_1538 : vector<128x128xf32>
    %get3A_1540 = arith.constant 6 : index
    %get3A_1541 = arith.constant 17 : index
    %get3A_1542 = vector.load %arg3[%get3A_1540, %get3A_1541] : memref<9x20xf32, #tpu.memory_space<vmem>>, vector<1x1xf32>
    %get3A_1543 = vector.extract %get3A_1542[0, 0] : f32 from vector<1x1xf32>
    %mul3A_1544 = vector.broadcast %get3A_1543 : f32 to vector<128x128xf32>
    %mul3A_1545 = arith.mulf %get3A_33, %mul3A_1544 : vector<128x128xf32>
    %add3A_1546 = arith.addf %add3A_1539, %mul3A_1545 : vector<128x128xf32>
    %get3A_1547 = arith.constant 7 : index
    %get3A_1548 = arith.constant 17 : index
    %get3A_1549 = vector.load %arg3[%get3A_1547, %get3A_1548] : memref<9x20xf32, #tpu.memory_space<vmem>>, vector<1x1xf32>
    %get3A_1550 = vector.extract %get3A_1549[0, 0] : f32 from vector<1x1xf32>
    %mul3A_1551 = vector.broadcast %get3A_1550 : f32 to vector<128x128xf32>
    %mul3A_1552 = arith.mulf %get3A_38, %mul3A_1551 : vector<128x128xf32>
    %add3A_1553 = arith.addf %add3A_1546, %mul3A_1552 : vector<128x128xf32>
    %get3A_1554 = arith.constant 8 : index
    %get3A_1555 = arith.constant 17 : index
    %get3A_1556 = vector.load %arg3[%get3A_1554, %get3A_1555] : memref<9x20xf32, #tpu.memory_space<vmem>>, vector<1x1xf32>
    %get3A_1557 = vector.extract %get3A_1556[0, 0] : f32 from vector<1x1xf32>
    %mul3A_1558 = vector.broadcast %get3A_1557 : f32 to vector<128x128xf32>
    %mul3A_1559 = arith.mulf %add3A_51, %mul3A_1558 : vector<128x128xf32>
    %add3A_1560 = arith.addf %add3A_1553, %mul3A_1559 : vector<128x128xf32>
    %gt3A_1561 = arith.constant 0.000000e+00 : f32
    %gt3A_1562 = vector.broadcast %gt3A_1561 : f32 to vector<128x128xf32>
    %gt3A_1563 = arith.cmpf ogt, %add3A_1560, %gt3A_1562 : vector<128x128xf32>
    %min3A_1564 = arith.constant 0.000000e+00 : f32
    %min3A_1565 = vector.broadcast %min3A_1564 : f32 to vector<128x128xf32>
    %min3A_1566 = arith.minimumf %add3A_1560, %min3A_1565 : vector<128x128xf32>
    %exp3A_1567 = math.exp %min3A_1566 : vector<128x128xf32>
    %sub3A_1568 = arith.constant 1.000000e+00 : f32
    %sub3A_1569 = vector.broadcast %sub3A_1568 : f32 to vector<128x128xf32>
    %sub3A_1570 = arith.subf %exp3A_1567, %sub3A_1569 : vector<128x128xf32>
    %mul3A_1571 = arith.constant 1.67326319 : f32
    %mul3A_1572 = vector.broadcast %mul3A_1571 : f32 to vector<128x128xf32>
    %mul3A_1573 = arith.mulf %mul3A_1572, %sub3A_1570 : vector<128x128xf32>
    %select_n3A_1574 = arith.select %gt3A_1563, %add3A_1560, %mul3A_1573 : vector<128x128xi1>, vector<128x128xf32>
    %mul3A_1575 = arith.constant 1.05070102 : f32
    %mul3A_1576 = vector.broadcast %mul3A_1575 : f32 to vector<128x128xf32>
    %mul3A_1577 = arith.mulf %mul3A_1576, %select_n3A_1574 : vector<128x128xf32>
    %get3A_1578 = arith.constant 0 : index
    %get3A_1579 = arith.constant 18 : index
    %get3A_1580 = vector.load %arg4[%get3A_1578, %get3A_1579] : memref<1x20xf32, #tpu.memory_space<vmem>>, vector<1x1xf32>
    %get3A_1581 = vector.extract %get3A_1580[0, 0] : f32 from vector<1x1xf32>
    %get3A_1582 = arith.constant 0 : index
    %get3A_1583 = arith.constant 18 : index
    %get3A_1584 = vector.load %arg3[%get3A_1582, %get3A_1583] : memref<9x20xf32, #tpu.memory_space<vmem>>, vector<1x1xf32>
    %get3A_1585 = vector.extract %get3A_1584[0, 0] : f32 from vector<1x1xf32>
    %mul3A_1586 = vector.broadcast %get3A_1585 : f32 to vector<128x128xf32>
    %mul3A_1587 = arith.mulf %get3A_3, %mul3A_1586 : vector<128x128xf32>
    %add3A_1588 = vector.broadcast %get3A_1581 : f32 to vector<128x128xf32>
    %add3A_1589 = arith.addf %add3A_1588, %mul3A_1587 : vector<128x128xf32>
    %get3A_1590 = arith.constant 1 : index
    %get3A_1591 = arith.constant 18 : index
    %get3A_1592 = vector.load %arg3[%get3A_1590, %get3A_1591] : memref<9x20xf32, #tpu.memory_space<vmem>>, vector<1x1xf32>
    %get3A_1593 = vector.extract %get3A_1592[0, 0] : f32 from vector<1x1xf32>
    %mul3A_1594 = vector.broadcast %get3A_1593 : f32 to vector<128x128xf32>
    %mul3A_1595 = arith.mulf %get3A_8, %mul3A_1594 : vector<128x128xf32>
    %add3A_1596 = arith.addf %add3A_1589, %mul3A_1595 : vector<128x128xf32>
    %get3A_1597 = arith.constant 2 : index
    %get3A_1598 = arith.constant 18 : index
    %get3A_1599 = vector.load %arg3[%get3A_1597, %get3A_1598] : memref<9x20xf32, #tpu.memory_space<vmem>>, vector<1x1xf32>
    %get3A_1600 = vector.extract %get3A_1599[0, 0] : f32 from vector<1x1xf32>
    %mul3A_1601 = vector.broadcast %get3A_1600 : f32 to vector<128x128xf32>
    %mul3A_1602 = arith.mulf %get3A_13, %mul3A_1601 : vector<128x128xf32>
    %add3A_1603 = arith.addf %add3A_1596, %mul3A_1602 : vector<128x128xf32>
    %get3A_1604 = arith.constant 3 : index
    %get3A_1605 = arith.constant 18 : index
    %get3A_1606 = vector.load %arg3[%get3A_1604, %get3A_1605] : memref<9x20xf32, #tpu.memory_space<vmem>>, vector<1x1xf32>
    %get3A_1607 = vector.extract %get3A_1606[0, 0] : f32 from vector<1x1xf32>
    %mul3A_1608 = vector.broadcast %get3A_1607 : f32 to vector<128x128xf32>
    %mul3A_1609 = arith.mulf %get3A_18, %mul3A_1608 : vector<128x128xf32>
    %add3A_1610 = arith.addf %add3A_1603, %mul3A_1609 : vector<128x128xf32>
    %get3A_1611 = arith.constant 4 : index
    %get3A_1612 = arith.constant 18 : index
    %get3A_1613 = vector.load %arg3[%get3A_1611, %get3A_1612] : memref<9x20xf32, #tpu.memory_space<vmem>>, vector<1x1xf32>
    %get3A_1614 = vector.extract %get3A_1613[0, 0] : f32 from vector<1x1xf32>
    %mul3A_1615 = vector.broadcast %get3A_1614 : f32 to vector<128x128xf32>
    %mul3A_1616 = arith.mulf %get3A_23, %mul3A_1615 : vector<128x128xf32>
    %add3A_1617 = arith.addf %add3A_1610, %mul3A_1616 : vector<128x128xf32>
    %get3A_1618 = arith.constant 5 : index
    %get3A_1619 = arith.constant 18 : index
    %get3A_1620 = vector.load %arg3[%get3A_1618, %get3A_1619] : memref<9x20xf32, #tpu.memory_space<vmem>>, vector<1x1xf32>
    %get3A_1621 = vector.extract %get3A_1620[0, 0] : f32 from vector<1x1xf32>
    %mul3A_1622 = vector.broadcast %get3A_1621 : f32 to vector<128x128xf32>
    %mul3A_1623 = arith.mulf %get3A_28, %mul3A_1622 : vector<128x128xf32>
    %add3A_1624 = arith.addf %add3A_1617, %mul3A_1623 : vector<128x128xf32>
    %get3A_1625 = arith.constant 6 : index
    %get3A_1626 = arith.constant 18 : index
    %get3A_1627 = vector.load %arg3[%get3A_1625, %get3A_1626] : memref<9x20xf32, #tpu.memory_space<vmem>>, vector<1x1xf32>
    %get3A_1628 = vector.extract %get3A_1627[0, 0] : f32 from vector<1x1xf32>
    %mul3A_1629 = vector.broadcast %get3A_1628 : f32 to vector<128x128xf32>
    %mul3A_1630 = arith.mulf %get3A_33, %mul3A_1629 : vector<128x128xf32>
    %add3A_1631 = arith.addf %add3A_1624, %mul3A_1630 : vector<128x128xf32>
    %get3A_1632 = arith.constant 7 : index
    %get3A_1633 = arith.constant 18 : index
    %get3A_1634 = vector.load %arg3[%get3A_1632, %get3A_1633] : memref<9x20xf32, #tpu.memory_space<vmem>>, vector<1x1xf32>
    %get3A_1635 = vector.extract %get3A_1634[0, 0] : f32 from vector<1x1xf32>
    %mul3A_1636 = vector.broadcast %get3A_1635 : f32 to vector<128x128xf32>
    %mul3A_1637 = arith.mulf %get3A_38, %mul3A_1636 : vector<128x128xf32>
    %add3A_1638 = arith.addf %add3A_1631, %mul3A_1637 : vector<128x128xf32>
    %get3A_1639 = arith.constant 8 : index
    %get3A_1640 = arith.constant 18 : index
    %get3A_1641 = vector.load %arg3[%get3A_1639, %get3A_1640] : memref<9x20xf32, #tpu.memory_space<vmem>>, vector<1x1xf32>
    %get3A_1642 = vector.extract %get3A_1641[0, 0] : f32 from vector<1x1xf32>
    %mul3A_1643 = vector.broadcast %get3A_1642 : f32 to vector<128x128xf32>
    %mul3A_1644 = arith.mulf %add3A_51, %mul3A_1643 : vector<128x128xf32>
    %add3A_1645 = arith.addf %add3A_1638, %mul3A_1644 : vector<128x128xf32>
    %gt3A_1646 = arith.constant 0.000000e+00 : f32
    %gt3A_1647 = vector.broadcast %gt3A_1646 : f32 to vector<128x128xf32>
    %gt3A_1648 = arith.cmpf ogt, %add3A_1645, %gt3A_1647 : vector<128x128xf32>
    %min3A_1649 = arith.constant 0.000000e+00 : f32
    %min3A_1650 = vector.broadcast %min3A_1649 : f32 to vector<128x128xf32>
    %min3A_1651 = arith.minimumf %add3A_1645, %min3A_1650 : vector<128x128xf32>
    %exp3A_1652 = math.exp %min3A_1651 : vector<128x128xf32>
    %sub3A_1653 = arith.constant 1.000000e+00 : f32
    %sub3A_1654 = vector.broadcast %sub3A_1653 : f32 to vector<128x128xf32>
    %sub3A_1655 = arith.subf %exp3A_1652, %sub3A_1654 : vector<128x128xf32>
    %mul3A_1656 = arith.constant 1.67326319 : f32
    %mul3A_1657 = vector.broadcast %mul3A_1656 : f32 to vector<128x128xf32>
    %mul3A_1658 = arith.mulf %mul3A_1657, %sub3A_1655 : vector<128x128xf32>
    %select_n3A_1659 = arith.select %gt3A_1648, %add3A_1645, %mul3A_1658 : vector<128x128xi1>, vector<128x128xf32>
    %mul3A_1660 = arith.constant 1.05070102 : f32
    %mul3A_1661 = vector.broadcast %mul3A_1660 : f32 to vector<128x128xf32>
    %mul3A_1662 = arith.mulf %mul3A_1661, %select_n3A_1659 : vector<128x128xf32>
    %get3A_1663 = arith.constant 0 : index
    %get3A_1664 = arith.constant 19 : index
    %get3A_1665 = vector.load %arg4[%get3A_1663, %get3A_1664] : memref<1x20xf32, #tpu.memory_space<vmem>>, vector<1x1xf32>
    %get3A_1666 = vector.extract %get3A_1665[0, 0] : f32 from vector<1x1xf32>
    %get3A_1667 = arith.constant 0 : index
    %get3A_1668 = arith.constant 19 : index
    %get3A_1669 = vector.load %arg3[%get3A_1667, %get3A_1668] : memref<9x20xf32, #tpu.memory_space<vmem>>, vector<1x1xf32>
    %get3A_1670 = vector.extract %get3A_1669[0, 0] : f32 from vector<1x1xf32>
    %mul3A_1671 = vector.broadcast %get3A_1670 : f32 to vector<128x128xf32>
    %mul3A_1672 = arith.mulf %get3A_3, %mul3A_1671 : vector<128x128xf32>
    %add3A_1673 = vector.broadcast %get3A_1666 : f32 to vector<128x128xf32>
    %add3A_1674 = arith.addf %add3A_1673, %mul3A_1672 : vector<128x128xf32>
    %get3A_1675 = arith.constant 1 : index
    %get3A_1676 = arith.constant 19 : index
    %get3A_1677 = vector.load %arg3[%get3A_1675, %get3A_1676] : memref<9x20xf32, #tpu.memory_space<vmem>>, vector<1x1xf32>
    %get3A_1678 = vector.extract %get3A_1677[0, 0] : f32 from vector<1x1xf32>
    %mul3A_1679 = vector.broadcast %get3A_1678 : f32 to vector<128x128xf32>
    %mul3A_1680 = arith.mulf %get3A_8, %mul3A_1679 : vector<128x128xf32>
    %add3A_1681 = arith.addf %add3A_1674, %mul3A_1680 : vector<128x128xf32>
    %get3A_1682 = arith.constant 2 : index
    %get3A_1683 = arith.constant 19 : index
    %get3A_1684 = vector.load %arg3[%get3A_1682, %get3A_1683] : memref<9x20xf32, #tpu.memory_space<vmem>>, vector<1x1xf32>
    %get3A_1685 = vector.extract %get3A_1684[0, 0] : f32 from vector<1x1xf32>
    %mul3A_1686 = vector.broadcast %get3A_1685 : f32 to vector<128x128xf32>
    %mul3A_1687 = arith.mulf %get3A_13, %mul3A_1686 : vector<128x128xf32>
    %add3A_1688 = arith.addf %add3A_1681, %mul3A_1687 : vector<128x128xf32>
    %get3A_1689 = arith.constant 3 : index
    %get3A_1690 = arith.constant 19 : index
    %get3A_1691 = vector.load %arg3[%get3A_1689, %get3A_1690] : memref<9x20xf32, #tpu.memory_space<vmem>>, vector<1x1xf32>
    %get3A_1692 = vector.extract %get3A_1691[0, 0] : f32 from vector<1x1xf32>
    %mul3A_1693 = vector.broadcast %get3A_1692 : f32 to vector<128x128xf32>
    %mul3A_1694 = arith.mulf %get3A_18, %mul3A_1693 : vector<128x128xf32>
    %add3A_1695 = arith.addf %add3A_1688, %mul3A_1694 : vector<128x128xf32>
    %get3A_1696 = arith.constant 4 : index
    %get3A_1697 = arith.constant 19 : index
    %get3A_1698 = vector.load %arg3[%get3A_1696, %get3A_1697] : memref<9x20xf32, #tpu.memory_space<vmem>>, vector<1x1xf32>
    %get3A_1699 = vector.extract %get3A_1698[0, 0] : f32 from vector<1x1xf32>
    %mul3A_1700 = vector.broadcast %get3A_1699 : f32 to vector<128x128xf32>
    %mul3A_1701 = arith.mulf %get3A_23, %mul3A_1700 : vector<128x128xf32>
    %add3A_1702 = arith.addf %add3A_1695, %mul3A_1701 : vector<128x128xf32>
    %get3A_1703 = arith.constant 5 : index
    %get3A_1704 = arith.constant 19 : index
    %get3A_1705 = vector.load %arg3[%get3A_1703, %get3A_1704] : memref<9x20xf32, #tpu.memory_space<vmem>>, vector<1x1xf32>
    %get3A_1706 = vector.extract %get3A_1705[0, 0] : f32 from vector<1x1xf32>
    %mul3A_1707 = vector.broadcast %get3A_1706 : f32 to vector<128x128xf32>
    %mul3A_1708 = arith.mulf %get3A_28, %mul3A_1707 : vector<128x128xf32>
    %add3A_1709 = arith.addf %add3A_1702, %mul3A_1708 : vector<128x128xf32>
    %get3A_1710 = arith.constant 6 : index
    %get3A_1711 = arith.constant 19 : index
    %get3A_1712 = vector.load %arg3[%get3A_1710, %get3A_1711] : memref<9x20xf32, #tpu.memory_space<vmem>>, vector<1x1xf32>
    %get3A_1713 = vector.extract %get3A_1712[0, 0] : f32 from vector<1x1xf32>
    %mul3A_1714 = vector.broadcast %get3A_1713 : f32 to vector<128x128xf32>
    %mul3A_1715 = arith.mulf %get3A_33, %mul3A_1714 : vector<128x128xf32>
    %add3A_1716 = arith.addf %add3A_1709, %mul3A_1715 : vector<128x128xf32>
    %get3A_1717 = arith.constant 7 : index
    %get3A_1718 = arith.constant 19 : index
    %get3A_1719 = vector.load %arg3[%get3A_1717, %get3A_1718] : memref<9x20xf32, #tpu.memory_space<vmem>>, vector<1x1xf32>
    %get3A_1720 = vector.extract %get3A_1719[0, 0] : f32 from vector<1x1xf32>
    %mul3A_1721 = vector.broadcast %get3A_1720 : f32 to vector<128x128xf32>
    %mul3A_1722 = arith.mulf %get3A_38, %mul3A_1721 : vector<128x128xf32>
    %add3A_1723 = arith.addf %add3A_1716, %mul3A_1722 : vector<128x128xf32>
    %get3A_1724 = arith.constant 8 : index
    %get3A_1725 = arith.constant 19 : index
    %get3A_1726 = vector.load %arg3[%get3A_1724, %get3A_1725] : memref<9x20xf32, #tpu.memory_space<vmem>>, vector<1x1xf32>
    %get3A_1727 = vector.extract %get3A_1726[0, 0] : f32 from vector<1x1xf32>
    %mul3A_1728 = vector.broadcast %get3A_1727 : f32 to vector<128x128xf32>
    %mul3A_1729 = arith.mulf %add3A_51, %mul3A_1728 : vector<128x128xf32>
    %add3A_1730 = arith.addf %add3A_1723, %mul3A_1729 : vector<128x128xf32>
    %gt3A_1731 = arith.constant 0.000000e+00 : f32
    %gt3A_1732 = vector.broadcast %gt3A_1731 : f32 to vector<128x128xf32>
    %gt3A_1733 = arith.cmpf ogt, %add3A_1730, %gt3A_1732 : vector<128x128xf32>
    %min3A_1734 = arith.constant 0.000000e+00 : f32
    %min3A_1735 = vector.broadcast %min3A_1734 : f32 to vector<128x128xf32>
    %min3A_1736 = arith.minimumf %add3A_1730, %min3A_1735 : vector<128x128xf32>
    %exp3A_1737 = math.exp %min3A_1736 : vector<128x128xf32>
    %sub3A_1738 = arith.constant 1.000000e+00 : f32
    %sub3A_1739 = vector.broadcast %sub3A_1738 : f32 to vector<128x128xf32>
    %sub3A_1740 = arith.subf %exp3A_1737, %sub3A_1739 : vector<128x128xf32>
    %mul3A_1741 = arith.constant 1.67326319 : f32
    %mul3A_1742 = vector.broadcast %mul3A_1741 : f32 to vector<128x128xf32>
    %mul3A_1743 = arith.mulf %mul3A_1742, %sub3A_1740 : vector<128x128xf32>
    %select_n3A_1744 = arith.select %gt3A_1733, %add3A_1730, %mul3A_1743 : vector<128x128xi1>, vector<128x128xf32>
    %mul3A_1745 = arith.constant 1.05070102 : f32
    %mul3A_1746 = vector.broadcast %mul3A_1745 : f32 to vector<128x128xf32>
    %mul3A_1747 = arith.mulf %mul3A_1746, %select_n3A_1744 : vector<128x128xf32>
    %get3A_1748 = arith.constant 0 : index
    %get3A_1749 = arith.constant 0 : index
    %get3A_1750 = vector.load %arg6[%get3A_1748, %get3A_1749] : memref<1x2xf32, #tpu.memory_space<vmem>>, vector<1x1xf32>
    %get3A_1751 = vector.extract %get3A_1750[0, 0] : f32 from vector<1x1xf32>
    %get3A_1752 = arith.constant 0 : index
    %get3A_1753 = arith.constant 0 : index
    %get3A_1754 = vector.load %arg5[%get3A_1752, %get3A_1753] : memref<20x2xf32, #tpu.memory_space<vmem>>, vector<1x1xf32>
    %get3A_1755 = vector.extract %get3A_1754[0, 0] : f32 from vector<1x1xf32>
    %mul3A_1756 = vector.broadcast %get3A_1755 : f32 to vector<128x128xf32>
    %mul3A_1757 = arith.mulf %mul3A_132, %mul3A_1756 : vector<128x128xf32>
    %add3A_1758 = vector.broadcast %get3A_1751 : f32 to vector<128x128xf32>
    %add3A_1759 = arith.addf %add3A_1758, %mul3A_1757 : vector<128x128xf32>
    %get3A_1760 = arith.constant 1 : index
    %get3A_1761 = arith.constant 0 : index
    %get3A_1762 = vector.load %arg5[%get3A_1760, %get3A_1761] : memref<20x2xf32, #tpu.memory_space<vmem>>, vector<1x1xf32>
    %get3A_1763 = vector.extract %get3A_1762[0, 0] : f32 from vector<1x1xf32>
    %mul3A_1764 = vector.broadcast %get3A_1763 : f32 to vector<128x128xf32>
    %mul3A_1765 = arith.mulf %mul3A_217, %mul3A_1764 : vector<128x128xf32>
    %add3A_1766 = arith.addf %add3A_1759, %mul3A_1765 : vector<128x128xf32>
    %get3A_1767 = arith.constant 2 : index
    %get3A_1768 = arith.constant 0 : index
    %get3A_1769 = vector.load %arg5[%get3A_1767, %get3A_1768] : memref<20x2xf32, #tpu.memory_space<vmem>>, vector<1x1xf32>
    %get3A_1770 = vector.extract %get3A_1769[0, 0] : f32 from vector<1x1xf32>
    %mul3A_1771 = vector.broadcast %get3A_1770 : f32 to vector<128x128xf32>
    %mul3A_1772 = arith.mulf %mul3A_302, %mul3A_1771 : vector<128x128xf32>
    %add3A_1773 = arith.addf %add3A_1766, %mul3A_1772 : vector<128x128xf32>
    %get3A_1774 = arith.constant 3 : index
    %get3A_1775 = arith.constant 0 : index
    %get3A_1776 = vector.load %arg5[%get3A_1774, %get3A_1775] : memref<20x2xf32, #tpu.memory_space<vmem>>, vector<1x1xf32>
    %get3A_1777 = vector.extract %get3A_1776[0, 0] : f32 from vector<1x1xf32>
    %mul3A_1778 = vector.broadcast %get3A_1777 : f32 to vector<128x128xf32>
    %mul3A_1779 = arith.mulf %mul3A_387, %mul3A_1778 : vector<128x128xf32>
    %add3A_1780 = arith.addf %add3A_1773, %mul3A_1779 : vector<128x128xf32>
    %get3A_1781 = arith.constant 4 : index
    %get3A_1782 = arith.constant 0 : index
    %get3A_1783 = vector.load %arg5[%get3A_1781, %get3A_1782] : memref<20x2xf32, #tpu.memory_space<vmem>>, vector<1x1xf32>
    %get3A_1784 = vector.extract %get3A_1783[0, 0] : f32 from vector<1x1xf32>
    %mul3A_1785 = vector.broadcast %get3A_1784 : f32 to vector<128x128xf32>
    %mul3A_1786 = arith.mulf %mul3A_472, %mul3A_1785 : vector<128x128xf32>
    %add3A_1787 = arith.addf %add3A_1780, %mul3A_1786 : vector<128x128xf32>
    %get3A_1788 = arith.constant 5 : index
    %get3A_1789 = arith.constant 0 : index
    %get3A_1790 = vector.load %arg5[%get3A_1788, %get3A_1789] : memref<20x2xf32, #tpu.memory_space<vmem>>, vector<1x1xf32>
    %get3A_1791 = vector.extract %get3A_1790[0, 0] : f32 from vector<1x1xf32>
    %mul3A_1792 = vector.broadcast %get3A_1791 : f32 to vector<128x128xf32>
    %mul3A_1793 = arith.mulf %mul3A_557, %mul3A_1792 : vector<128x128xf32>
    %add3A_1794 = arith.addf %add3A_1787, %mul3A_1793 : vector<128x128xf32>
    %get3A_1795 = arith.constant 6 : index
    %get3A_1796 = arith.constant 0 : index
    %get3A_1797 = vector.load %arg5[%get3A_1795, %get3A_1796] : memref<20x2xf32, #tpu.memory_space<vmem>>, vector<1x1xf32>
    %get3A_1798 = vector.extract %get3A_1797[0, 0] : f32 from vector<1x1xf32>
    %mul3A_1799 = vector.broadcast %get3A_1798 : f32 to vector<128x128xf32>
    %mul3A_1800 = arith.mulf %mul3A_642, %mul3A_1799 : vector<128x128xf32>
    %add3A_1801 = arith.addf %add3A_1794, %mul3A_1800 : vector<128x128xf32>
    %get3A_1802 = arith.constant 7 : index
    %get3A_1803 = arith.constant 0 : index
    %get3A_1804 = vector.load %arg5[%get3A_1802, %get3A_1803] : memref<20x2xf32, #tpu.memory_space<vmem>>, vector<1x1xf32>
    %get3A_1805 = vector.extract %get3A_1804[0, 0] : f32 from vector<1x1xf32>
    %mul3A_1806 = vector.broadcast %get3A_1805 : f32 to vector<128x128xf32>
    %mul3A_1807 = arith.mulf %mul3A_727, %mul3A_1806 : vector<128x128xf32>
    %add3A_1808 = arith.addf %add3A_1801, %mul3A_1807 : vector<128x128xf32>
    %get3A_1809 = arith.constant 8 : index
    %get3A_1810 = arith.constant 0 : index
    %get3A_1811 = vector.load %arg5[%get3A_1809, %get3A_1810] : memref<20x2xf32, #tpu.memory_space<vmem>>, vector<1x1xf32>
    %get3A_1812 = vector.extract %get3A_1811[0, 0] : f32 from vector<1x1xf32>
    %mul3A_1813 = vector.broadcast %get3A_1812 : f32 to vector<128x128xf32>
    %mul3A_1814 = arith.mulf %mul3A_812, %mul3A_1813 : vector<128x128xf32>
    %add3A_1815 = arith.addf %add3A_1808, %mul3A_1814 : vector<128x128xf32>
    %get3A_1816 = arith.constant 9 : index
    %get3A_1817 = arith.constant 0 : index
    %get3A_1818 = vector.load %arg5[%get3A_1816, %get3A_1817] : memref<20x2xf32, #tpu.memory_space<vmem>>, vector<1x1xf32>
    %get3A_1819 = vector.extract %get3A_1818[0, 0] : f32 from vector<1x1xf32>
    %mul3A_1820 = vector.broadcast %get3A_1819 : f32 to vector<128x128xf32>
    %mul3A_1821 = arith.mulf %mul3A_897, %mul3A_1820 : vector<128x128xf32>
    %add3A_1822 = arith.addf %add3A_1815, %mul3A_1821 : vector<128x128xf32>
    %get3A_1823 = arith.constant 10 : index
    %get3A_1824 = arith.constant 0 : index
    %get3A_1825 = vector.load %arg5[%get3A_1823, %get3A_1824] : memref<20x2xf32, #tpu.memory_space<vmem>>, vector<1x1xf32>
    %get3A_1826 = vector.extract %get3A_1825[0, 0] : f32 from vector<1x1xf32>
    %mul3A_1827 = vector.broadcast %get3A_1826 : f32 to vector<128x128xf32>
    %mul3A_1828 = arith.mulf %mul3A_982, %mul3A_1827 : vector<128x128xf32>
    %add3A_1829 = arith.addf %add3A_1822, %mul3A_1828 : vector<128x128xf32>
    %get3A_1830 = arith.constant 11 : index
    %get3A_1831 = arith.constant 0 : index
    %get3A_1832 = vector.load %arg5[%get3A_1830, %get3A_1831] : memref<20x2xf32, #tpu.memory_space<vmem>>, vector<1x1xf32>
    %get3A_1833 = vector.extract %get3A_1832[0, 0] : f32 from vector<1x1xf32>
    %mul3A_1834 = vector.broadcast %get3A_1833 : f32 to vector<128x128xf32>
    %mul3A_1835 = arith.mulf %mul3A_1067, %mul3A_1834 : vector<128x128xf32>
    %add3A_1836 = arith.addf %add3A_1829, %mul3A_1835 : vector<128x128xf32>
    %get3A_1837 = arith.constant 12 : index
    %get3A_1838 = arith.constant 0 : index
    %get3A_1839 = vector.load %arg5[%get3A_1837, %get3A_1838] : memref<20x2xf32, #tpu.memory_space<vmem>>, vector<1x1xf32>
    %get3A_1840 = vector.extract %get3A_1839[0, 0] : f32 from vector<1x1xf32>
    %mul3A_1841 = vector.broadcast %get3A_1840 : f32 to vector<128x128xf32>
    %mul3A_1842 = arith.mulf %mul3A_1152, %mul3A_1841 : vector<128x128xf32>
    %add3A_1843 = arith.addf %add3A_1836, %mul3A_1842 : vector<128x128xf32>
    %get3A_1844 = arith.constant 13 : index
    %get3A_1845 = arith.constant 0 : index
    %get3A_1846 = vector.load %arg5[%get3A_1844, %get3A_1845] : memref<20x2xf32, #tpu.memory_space<vmem>>, vector<1x1xf32>
    %get3A_1847 = vector.extract %get3A_1846[0, 0] : f32 from vector<1x1xf32>
    %mul3A_1848 = vector.broadcast %get3A_1847 : f32 to vector<128x128xf32>
    %mul3A_1849 = arith.mulf %mul3A_1237, %mul3A_1848 : vector<128x128xf32>
    %add3A_1850 = arith.addf %add3A_1843, %mul3A_1849 : vector<128x128xf32>
    %get3A_1851 = arith.constant 14 : index
    %get3A_1852 = arith.constant 0 : index
    %get3A_1853 = vector.load %arg5[%get3A_1851, %get3A_1852] : memref<20x2xf32, #tpu.memory_space<vmem>>, vector<1x1xf32>
    %get3A_1854 = vector.extract %get3A_1853[0, 0] : f32 from vector<1x1xf32>
    %mul3A_1855 = vector.broadcast %get3A_1854 : f32 to vector<128x128xf32>
    %mul3A_1856 = arith.mulf %mul3A_1322, %mul3A_1855 : vector<128x128xf32>
    %add3A_1857 = arith.addf %add3A_1850, %mul3A_1856 : vector<128x128xf32>
    %get3A_1858 = arith.constant 15 : index
    %get3A_1859 = arith.constant 0 : index
    %get3A_1860 = vector.load %arg5[%get3A_1858, %get3A_1859] : memref<20x2xf32, #tpu.memory_space<vmem>>, vector<1x1xf32>
    %get3A_1861 = vector.extract %get3A_1860[0, 0] : f32 from vector<1x1xf32>
    %mul3A_1862 = vector.broadcast %get3A_1861 : f32 to vector<128x128xf32>
    %mul3A_1863 = arith.mulf %mul3A_1407, %mul3A_1862 : vector<128x128xf32>
    %add3A_1864 = arith.addf %add3A_1857, %mul3A_1863 : vector<128x128xf32>
    %get3A_1865 = arith.constant 16 : index
    %get3A_1866 = arith.constant 0 : index
    %get3A_1867 = vector.load %arg5[%get3A_1865, %get3A_1866] : memref<20x2xf32, #tpu.memory_space<vmem>>, vector<1x1xf32>
    %get3A_1868 = vector.extract %get3A_1867[0, 0] : f32 from vector<1x1xf32>
    %mul3A_1869 = vector.broadcast %get3A_1868 : f32 to vector<128x128xf32>
    %mul3A_1870 = arith.mulf %mul3A_1492, %mul3A_1869 : vector<128x128xf32>
    %add3A_1871 = arith.addf %add3A_1864, %mul3A_1870 : vector<128x128xf32>
    %get3A_1872 = arith.constant 17 : index
    %get3A_1873 = arith.constant 0 : index
    %get3A_1874 = vector.load %arg5[%get3A_1872, %get3A_1873] : memref<20x2xf32, #tpu.memory_space<vmem>>, vector<1x1xf32>
    %get3A_1875 = vector.extract %get3A_1874[0, 0] : f32 from vector<1x1xf32>
    %mul3A_1876 = vector.broadcast %get3A_1875 : f32 to vector<128x128xf32>
    %mul3A_1877 = arith.mulf %mul3A_1577, %mul3A_1876 : vector<128x128xf32>
    %add3A_1878 = arith.addf %add3A_1871, %mul3A_1877 : vector<128x128xf32>
    %get3A_1879 = arith.constant 18 : index
    %get3A_1880 = arith.constant 0 : index
    %get3A_1881 = vector.load %arg5[%get3A_1879, %get3A_1880] : memref<20x2xf32, #tpu.memory_space<vmem>>, vector<1x1xf32>
    %get3A_1882 = vector.extract %get3A_1881[0, 0] : f32 from vector<1x1xf32>
    %mul3A_1883 = vector.broadcast %get3A_1882 : f32 to vector<128x128xf32>
    %mul3A_1884 = arith.mulf %mul3A_1662, %mul3A_1883 : vector<128x128xf32>
    %add3A_1885 = arith.addf %add3A_1878, %mul3A_1884 : vector<128x128xf32>
    %get3A_1886 = arith.constant 19 : index
    %get3A_1887 = arith.constant 0 : index
    %get3A_1888 = vector.load %arg5[%get3A_1886, %get3A_1887] : memref<20x2xf32, #tpu.memory_space<vmem>>, vector<1x1xf32>
    %get3A_1889 = vector.extract %get3A_1888[0, 0] : f32 from vector<1x1xf32>
    %mul3A_1890 = vector.broadcast %get3A_1889 : f32 to vector<128x128xf32>
    %mul3A_1891 = arith.mulf %mul3A_1747, %mul3A_1890 : vector<128x128xf32>
    %add3A_1892 = arith.addf %add3A_1885, %mul3A_1891 : vector<128x128xf32>
    %get3A_1893 = arith.constant 0 : index
    %get3A_1894 = arith.constant 1 : index
    %get3A_1895 = vector.load %arg6[%get3A_1893, %get3A_1894] : memref<1x2xf32, #tpu.memory_space<vmem>>, vector<1x1xf32>
    %get3A_1896 = vector.extract %get3A_1895[0, 0] : f32 from vector<1x1xf32>
    %get3A_1897 = arith.constant 0 : index
    %get3A_1898 = arith.constant 1 : index
    %get3A_1899 = vector.load %arg5[%get3A_1897, %get3A_1898] : memref<20x2xf32, #tpu.memory_space<vmem>>, vector<1x1xf32>
    %get3A_1900 = vector.extract %get3A_1899[0, 0] : f32 from vector<1x1xf32>
    %mul3A_1901 = vector.broadcast %get3A_1900 : f32 to vector<128x128xf32>
    %mul3A_1902 = arith.mulf %mul3A_132, %mul3A_1901 : vector<128x128xf32>
    %add3A_1903 = vector.broadcast %get3A_1896 : f32 to vector<128x128xf32>
    %add3A_1904 = arith.addf %add3A_1903, %mul3A_1902 : vector<128x128xf32>
    %get3A_1905 = arith.constant 1 : index
    %get3A_1906 = arith.constant 1 : index
    %get3A_1907 = vector.load %arg5[%get3A_1905, %get3A_1906] : memref<20x2xf32, #tpu.memory_space<vmem>>, vector<1x1xf32>
    %get3A_1908 = vector.extract %get3A_1907[0, 0] : f32 from vector<1x1xf32>
    %mul3A_1909 = vector.broadcast %get3A_1908 : f32 to vector<128x128xf32>
    %mul3A_1910 = arith.mulf %mul3A_217, %mul3A_1909 : vector<128x128xf32>
    %add3A_1911 = arith.addf %add3A_1904, %mul3A_1910 : vector<128x128xf32>
    %get3A_1912 = arith.constant 2 : index
    %get3A_1913 = arith.constant 1 : index
    %get3A_1914 = vector.load %arg5[%get3A_1912, %get3A_1913] : memref<20x2xf32, #tpu.memory_space<vmem>>, vector<1x1xf32>
    %get3A_1915 = vector.extract %get3A_1914[0, 0] : f32 from vector<1x1xf32>
    %mul3A_1916 = vector.broadcast %get3A_1915 : f32 to vector<128x128xf32>
    %mul3A_1917 = arith.mulf %mul3A_302, %mul3A_1916 : vector<128x128xf32>
    %add3A_1918 = arith.addf %add3A_1911, %mul3A_1917 : vector<128x128xf32>
    %get3A_1919 = arith.constant 3 : index
    %get3A_1920 = arith.constant 1 : index
    %get3A_1921 = vector.load %arg5[%get3A_1919, %get3A_1920] : memref<20x2xf32, #tpu.memory_space<vmem>>, vector<1x1xf32>
    %get3A_1922 = vector.extract %get3A_1921[0, 0] : f32 from vector<1x1xf32>
    %mul3A_1923 = vector.broadcast %get3A_1922 : f32 to vector<128x128xf32>
    %mul3A_1924 = arith.mulf %mul3A_387, %mul3A_1923 : vector<128x128xf32>
    %add3A_1925 = arith.addf %add3A_1918, %mul3A_1924 : vector<128x128xf32>
    %get3A_1926 = arith.constant 4 : index
    %get3A_1927 = arith.constant 1 : index
    %get3A_1928 = vector.load %arg5[%get3A_1926, %get3A_1927] : memref<20x2xf32, #tpu.memory_space<vmem>>, vector<1x1xf32>
    %get3A_1929 = vector.extract %get3A_1928[0, 0] : f32 from vector<1x1xf32>
    %mul3A_1930 = vector.broadcast %get3A_1929 : f32 to vector<128x128xf32>
    %mul3A_1931 = arith.mulf %mul3A_472, %mul3A_1930 : vector<128x128xf32>
    %add3A_1932 = arith.addf %add3A_1925, %mul3A_1931 : vector<128x128xf32>
    %get3A_1933 = arith.constant 5 : index
    %get3A_1934 = arith.constant 1 : index
    %get3A_1935 = vector.load %arg5[%get3A_1933, %get3A_1934] : memref<20x2xf32, #tpu.memory_space<vmem>>, vector<1x1xf32>
    %get3A_1936 = vector.extract %get3A_1935[0, 0] : f32 from vector<1x1xf32>
    %mul3A_1937 = vector.broadcast %get3A_1936 : f32 to vector<128x128xf32>
    %mul3A_1938 = arith.mulf %mul3A_557, %mul3A_1937 : vector<128x128xf32>
    %add3A_1939 = arith.addf %add3A_1932, %mul3A_1938 : vector<128x128xf32>
    %get3A_1940 = arith.constant 6 : index
    %get3A_1941 = arith.constant 1 : index
    %get3A_1942 = vector.load %arg5[%get3A_1940, %get3A_1941] : memref<20x2xf32, #tpu.memory_space<vmem>>, vector<1x1xf32>
    %get3A_1943 = vector.extract %get3A_1942[0, 0] : f32 from vector<1x1xf32>
    %mul3A_1944 = vector.broadcast %get3A_1943 : f32 to vector<128x128xf32>
    %mul3A_1945 = arith.mulf %mul3A_642, %mul3A_1944 : vector<128x128xf32>
    %add3A_1946 = arith.addf %add3A_1939, %mul3A_1945 : vector<128x128xf32>
    %get3A_1947 = arith.constant 7 : index
    %get3A_1948 = arith.constant 1 : index
    %get3A_1949 = vector.load %arg5[%get3A_1947, %get3A_1948] : memref<20x2xf32, #tpu.memory_space<vmem>>, vector<1x1xf32>
    %get3A_1950 = vector.extract %get3A_1949[0, 0] : f32 from vector<1x1xf32>
    %mul3A_1951 = vector.broadcast %get3A_1950 : f32 to vector<128x128xf32>
    %mul3A_1952 = arith.mulf %mul3A_727, %mul3A_1951 : vector<128x128xf32>
    %add3A_1953 = arith.addf %add3A_1946, %mul3A_1952 : vector<128x128xf32>
    %get3A_1954 = arith.constant 8 : index
    %get3A_1955 = arith.constant 1 : index
    %get3A_1956 = vector.load %arg5[%get3A_1954, %get3A_1955] : memref<20x2xf32, #tpu.memory_space<vmem>>, vector<1x1xf32>
    %get3A_1957 = vector.extract %get3A_1956[0, 0] : f32 from vector<1x1xf32>
    %mul3A_1958 = vector.broadcast %get3A_1957 : f32 to vector<128x128xf32>
    %mul3A_1959 = arith.mulf %mul3A_812, %mul3A_1958 : vector<128x128xf32>
    %add3A_1960 = arith.addf %add3A_1953, %mul3A_1959 : vector<128x128xf32>
    %get3A_1961 = arith.constant 9 : index
    %get3A_1962 = arith.constant 1 : index
    %get3A_1963 = vector.load %arg5[%get3A_1961, %get3A_1962] : memref<20x2xf32, #tpu.memory_space<vmem>>, vector<1x1xf32>
    %get3A_1964 = vector.extract %get3A_1963[0, 0] : f32 from vector<1x1xf32>
    %mul3A_1965 = vector.broadcast %get3A_1964 : f32 to vector<128x128xf32>
    %mul3A_1966 = arith.mulf %mul3A_897, %mul3A_1965 : vector<128x128xf32>
    %add3A_1967 = arith.addf %add3A_1960, %mul3A_1966 : vector<128x128xf32>
    %get3A_1968 = arith.constant 10 : index
    %get3A_1969 = arith.constant 1 : index
    %get3A_1970 = vector.load %arg5[%get3A_1968, %get3A_1969] : memref<20x2xf32, #tpu.memory_space<vmem>>, vector<1x1xf32>
    %get3A_1971 = vector.extract %get3A_1970[0, 0] : f32 from vector<1x1xf32>
    %mul3A_1972 = vector.broadcast %get3A_1971 : f32 to vector<128x128xf32>
    %mul3A_1973 = arith.mulf %mul3A_982, %mul3A_1972 : vector<128x128xf32>
    %add3A_1974 = arith.addf %add3A_1967, %mul3A_1973 : vector<128x128xf32>
    %get3A_1975 = arith.constant 11 : index
    %get3A_1976 = arith.constant 1 : index
    %get3A_1977 = vector.load %arg5[%get3A_1975, %get3A_1976] : memref<20x2xf32, #tpu.memory_space<vmem>>, vector<1x1xf32>
    %get3A_1978 = vector.extract %get3A_1977[0, 0] : f32 from vector<1x1xf32>
    %mul3A_1979 = vector.broadcast %get3A_1978 : f32 to vector<128x128xf32>
    %mul3A_1980 = arith.mulf %mul3A_1067, %mul3A_1979 : vector<128x128xf32>
    %add3A_1981 = arith.addf %add3A_1974, %mul3A_1980 : vector<128x128xf32>
    %get3A_1982 = arith.constant 12 : index
    %get3A_1983 = arith.constant 1 : index
    %get3A_1984 = vector.load %arg5[%get3A_1982, %get3A_1983] : memref<20x2xf32, #tpu.memory_space<vmem>>, vector<1x1xf32>
    %get3A_1985 = vector.extract %get3A_1984[0, 0] : f32 from vector<1x1xf32>
    %mul3A_1986 = vector.broadcast %get3A_1985 : f32 to vector<128x128xf32>
    %mul3A_1987 = arith.mulf %mul3A_1152, %mul3A_1986 : vector<128x128xf32>
    %add3A_1988 = arith.addf %add3A_1981, %mul3A_1987 : vector<128x128xf32>
    %get3A_1989 = arith.constant 13 : index
    %get3A_1990 = arith.constant 1 : index
    %get3A_1991 = vector.load %arg5[%get3A_1989, %get3A_1990] : memref<20x2xf32, #tpu.memory_space<vmem>>, vector<1x1xf32>
    %get3A_1992 = vector.extract %get3A_1991[0, 0] : f32 from vector<1x1xf32>
    %mul3A_1993 = vector.broadcast %get3A_1992 : f32 to vector<128x128xf32>
    %mul3A_1994 = arith.mulf %mul3A_1237, %mul3A_1993 : vector<128x128xf32>
    %add3A_1995 = arith.addf %add3A_1988, %mul3A_1994 : vector<128x128xf32>
    %get3A_1996 = arith.constant 14 : index
    %get3A_1997 = arith.constant 1 : index
    %get3A_1998 = vector.load %arg5[%get3A_1996, %get3A_1997] : memref<20x2xf32, #tpu.memory_space<vmem>>, vector<1x1xf32>
    %get3A_1999 = vector.extract %get3A_1998[0, 0] : f32 from vector<1x1xf32>
    %mul3A_2000 = vector.broadcast %get3A_1999 : f32 to vector<128x128xf32>
    %mul3A_2001 = arith.mulf %mul3A_1322, %mul3A_2000 : vector<128x128xf32>
    %add3A_2002 = arith.addf %add3A_1995, %mul3A_2001 : vector<128x128xf32>
    %get3A_2003 = arith.constant 15 : index
    %get3A_2004 = arith.constant 1 : index
    %get3A_2005 = vector.load %arg5[%get3A_2003, %get3A_2004] : memref<20x2xf32, #tpu.memory_space<vmem>>, vector<1x1xf32>
    %get3A_2006 = vector.extract %get3A_2005[0, 0] : f32 from vector<1x1xf32>
    %mul3A_2007 = vector.broadcast %get3A_2006 : f32 to vector<128x128xf32>
    %mul3A_2008 = arith.mulf %mul3A_1407, %mul3A_2007 : vector<128x128xf32>
    %add3A_2009 = arith.addf %add3A_2002, %mul3A_2008 : vector<128x128xf32>
    %get3A_2010 = arith.constant 16 : index
    %get3A_2011 = arith.constant 1 : index
    %get3A_2012 = vector.load %arg5[%get3A_2010, %get3A_2011] : memref<20x2xf32, #tpu.memory_space<vmem>>, vector<1x1xf32>
    %get3A_2013 = vector.extract %get3A_2012[0, 0] : f32 from vector<1x1xf32>
    %mul3A_2014 = vector.broadcast %get3A_2013 : f32 to vector<128x128xf32>
    %mul3A_2015 = arith.mulf %mul3A_1492, %mul3A_2014 : vector<128x128xf32>
    %add3A_2016 = arith.addf %add3A_2009, %mul3A_2015 : vector<128x128xf32>
    %get3A_2017 = arith.constant 17 : index
    %get3A_2018 = arith.constant 1 : index
    %get3A_2019 = vector.load %arg5[%get3A_2017, %get3A_2018] : memref<20x2xf32, #tpu.memory_space<vmem>>, vector<1x1xf32>
    %get3A_2020 = vector.extract %get3A_2019[0, 0] : f32 from vector<1x1xf32>
    %mul3A_2021 = vector.broadcast %get3A_2020 : f32 to vector<128x128xf32>
    %mul3A_2022 = arith.mulf %mul3A_1577, %mul3A_2021 : vector<128x128xf32>
    %add3A_2023 = arith.addf %add3A_2016, %mul3A_2022 : vector<128x128xf32>
    %get3A_2024 = arith.constant 18 : index
    %get3A_2025 = arith.constant 1 : index
    %get3A_2026 = vector.load %arg5[%get3A_2024, %get3A_2025] : memref<20x2xf32, #tpu.memory_space<vmem>>, vector<1x1xf32>
    %get3A_2027 = vector.extract %get3A_2026[0, 0] : f32 from vector<1x1xf32>
    %mul3A_2028 = vector.broadcast %get3A_2027 : f32 to vector<128x128xf32>
    %mul3A_2029 = arith.mulf %mul3A_1662, %mul3A_2028 : vector<128x128xf32>
    %add3A_2030 = arith.addf %add3A_2023, %mul3A_2029 : vector<128x128xf32>
    %get3A_2031 = arith.constant 19 : index
    %get3A_2032 = arith.constant 1 : index
    %get3A_2033 = vector.load %arg5[%get3A_2031, %get3A_2032] : memref<20x2xf32, #tpu.memory_space<vmem>>, vector<1x1xf32>
    %get3A_2034 = vector.extract %get3A_2033[0, 0] : f32 from vector<1x1xf32>
    %mul3A_2035 = vector.broadcast %get3A_2034 : f32 to vector<128x128xf32>
    %mul3A_2036 = arith.mulf %mul3A_1747, %mul3A_2035 : vector<128x128xf32>
    %add3A_2037 = arith.addf %add3A_2030, %mul3A_2036 : vector<128x128xf32>
    %max3A = arith.maximumf %add3A_1892, %add3A_2037 : vector<128x128xf32>
    %sub3A_2038 = arith.subf %add3A_1892, %max3A : vector<128x128xf32>
    %sub3A_2039 = arith.subf %add3A_2037, %max3A : vector<128x128xf32>
    %exp3A_2040 = math.exp %sub3A_2038 : vector<128x128xf32>
    %exp3A_2041 = math.exp %sub3A_2039 : vector<128x128xf32>
    %add3A_2042 = arith.addf %exp3A_2040, %exp3A_2041 : vector<128x128xf32>
    %log3A = math.log %add3A_2042 : vector<128x128xf32>
    %sub3A_2043 = arith.subf %sub3A_2038, %log3A : vector<128x128xf32>
    %swap3A = arith.constant 0 : index
    %swap3A_2044 = arith.constant 0 : index
    %swap3A_2045 = arith.constant 0 : index
    %swap3A_2046 = vector.load %arg7[%swap3A, %swap3A_2044, %swap3A_2045] : memref<2x128x128xf32, #tpu.memory_space<vmem>>, vector<1x128x128xf32>
    %swap3A_2047 = vector.shape_cast %swap3A_2046 : vector<1x128x128xf32> to vector<128x128xf32>
    %swap3A_2048 = vector.shape_cast %sub3A_2043 : vector<128x128xf32> to vector<1x128x128xf32>
    tpu.vector_store %arg7[%swap3A, %swap3A_2044, %swap3A_2045], %swap3A_2048 {strides = array<i32>} : memref<2x128x128xf32, #tpu.memory_space<vmem>>, vector<1x128x128xf32>,
    %sub3A_2049 = arith.subf %sub3A_2039, %log3A : vector<128x128xf32>
    %swap3A_2050 = arith.constant 1 : index
    %swap3A_2051 = arith.constant 0 : index
    %swap3A_2052 = arith.constant 0 : index
    %swap3A_2053 = vector.load %arg7[%swap3A_2050, %swap3A_2051, %swap3A_2052] : memref<2x128x128xf32, #tpu.memory_space<vmem>>, vector<1x128x128xf32>
    %swap3A_2054 = vector.shape_cast %swap3A_2053 : vector<1x128x128xf32> to vector<128x128xf32>
    %swap3A_2055 = vector.shape_cast %sub3A_2049 : vector<128x128xf32> to vector<1x128x128xf32>
    tpu.vector_store %arg7[%swap3A_2050, %swap3A_2051, %swap3A_2052], %swap3A_2055 {strides = array<i32>} : memref<2x128x128xf32, #tpu.memory_space<vmem>>, vector<1x128x128xf32>,
    return
  }
}

</mosaic_0001>

<sc_bundles>
// kernel: kernel.4.cloned.1.call-start
scs
__scs_entry_jumppad:
0x0: {  	(pc) =	sbr.rel $0x88, $3  }
0x1: {  	(tag) =	ssettag $0x0;
	lr =	simm.s32 $0x1  }
0x2: {  	[smem:$0x3F99] =	sst lr;
	_ =	strace $0xD0000000  }
0x3: {  	_ = 	snop  }
0x4: {  	_ = 	snop  }
0x5: {  	_ = 	snop  }
0x6: {  	_ = 	snop  }
0x7: {  	_ = 	snop  }
__scs_overlays_trampoline_lowered:
0x8: {  	[smem:$0x3FA8] =	sst s0  }
0x9: {  	[smem:$0x3FA9] =	sst s1  }
0xa: {  	[smem:$0x3FAA] =	sst s2  }
0xb: {  	[smem:$0x3FAB] =	sst s3  }
0xc: {  	[smem:$0x3FAC] =	sst s4  }
0xd: {  	[smem:$0x3FAD] =	sst s5  }
0xe: {  	[smem:$0x3FAE] =	sst s6  }
0xf: {  	[smem:$0x3FAF] =	sst s7  }
0x10: {  	[smem:$0x3FB0] =	sst s8  }
0x11: {  	[smem:$0x3FB1] =	sst s9;
	s0 =	simm.s32 @!p0 $0x0  }
0x12: {  	s1 =	sld [smem:$0x3F97];
	s0 =	simm.s32 @p0 $0x1  }
0x13: {  	[smem:$0x3FB2] =	sst s0;
	s0 =	simm.s32 @!p1 $0x0  }
0x14: {  	s2 =	sld [smem:$0x3F96];
	s0 =	simm.s32 @p1 $0x1  }
0x15: {  	[smem:$0x3FB3] =	sst s0;
	s0 =	simm.s32 @!p2 $0x0  }
0x16: {  	s3 =	sld [smem:$0x3FDB];
	s0 =	simm.s32 @p2 $0x1  }
0x17: {  	s4 =	simm.s32 $0x1BF5;
	[smem:$0x3FB5] =	sst s0  }
0x18: {  	s0 =	sld [smem:$0x3F98];
	_ =	swait.ge [sflag:s4], $0x0  }
0x19: {  	s7 =	sld [smem:$0x3F99]  }
0x1a: {  	s8 =	sadd.s32 $0xFFFFE003, lr  }
0x1b: {  	s9 =	sadd.s32 $0xFFFFFEF7, lr;
	s5 =	simm.s32 $0xFFFFFFFF;
	p2 =	slt.u32 s8, $0xFFFFF086  }
0x1c: {  	p1 =	slt.u32 s9, $0xF7A;
	s5 =	simm.s32 @!p2 $0x0  }
0x1d: {  	s5 =	simm.s32 @p1 $0x1;
	p0 =	seq.s32 s7, s2  }
0x1e: {  	s7 =	smul.u32 @!p0 $0xF7A, s2;
	p2 =	seq.s32 @!p0 s5, $0x0  }
0x1f: {  	s9 =	smul.u32 $0xF7A, s1;
	s8 =	simm.s32 @!p0 $0x1BF5;
	p2 =	por !p2, p0  }
0x20: {  	[sflag:s8] =	ssyncset.s32 @!p0 $0xFFFFF086;
	s6 =	sadd.s32 @!p0 s3, s7;
	s7 =	simm.s32 @!p0 $0x108  }
0x21: {  	s3 =	sadd.s32 s3, s9;
	s6 =	sadd.s32 @!p0 $0x88, s6;
	s7 =	simm.s32 @p2 $0x1082  }
0x22: {  	[simem:s7], [sflag:s8] =	dma.local @!p0 [hbm:s6], $0xF7A  }
0x23: {  	s9 =	sor.u32 $0xD0000000, s2;
	s6 =	simm.s32 $0x108;
	_ =	swait.ge @!p0 [sflag:s8], $0x0  }
0x24: {  	s3 =	sadd.s32 $0x88, s3;
	s6 =	simm.s32 @!p1 $0x1082;
	[sflag:s4] =	ssyncset.s32 $0xFFFFF086  }
0x25: {  	[simem:s6], [sflag:s4] =	dma.local [hbm:s3], $0xF7A  }
0x26: {  	[smem:$0x3F99] =	sst s1;
	(tag) =	ssettag s2;
	_ =	strace s9  }
0x27: {  	s1 =	sld [smem:$0x3FA9]  }
0x28: {  	s2 =	sld [smem:$0x3FAA]  }
0x29: {  	s4 =	sld [smem:$0x3FAC]  }
0x2a: {  	p0 =	seq.s32 s5, $0x0;
	s5 =	sld [smem:$0x3FAD]  }
0x2b: {  	s6 =	sld [smem:$0x3FAE]  }
0x2c: {  	s7 =	sld [smem:$0x3FAF]  }
0x2d: {  	s3 =	simm.s32 $0x108;
	s8 =	sld [smem:$0x3FB0]  }
0x2e: {  	s3 =	simm.s32 @!p0 $0x1082;
	s9 =	sld [smem:$0x3FB1]  }
0x2f: {  	lr =	sadd.s32 s0, s3;
	s0 =	sld [smem:$0x3FA8]  }
0x30: {  	s3 =	sld [smem:$0x3FAB]  }
0x31: {  	[smem:$0x3FB4] =	sst s10  }
0x32: {  	s10 =	sld [smem:$0x3FB2];
	_ =	sdelay $0x3  }
0x33: {  	p0 =	seq.s32 s10, $0x1;
	s10 =	sld [smem:$0x3FB4];
	_ =	sdelay $0x3  }
0x34: {  	[smem:$0x3FB4] =	sst s10  }
0x35: {  	s10 =	sld [smem:$0x3FB3];
	_ =	sdelay $0x3  }
0x36: {  	p1 =	seq.s32 s10, $0x1;
	s10 =	sld [smem:$0x3FB4];
	_ =	sdelay $0x3  }
0x37: {  	[smem:$0x3FB4] =	sst s10  }
0x38: {  	s10 =	sld [smem:$0x3FB5]  }
0x39: {  	_ = 	snop;
	(pc) =	sbr.ind lr, $3  }
0x3a: {  	_ = 	snop  }
0x3b: {  	_ = 	snop  }
0x3c: {  	p2 =	seq.s32 s10, $0x1;
	s10 =	sld [smem:$0x3FB4]  }
0x3d: {  	_ =	shalt  }
0x3e: {  	_ =	shalt  }
0x3f: {  	_ =	shalt  }
0x40: {  	_ =	shalt  }
0x41: {  	_ =	shalt  }
0x42: {  	_ =	shalt  }
0x43: {  	_ =	shalt  }
0x44: {  	_ =	shalt  }
0x45: {  	_ =	shalt  }
0x46: {  	_ =	shalt  }
0x47: {  	_ =	shalt  }
0x48: {  	_ =	shalt  }
0x49: {  	_ =	shalt  }
0x4a: {  	_ =	shalt  }
0x4b: {  	_ =	shalt  }
0x4c: {  	_ =	shalt  }
0x4d: {  	_ =	shalt  }
0x4e: {  	_ =	shalt  }
0x4f: {  	_ =	shalt  }
0x50: {  	_ =	shalt  }
0x51: {  	_ =	shalt  }
0x52: {  	_ =	shalt  }
0x53: {  	_ =	shalt  }
0x54: {  	_ =	shalt  }
0x55: {  	_ =	shalt  }
0x56: {  	_ =	shalt  }
0x57: {  	_ =	shalt  }
0x58: {  	_ =	shalt  }
0x59: {  	_ =	shalt  }
0x5a: {  	_ =	shalt  }
0x5b: {  	_ =	shalt  }
0x5c: {  	_ =	shalt  }
0x5d: {  	_ =	shalt  }
0x5e: {  	_ =	shalt  }
0x5f: {  	_ =	shalt  }
0x60: {  	_ =	shalt  }
0x61: {  	_ =	shalt  }
0x62: {  	_ =	shalt  }
0x63: {  	_ =	shalt  }
0x64: {  	_ =	shalt  }
0x65: {  	_ =	shalt  }
0x66: {  	_ =	shalt  }
0x67: {  	_ =	shalt  }
0x68: {  	_ =	shalt  }
0x69: {  	_ =	shalt  }
0x6a: {  	_ =	shalt  }
0x6b: {  	_ =	shalt  }
0x6c: {  	_ =	shalt  }
0x6d: {  	_ =	shalt  }
0x6e: {  	_ =	shalt  }
0x6f: {  	_ =	shalt  }
0x70: {  	_ =	shalt  }
0x71: {  	_ =	shalt  }
0x72: {  	_ =	shalt  }
0x73: {  	_ =	shalt  }
0x74: {  	_ =	shalt  }
0x75: {  	_ =	shalt  }
0x76: {  	_ =	shalt  }
0x77: {  	_ =	shalt  }
0x78: {  	_ =	shalt  }
0x79: {  	_ =	shalt  }
0x7a: {  	_ =	shalt  }
0x7b: {  	_ =	shalt  }
0x7c: {  	_ =	shalt  }
0x7d: {  	_ =	shalt  }
0x7e: {  	_ =	shalt  }
0x7f: {  	_ =	shalt  }
0x80: {  	_ =	shalt  }
0x81: {  	_ =	shalt  }
0x82: {  	_ =	shalt  }
0x83: {  	_ =	shalt  }
0x84: {  	_ =	shalt  }
0x85: {  	_ =	shalt  }
0x86: {  	_ =	shalt  }
0x87: {  	_ =	shalt  }
.Lfunc_end0:
.L_simem_size_0:
called_computation_lowered:
.L_overlay_start_0:
0x88: {  	s2 =	sld [smem:$0x3FD9]  }
0x89: {  	s3 =	sld [smem:$0x3FFE];
	_ =	sdelay $0x1  }
0x8a: {  	s1 =	srdreg.scid  }
0x8b: {  	s0 =	sand.u32 $0x1, s1  }
0x8c: {  	s16 =	sshll.u32 s0, $0xA;
	s2 =	sadd.s32 s3, s2  }
0x8d: {  	s2 =	sadd.s32 s2, s16  }
0x8e: {  	[smem:$0x3FC0] =	sst s2  }
0x8f: {  	_ = 	snop  }
0x90: {  	(tm) =	ssettm $0x1  }
0x91: {  	s17 =	sld [smem:$0x3FFB];
	_ =	sdelay $0x3  }
0x92: {  	_ =	strace s17  }
0x93: {  	s2 =	sld [smem:$0x3FFC];
	_ =	sdelay $0x3  }
0x94: {  	_ =	strace s2  }
0x95: {  	s2 =	sld [smem:$0x3FFD];
	_ =	sdelay $0x3  }
0x96: {  	_ =	strace s2  }
0x97: {  	_ =	strace $0x8FFFFFFF  }
0x98: {  	s18 =	sld [smem:$0x3FDB];
	_ =	sdelay $0x1  }
0x99: {  	s19 =	simm.s32 $_scs_section_size  }
0x9a: {  	s4 =	simm.s32 $_size__tile_overlayer_lowered;
	s5 =	simm.s32 $_tile_overlayer_lowered  }
0x9b: {  	s22 =	simm.s32 $0x1BFF;
	s21 =	sshll.u32 s5, $0x1;
	s2 =	sadd.s32 s19, s18  }
0x9c: {  	s6 =	simm.s32 $0x0;
	s20 =	sshll.u32 s4, $0x1;
	s4 =	sadd.s32 s21, s2  }
0x9d: {  	[timem:s6], [sflag:s22] =	dma.local [hbm:s4], s20  }
0x9e: {  	_ =	swait.ge [sflag:s22], s20  }
0x9f: {  	s3 =	ssub.s32 $0x0, s20;
	[sflag:s22] =	ssyncset.done $0x0  }
0xa0: {  	[sflag:s22] =	ssyncadd.s32 s3;
	_ =	sdelay $0x1  }
0xa1: {  	s23 =	simm.s32 $0x1B8B  }
0xa2: {  	_ =	swait.ge [sflag:s23], $0x1  }
0xa3: {  	[sflag:s23] =	ssyncset.done $0x0  }
0xa4: {  	s25 =	simm.s32 $0x1B8E;
	s24 =	sld [smem:$0x3FFE];
	[sflag:s23] =	ssyncadd.s32 $0xFFFFFFFF  }
0xa5: {  	s26 =	simm.s32 $execute0_lowered;
	[smem:$0x3FD2] =	sst s25  }
0xa6: {  	s4 =	sshll.u32 s26, $0x1;
	_ =	strace $0x80000046;
	[dreg:$0x1] =	wrdreg $0xFFFFFFFF  }
0xa7: {  	s28 =	simm.s32 $_size_execute0_lowered;
	s2 =	sadd.s32 s2, s4;
	[dreg:$0x0] =	wrdreg $0x0  }
0xa8: {  	s4 =	sshll.u32 s28, $0x1;
	[dreg:$0x2] =	wrdreg s2  }
0xa9: {  	[dreg:$0x3] =	wrdreg s4  }
0xaa: {  	[dreg:$0x4] =	wrdreg $0xC0  }
0xab: {  	_ =	task [dreg:s6], $0x5FFFF  }
0xac: {  	[dreg:$0x1] =	wrdreg $0xFFFFFFFF  }
0xad: {  	[dreg:$0x0] =	wrdreg $0x60  }
0xae: {  	[dreg:$0x2] =	wrdreg s24  }
0xaf: {  	[dreg:$0x3] =	wrdreg $0x9  }
0xb0: {  	_ =	task.clear_ibuf [dreg:s6], $0x4FFFF;
	_ =	strace $0x90000046  }
0xb1: {  	s29 =	simm.s32 $0x9;
	_ =	strace $0x80000048  }
0xb2: {  	_ =	swait.ge [sflag:s29], $0x1  }
0xb3: {  	[sflag:s29] =	ssyncadd.s32 $0xFFFFFFFF  }
0xb4: {  	_ =	strace $0x90000048  }
0xb5: {  	_ =	sfence  }
0xb6: {  	s30 =	sld [smem:$0x0];
	_ =	sdelay $0x2  }
0xb7: {  	s31 =	sshll.u32 s1, $0xD;
	s1 =	sshrl.u32 s1, $0x2  }
0xb8: {  	s3 =	sand.u32 $0x4000, s31;
	s1 =	sadd.s32 s1, s30  }
0xb9: {  	s0 =	sor.u32 s3, s0;
	s1 =	sshll.u32 s1, $0x11  }
0xba: {  	s0 =	sor.u32 s1, s0  }
0xbb: {  	s0 =	sadd.s32 $0x8F2B, s0  }
0xbc: {  	[sflag:s0] =	ssyncadd.remote.s32 $0x1  }
0xbd: {  	_ =	sfence.sel $0xFFFF  }
0xbe: {  	[dreg:$0x0] =	wrdreg $0xFFFFFFFF;
	(pc) =	sbr.abs _section_cstart, $3  }
0xbf: {  	[dreg:$0x1] =	wrdreg $0xFFFFFFFF  }
0xc0: {  	_ =	task.clear_ibuf [dreg:s6], $0x2FFFF;
	_ =	strace $0x9FFFFFFF  }
0xc1: {  	(tm) =	ssettm $0x7FFFFFFF  }
tec
execute0_lowered:
.L_overlay_start_1:
0x0: {  	(tag) =	ssettag $0x1  }
0x1: {  	s0 =	rddreg [dreg:$0x0]  }
0x2: {  	s2 =	simm.s32 $0x0;
	s1 =	srdreg.scid;
	s6 =	stileid.u32  }
0x3: {  	s22 =	simm.s32 $0x200;
	s23 =	simm.s32 $0x400;
	s24 =	simm.s32 $0x600  }
0x4: {  	s25 =	simm.s32 $0x800;
	s26 =	simm.s32 $0xA00;
	s28 =	simm.s32 $0xC00  }
0x5: {  	s29 =	simm.s32 $0xE00;
	p0 =	por $0x0, $0x0;
	[smem:$0x7FF] =	sst s2  }
0x6: {  	s4 =	sadd.s32 $0x4000, s0;
	s5 =	sadd.s32 $0x41200, s0;
	s1 =	sand.u32 $0x1, s1  }
0x7: {  	s6 =	sshll.u32 s6, $0x7;
	s3 =	ssub.s32 $0x2, s1;
	s1 =	sshll.u32 s1, $0x6  }
0x8: {  	s13 =	sadd.s32 $0x47400, s0;
	s7 =	sshrl.u32 s3, $0x1;
	s1 =	sor.u32 s1, s6  }
0x9: {  	_ =	strace $0x80000047;
	s3 =	ssub.s32 s3, s7;
	s6 =	sadd.s32 s0, s1  }
0xa: {  	s15 =	sor.u32 $0x800, s1;
	s8 =	sor.u32 $0x1000, s1;
	s9 =	sor.u32 $0x1800, s1  }
0xb: {  	s10 =	sor.u32 $0x2000, s1;
	s11 =	sor.u32 $0x2800, s1;
	s12 =	sor.u32 $0x3000, s1  }
0xc: {  	s14 =	sor.u32 $0x3800, s1;
	[dreg:$0x2] =	wrdreg s6;
	s16 =	sadd.s32 s0, s15  }
0xd: {  	s17 =	sadd.s32 s0, s8;
	s18 =	sadd.s32 s0, s9;
	s19 =	sadd.s32 s0, s10  }
0xe: {  	s20 =	sadd.s32 s0, s11;
	s30 =	sadd.s32 s0, s12;
	s31 =	sadd.s32 s0, s14  }
0xf: {  	s6 =	sadd.s32 s13, s1;
	s7 =	sadd.s32 s13, s15;
	s8 =	sadd.s32 s13, s8  }
0x10: {  	s9 =	sadd.s32 s13, s9;
	s10 =	sadd.s32 s13, s10;
	s11 =	sadd.s32 s13, s11  }
0x11: {  	s12 =	sadd.s32 s13, s12;
	s21 =	smax.u32 s3, $0x1;
	[dreg:$0x3] =	wrdreg s16  }
0x12: {  	s13 =	sadd.s32 s13, s14;
	[dreg:$0x4] =	wrdreg s17;
	p1 =	sne.s32 s21, $0x1  }
.Ltmp0:
0x13: {  	s3 =	simm.s32 $0x1;
	[dreg:$0x5] =	wrdreg s18;
	(pc) =	sbr.rel @!p1 .LBB2_3-.Ltmp0, $4  }
0x14: {  	s14 =	simm.s32 $0x1000;
	s15 =	simm.s32 $0x1200;
	[dreg:$0x6] =	wrdreg s19  }
0x15: {  	[dreg:$0x7] =	wrdreg s20;
	s0 =	sadd.s32 $0xFFFFFFFF, s21;
	s16 =	simm.s32 $0x1400  }
0x16: {  	s17 =	simm.s32 $0x1600;
	s18 =	simm.s32 $0x1800;
	s19 =	simm.s32 $0x1A00  }
0x17: {  	s20 =	simm.s32 $0x1C00;
	s21 =	simm.s32 $0x1E00;
	s1 =	rddreg [dreg:$0x2]  }
0x18: {  	[dreg:$0x8] =	wrdreg s0  }
0x19: {  	[tilespmem:s2], [sflag:$0x1] =	stream.linear.gather [hbm4b:s1+s2], $0x200, $0x38;
	[tilespmem:$0x2000] =	vst v63  }
0x1a: {  	s0 =	rddreg [dreg:$0x3]  }
0x1b: {  	[tilespmem:s22], [sflag:$0x1] =	stream.linear.gather [hbm4b:s0+s2], $0x200, $0x38;
	[tilespmem:$0x2000] =	vst v63  }
0x1c: {  	s1 =	rddreg [dreg:$0x4]  }
0x1d: {  	[tilespmem:s23], [sflag:$0x1] =	stream.linear.gather [hbm4b:s1+s2], $0x200, $0x38;
	[tilespmem:$0x2000] =	vst v63  }
0x1e: {  	s0 =	rddreg [dreg:$0x5]  }
0x1f: {  	[tilespmem:s24], [sflag:$0x1] =	stream.linear.gather [hbm4b:s0+s2], $0x200, $0x38;
	[tilespmem:$0x2000] =	vst v63  }
0x20: {  	s1 =	rddreg [dreg:$0x6]  }
0x21: {  	[tilespmem:s25], [sflag:$0x1] =	stream.linear.gather [hbm4b:s1+s2], $0x200, $0x38;
	[tilespmem:$0x2000] =	vst v63  }
0x22: {  	s0 =	rddreg [dreg:$0x7]  }
0x23: {  	[tilespmem:s26], [sflag:$0x1] =	stream.linear.gather [hbm4b:s0+s2], $0x200, $0x38;
	[tilespmem:$0x2000] =	vst v63  }
0x24: {  	_ = 	snop  }
0x25: {  	[tilespmem:s28], [sflag:$0x1] =	stream.linear.gather [hbm4b:s30+s2], $0x200, $0x38;
	[tilespmem:$0x2000] =	vst v63  }
0x26: {  	_ = 	snop  }
0x27: {  	[tilespmem:s29], [sflag:$0x1] =	stream.linear.gather [hbm4b:s31+s2], $0x200, $0x38;
	[tilespmem:$0x2000] =	vst v63  }
0x28: {  	_ =	swait.ge [sflag:s3], $0x200  }
0x29: {  	[sflag:s3] =	ssyncset.done $0x0  }
0x2a: {  	[sflag:s3] =	ssyncadd.s32 $0xFFFFFE00  }
0x2b: {  	_ =	swait.ge [sflag:s3], $0x200  }
0x2c: {  	[sflag:s3] =	ssyncset.done $0x0  }
0x2d: {  	[sflag:s3] =	ssyncadd.s32 $0xFFFFFE00  }
0x2e: {  	_ =	swait.ge [sflag:s3], $0x200  }
0x2f: {  	[sflag:s3] =	ssyncset.done $0x0  }
0x30: {  	[sflag:s3] =	ssyncadd.s32 $0xFFFFFE00  }
0x31: {  	_ =	swait.ge [sflag:s3], $0x200  }
0x32: {  	[sflag:s3] =	ssyncset.done $0x0  }
0x33: {  	[sflag:s3] =	ssyncadd.s32 $0xFFFFFE00  }
0x34: {  	_ =	swait.ge [sflag:s3], $0x200  }
0x35: {  	[sflag:s3] =	ssyncset.done $0x0  }
0x36: {  	[sflag:s3] =	ssyncadd.s32 $0xFFFFFE00  }
0x37: {  	_ =	swait.ge [sflag:s3], $0x200  }
0x38: {  	[sflag:s3] =	ssyncset.done $0x0  }
0x39: {  	[sflag:s3] =	ssyncadd.s32 $0xFFFFFE00  }
0x3a: {  	_ =	swait.ge [sflag:s3], $0x200  }
0x3b: {  	[sflag:s3] =	ssyncset.done $0x0  }
0x3c: {  	[sflag:s3] =	ssyncadd.s32 $0xFFFFFE00  }
0x3d: {  	_ =	swait.ge [sflag:s3], $0x200  }
0x3e: {  	[sflag:s3] =	ssyncset.done $0x0  }
0x3f: {  	[sflag:s3] =	ssyncadd.s32 $0xFFFFFE00  }
0x40: {  	[tilespmem:s14], [sflag:$0x1] =	stream.indirect.gather [hbm4b:s4+s22], $0x1, s2, s22, $0xb8;
	[tilespmem:$0x2000] =	vst v63  }
0x41: {  	_ = 	snop  }
0x42: {  	[tilespmem:s15], [sflag:$0x1] =	stream.indirect.gather [hbm4b:s4+s22], $0x1, s22, s22, $0xb8;
	[tilespmem:$0x2000] =	vst v63  }
0x43: {  	_ = 	snop  }
0x44: {  	[tilespmem:s16], [sflag:$0x1] =	stream.indirect.gather [hbm4b:s4+s22], $0x1, s23, s22, $0xb8;
	[tilespmem:$0x2000] =	vst v63  }
0x45: {  	_ = 	snop  }
0x46: {  	[tilespmem:s17], [sflag:$0x1] =	stream.indirect.gather [hbm4b:s4+s22], $0x1, s24, s22, $0xb8;
	[tilespmem:$0x2000] =	vst v63  }
0x47: {  	_ = 	snop  }
0x48: {  	[tilespmem:s18], [sflag:$0x1] =	stream.indirect.gather [hbm4b:s4+s22], $0x1, s25, s22, $0xb8;
	[tilespmem:$0x2000] =	vst v63  }
0x49: {  	_ = 	snop  }
0x4a: {  	[tilespmem:s19], [sflag:$0x1] =	stream.indirect.gather [hbm4b:s4+s22], $0x1, s26, s22, $0xb8;
	[tilespmem:$0x2000] =	vst v63  }
0x4b: {  	_ = 	snop  }
0x4c: {  	[tilespmem:s20], [sflag:$0x1] =	stream.indirect.gather [hbm4b:s5+s22], $0x1, s28, s22, $0xb8;
	[tilespmem:$0x2000] =	vst v63  }
0x4d: {  	_ = 	snop  }
0x4e: {  	[tilespmem:s21], [sflag:$0x1] =	stream.indirect.gather [hbm4b:s5+s22], $0x1, s29, s22, $0xb8;
	[tilespmem:$0x2000] =	vst v63  }
0x4f: {  	_ =	swait.ge [sflag:s3], $0x200  }
0x50: {  	[sflag:s3] =	ssyncset.done $0x0  }
0x51: {  	[sflag:s3] =	ssyncadd.s32 $0xFFFFFE00  }
0x52: {  	_ =	swait.ge [sflag:s3], $0x200  }
0x53: {  	[sflag:s3] =	ssyncset.done $0x0  }
0x54: {  	[sflag:s3] =	ssyncadd.s32 $0xFFFFFE00  }
0x55: {  	_ =	swait.ge [sflag:s3], $0x200  }
0x56: {  	[sflag:s3] =	ssyncset.done $0x0  }
0x57: {  	[sflag:s3] =	ssyncadd.s32 $0xFFFFFE00  }
0x58: {  	_ =	swait.ge [sflag:s3], $0x200  }
0x59: {  	[sflag:s3] =	ssyncset.done $0x0  }
0x5a: {  	[sflag:s3] =	ssyncadd.s32 $0xFFFFFE00  }
0x5b: {  	_ =	swait.ge [sflag:s3], $0x200  }
0x5c: {  	[sflag:s3] =	ssyncset.done $0x0  }
0x5d: {  	[sflag:s3] =	ssyncadd.s32 $0xFFFFFE00  }
0x5e: {  	_ =	swait.ge [sflag:s3], $0x200  }
0x5f: {  	[sflag:s3] =	ssyncset.done $0x0  }
0x60: {  	[sflag:s3] =	ssyncadd.s32 $0xFFFFFE00  }
0x61: {  	_ =	swait.ge [sflag:s3], $0x200  }
0x62: {  	[sflag:s3] =	ssyncset.done $0x0  }
0x63: {  	[sflag:s3] =	ssyncadd.s32 $0xFFFFFE00  }
0x64: {  	_ =	swait.ge [sflag:s3], $0x200  }
0x65: {  	[sflag:s3] =	ssyncset.done $0x0  }
0x66: {  	[sflag:s3] =	ssyncadd.s32 $0xFFFFFE00  }
0x67: {  	[hbm4b:s6+s2] =	stream.linear.scatter [tilespmem:s14], [sflag:$0x1], $0x200, $0x38;
	[tilespmem:$0x2000] =	vst v63  }
0x68: {  	_ = 	snop  }
0x69: {  	[hbm4b:s7+s2] =	stream.linear.scatter [tilespmem:s15], [sflag:$0x1], $0x200, $0x38;
	[tilespmem:$0x2000] =	vst v63  }
0x6a: {  	_ = 	snop  }
0x6b: {  	[hbm4b:s8+s2] =	stream.linear.scatter [tilespmem:s16], [sflag:$0x1], $0x200, $0x38;
	[tilespmem:$0x2000] =	vst v63  }
0x6c: {  	_ = 	snop  }
0x6d: {  	[hbm4b:s9+s2] =	stream.linear.scatter [tilespmem:s17], [sflag:$0x1], $0x200, $0x38;
	[tilespmem:$0x2000] =	vst v63  }
0x6e: {  	_ = 	snop  }
0x6f: {  	[hbm4b:s10+s2] =	stream.linear.scatter [tilespmem:s18], [sflag:$0x1], $0x200, $0x38;
	[tilespmem:$0x2000] =	vst v63  }
0x70: {  	_ = 	snop  }
0x71: {  	[hbm4b:s11+s2] =	stream.linear.scatter [tilespmem:s19], [sflag:$0x1], $0x200, $0x38;
	[tilespmem:$0x2000] =	vst v63  }
0x72: {  	_ = 	snop  }
0x73: {  	[hbm4b:s12+s2] =	stream.linear.scatter [tilespmem:s20], [sflag:$0x1], $0x200, $0x38;
	[tilespmem:$0x2000] =	vst v63  }
0x74: {  	_ = 	snop  }
0x75: {  	[hbm4b:s13+s2] =	stream.linear.scatter [tilespmem:s21], [sflag:$0x1], $0x200, $0x38;
	[tilespmem:$0x2000] =	vst v63  }
0x76: {  	_ =	swait.ge [sflag:s3], $0x200  }
0x77: {  	[sflag:s3] =	ssyncset.done $0x0  }
0x78: {  	[sflag:s3] =	ssyncadd.s32 $0xFFFFFE00  }
0x79: {  	_ =	swait.ge [sflag:s3], $0x200  }
0x7a: {  	[sflag:s3] =	ssyncset.done $0x0  }
0x7b: {  	[sflag:s3] =	ssyncadd.s32 $0xFFFFFE00  }
0x7c: {  	_ =	swait.ge [sflag:s3], $0x200  }
0x7d: {  	[sflag:s3] =	ssyncset.done $0x0  }
0x7e: {  	[sflag:s3] =	ssyncadd.s32 $0xFFFFFE00  }
0x7f: {  	_ =	swait.ge [sflag:s3], $0x200  }
0x80: {  	[sflag:s3] =	ssyncset.done $0x0  }
0x81: {  	[sflag:s3] =	ssyncadd.s32 $0xFFFFFE00  }
0x82: {  	_ =	swait.ge [sflag:s3], $0x200  }
0x83: {  	[sflag:s3] =	ssyncset.done $0x0  }
0x84: {  	[sflag:s3] =	ssyncadd.s32 $0xFFFFFE00  }
0x85: {  	_ =	swait.ge [sflag:s3], $0x200  }
0x86: {  	[sflag:s3] =	ssyncset.done $0x0  }
0x87: {  	[sflag:s3] =	ssyncadd.s32 $0xFFFFFE00  }
0x88: {  	_ =	swait.ge [sflag:s3], $0x200  }
0x89: {  	s1 =	rddreg [dreg:$0x8]  }
0x8a: {  	p1 =	sne.s32 s1, $0x1  }
.Ltmp1:
0x8b: {  	_ = 	snop;
	(pc) =	sbr.rel @!p1 .LBB2_3-.Ltmp1, $4  }
0x8c: {  	[sflag:s3] =	ssyncset.done $0x0  }
0x8d: {  	[sflag:s3] =	ssyncadd.s32 $0xFFFFFE00  }
0x8e: {  	p0 =	por $0x1, $0x1;
	_ =	swait.ge [sflag:s3], $0x200  }
0x8f: {  	s0 =	sadd.s32 $0xFFFFFFFF, s1;
	s1 =	rddreg [dreg:$0x2];
	[sflag:s3] =	ssyncset.done $0x0  }
.LBB2_2:
0x90: {  	[sflag:s3] =	ssyncadd.s32 $0xFFFFFE00  }
0x91: {  	s14 =	smov.u32 s13;
	s13 =	smov.u32 s12;
	s12 =	smov.u32 s11  }
0x92: {  	s11 =	smov.u32 s10;
	s10 =	smov.u32 s9;
	s9 =	smov.u32 s8  }
0x93: {  	[tilespmem:s2], [sflag:$0x1] =	stream.linear.gather [hbm4b:s1+s2], $0x200, $0x38;
	[tilespmem:$0x2000] =	vst v63  }
0x94: {  	s8 =	smov.u32 s7;
	s7 =	smov.u32 s6;
	s6 =	rddreg [dreg:$0x3]  }
0x95: {  	[tilespmem:s22], [sflag:$0x1] =	stream.linear.gather [hbm4b:s6+s2], $0x200, $0x38;
	[tilespmem:$0x2000] =	vst v63  }
0x96: {  	s1 =	rddreg [dreg:$0x4]  }
0x97: {  	[tilespmem:s23], [sflag:$0x1] =	stream.linear.gather [hbm4b:s1+s2], $0x200, $0x38;
	[tilespmem:$0x2000] =	vst v63  }
0x98: {  	s6 =	rddreg [dreg:$0x5]  }
0x99: {  	[tilespmem:s24], [sflag:$0x1] =	stream.linear.gather [hbm4b:s6+s2], $0x200, $0x38;
	[tilespmem:$0x2000] =	vst v63  }
0x9a: {  	s1 =	rddreg [dreg:$0x6]  }
0x9b: {  	[tilespmem:s25], [sflag:$0x1] =	stream.linear.gather [hbm4b:s1+s2], $0x200, $0x38;
	[tilespmem:$0x2000] =	vst v63  }
0x9c: {  	s6 =	rddreg [dreg:$0x7]  }
0x9d: {  	[tilespmem:s26], [sflag:$0x1] =	stream.linear.gather [hbm4b:s6+s2], $0x200, $0x38;
	[tilespmem:$0x2000] =	vst v63  }
0x9e: {  	_ = 	snop  }
0x9f: {  	[tilespmem:s28], [sflag:$0x1] =	stream.linear.gather [hbm4b:s30+s2], $0x200, $0x38;
	[tilespmem:$0x2000] =	vst v63  }
0xa0: {  	_ = 	snop  }
0xa1: {  	[tilespmem:s29], [sflag:$0x1] =	stream.linear.gather [hbm4b:s31+s2], $0x200, $0x38;
	[tilespmem:$0x2000] =	vst v63  }
0xa2: {  	_ =	swait.ge [sflag:s3], $0x200  }
0xa3: {  	[sflag:s3] =	ssyncset.done $0x0  }
0xa4: {  	[sflag:s3] =	ssyncadd.s32 $0xFFFFFE00  }
0xa5: {  	_ =	swait.ge [sflag:s3], $0x200  }
0xa6: {  	[sflag:s3] =	ssyncset.done $0x0  }
0xa7: {  	[sflag:s3] =	ssyncadd.s32 $0xFFFFFE00  }
0xa8: {  	_ =	swait.ge [sflag:s3], $0x200  }
0xa9: {  	[sflag:s3] =	ssyncset.done $0x0  }
0xaa: {  	[sflag:s3] =	ssyncadd.s32 $0xFFFFFE00  }
0xab: {  	_ =	swait.ge [sflag:s3], $0x200  }
0xac: {  	[sflag:s3] =	ssyncset.done $0x0  }
0xad: {  	[sflag:s3] =	ssyncadd.s32 $0xFFFFFE00  }
0xae: {  	_ =	swait.ge [sflag:s3], $0x200  }
0xaf: {  	[sflag:s3] =	ssyncset.done $0x0  }
0xb0: {  	[sflag:s3] =	ssyncadd.s32 $0xFFFFFE00  }
0xb1: {  	_ =	swait.ge [sflag:s3], $0x200  }
0xb2: {  	[sflag:s3] =	ssyncset.done $0x0  }
0xb3: {  	[sflag:s3] =	ssyncadd.s32 $0xFFFFFE00  }
0xb4: {  	_ =	swait.ge [sflag:s3], $0x200  }
0xb5: {  	s6 =	smov.u32 s7;
	[sflag:s3] =	ssyncset.done $0x0  }
0xb6: {  	s7 =	smov.u32 s8;
	s8 =	smov.u32 s9;
	[sflag:s3] =	ssyncadd.s32 $0xFFFFFE00  }
0xb7: {  	s9 =	smov.u32 s10;
	s10 =	smov.u32 s11;
	_ =	swait.ge [sflag:s3], $0x200  }
0xb8: {  	s11 =	smov.u32 s12;
	s12 =	smov.u32 s13;
	[sflag:s3] =	ssyncset.done $0x0  }
0xb9: {  	s13 =	smov.u32 s14;
	s14 =	simm.s32 $0x1000;
	[sflag:s3] =	ssyncadd.s32 $0xFFFFFE00  }
0xba: {  	[tilespmem:s14], [sflag:$0x1] =	stream.indirect.gather [hbm4b:s4+s22], $0x1, s2, s22, $0xb8;
	[tilespmem:$0x2000] =	vst v63  }
0xbb: {  	_ = 	snop  }
0xbc: {  	[tilespmem:s15], [sflag:$0x1] =	stream.indirect.gather [hbm4b:s4+s22], $0x1, s22, s22, $0xb8;
	[tilespmem:$0x2000] =	vst v63  }
0xbd: {  	_ = 	snop  }
0xbe: {  	[tilespmem:s16], [sflag:$0x1] =	stream.indirect.gather [hbm4b:s4+s22], $0x1, s23, s22, $0xb8;
	[tilespmem:$0x2000] =	vst v63  }
0xbf: {  	_ = 	snop  }
0xc0: {  	[tilespmem:s17], [sflag:$0x1] =	stream.indirect.gather [hbm4b:s4+s22], $0x1, s24, s22, $0xb8;
	[tilespmem:$0x2000] =	vst v63  }
0xc1: {  	_ = 	snop  }
0xc2: {  	[tilespmem:s18], [sflag:$0x1] =	stream.indirect.gather [hbm4b:s4+s22], $0x1, s25, s22, $0xb8;
	[tilespmem:$0x2000] =	vst v63  }
0xc3: {  	_ = 	snop  }
0xc4: {  	[tilespmem:s19], [sflag:$0x1] =	stream.indirect.gather [hbm4b:s4+s22], $0x1, s26, s22, $0xb8;
	[tilespmem:$0x2000] =	vst v63  }
0xc5: {  	_ = 	snop  }
0xc6: {  	[tilespmem:s20], [sflag:$0x1] =	stream.indirect.gather [hbm4b:s5+s22], $0x1, s28, s22, $0xb8;
	[tilespmem:$0x2000] =	vst v63  }
0xc7: {  	_ = 	snop  }
0xc8: {  	[tilespmem:s21], [sflag:$0x1] =	stream.indirect.gather [hbm4b:s5+s22], $0x1, s29, s22, $0xb8;
	[tilespmem:$0x2000] =	vst v63  }
0xc9: {  	_ =	swait.ge [sflag:s3], $0x200  }
0xca: {  	[sflag:s3] =	ssyncset.done $0x0  }
0xcb: {  	[sflag:s3] =	ssyncadd.s32 $0xFFFFFE00  }
0xcc: {  	_ =	swait.ge [sflag:s3], $0x200  }
0xcd: {  	[sflag:s3] =	ssyncset.done $0x0  }
0xce: {  	[sflag:s3] =	ssyncadd.s32 $0xFFFFFE00  }
0xcf: {  	_ =	swait.ge [sflag:s3], $0x200  }
0xd0: {  	[sflag:s3] =	ssyncset.done $0x0  }
0xd1: {  	[sflag:s3] =	ssyncadd.s32 $0xFFFFFE00  }
0xd2: {  	_ =	swait.ge [sflag:s3], $0x200  }
0xd3: {  	[sflag:s3] =	ssyncset.done $0x0  }
0xd4: {  	[sflag:s3] =	ssyncadd.s32 $0xFFFFFE00  }
0xd5: {  	_ =	swait.ge [sflag:s3], $0x200  }
0xd6: {  	[sflag:s3] =	ssyncset.done $0x0  }
0xd7: {  	[sflag:s3] =	ssyncadd.s32 $0xFFFFFE00  }
0xd8: {  	_ =	swait.ge [sflag:s3], $0x200  }
0xd9: {  	[sflag:s3] =	ssyncset.done $0x0  }
0xda: {  	[sflag:s3] =	ssyncadd.s32 $0xFFFFFE00  }
0xdb: {  	_ =	swait.ge [sflag:s3], $0x200  }
0xdc: {  	[sflag:s3] =	ssyncset.done $0x0  }
0xdd: {  	[sflag:s3] =	ssyncadd.s32 $0xFFFFFE00  }
0xde: {  	_ =	swait.ge [sflag:s3], $0x200  }
0xdf: {  	[sflag:s3] =	ssyncset.done $0x0  }
0xe0: {  	[sflag:s3] =	ssyncadd.s32 $0xFFFFFE00  }
0xe1: {  	[hbm4b:s6+s2] =	stream.linear.scatter [tilespmem:s14], [sflag:$0x1], $0x200, $0x38;
	[tilespmem:$0x2000] =	vst v63  }
0xe2: {  	_ = 	snop  }
0xe3: {  	[hbm4b:s7+s2] =	stream.linear.scatter [tilespmem:s15], [sflag:$0x1], $0x200, $0x38;
	[tilespmem:$0x2000] =	vst v63  }
0xe4: {  	_ = 	snop  }
0xe5: {  	[hbm4b:s8+s2] =	stream.linear.scatter [tilespmem:s16], [sflag:$0x1], $0x200, $0x38;
	[tilespmem:$0x2000] =	vst v63  }
0xe6: {  	_ = 	snop  }
0xe7: {  	[hbm4b:s9+s2] =	stream.linear.scatter [tilespmem:s17], [sflag:$0x1], $0x200, $0x38;
	[tilespmem:$0x2000] =	vst v63  }
0xe8: {  	_ = 	snop  }
0xe9: {  	[hbm4b:s10+s2] =	stream.linear.scatter [tilespmem:s18], [sflag:$0x1], $0x200, $0x38;
	[tilespmem:$0x2000] =	vst v63  }
0xea: {  	_ = 	snop  }
0xeb: {  	[hbm4b:s11+s2] =	stream.linear.scatter [tilespmem:s19], [sflag:$0x1], $0x200, $0x38;
	[tilespmem:$0x2000] =	vst v63  }
0xec: {  	_ = 	snop  }
0xed: {  	[hbm4b:s12+s2] =	stream.linear.scatter [tilespmem:s20], [sflag:$0x1], $0x200, $0x38;
	[tilespmem:$0x2000] =	vst v63  }
0xee: {  	_ = 	snop  }
0xef: {  	[hbm4b:s13+s2] =	stream.linear.scatter [tilespmem:s21], [sflag:$0x1], $0x200, $0x38;
	[tilespmem:$0x2000] =	vst v63  }
0xf0: {  	_ =	swait.ge [sflag:s3], $0x200  }
0xf1: {  	[sflag:s3] =	ssyncset.done $0x0  }
0xf2: {  	[sflag:s3] =	ssyncadd.s32 $0xFFFFFE00  }
0xf3: {  	_ =	swait.ge [sflag:s3], $0x200  }
0xf4: {  	[sflag:s3] =	ssyncset.done $0x0  }
0xf5: {  	[sflag:s3] =	ssyncadd.s32 $0xFFFFFE00  }
0xf6: {  	_ =	swait.ge [sflag:s3], $0x200  }
0xf7: {  	[sflag:s3] =	ssyncset.done $0x0  }
0xf8: {  	[sflag:s3] =	ssyncadd.s32 $0xFFFFFE00  }
0xf9: {  	_ =	swait.ge [sflag:s3], $0x200  }
0xfa: {  	[sflag:s3] =	ssyncset.done $0x0  }
0xfb: {  	[sflag:s3] =	ssyncadd.s32 $0xFFFFFE00  }
0xfc: {  	_ =	swait.ge [sflag:s3], $0x200  }
0xfd: {  	[sflag:s3] =	ssyncset.done $0x0  }
0xfe: {  	[sflag:s3] =	ssyncadd.s32 $0xFFFFFE00  }
0xff: {  	_ =	swait.ge [sflag:s3], $0x200  }
0x100: {  	[sflag:s3] =	ssyncset.done $0x0  }
0x101: {  	p1 =	sne.s32 s0, $0x1;
	[sflag:s3] =	ssyncadd.s32 $0xFFFFFE00  }
.Ltmp2:
0x102: {  	_ =	swait.ge [sflag:s3], $0x200;
	(pc) =	sbr.rel @p1 .LBB2_2-.Ltmp2, $4  }
0x103: {  	[sflag:s3] =	ssyncset.done $0x0  }
0x104: {  	[sflag:s3] =	ssyncadd.s32 $0xFFFFFE00  }
0x105: {  	_ =	swait.ge [sflag:s3], $0x200  }
0x106: {  	s0 =	sadd.s32 $0xFFFFFFFF, s0;
	s1 =	rddreg [dreg:$0x2];
	[sflag:s3] =	ssyncset.done $0x0  }
.LBB2_3:
0x107: {  	[sflag:s3] =	ssyncadd.s32 @p0 $0xFFFFFE00  }
0x108: {  	[tilespmem:s2], [sflag:$0x1] =	stream.linear.gather [hbm4b:s1+s2], $0x200, $0x38;
	[tilespmem:$0x2000] =	vst v63  }
0x109: {  	s0 =	rddreg [dreg:$0x3]  }
0x10a: {  	[tilespmem:s22], [sflag:$0x1] =	stream.linear.gather [hbm4b:s0+s2], $0x200, $0x38;
	[tilespmem:$0x2000] =	vst v63  }
0x10b: {  	s1 =	rddreg [dreg:$0x4]  }
0x10c: {  	[tilespmem:s23], [sflag:$0x1] =	stream.linear.gather [hbm4b:s1+s2], $0x200, $0x38;
	[tilespmem:$0x2000] =	vst v63  }
0x10d: {  	s0 =	rddreg [dreg:$0x5]  }
0x10e: {  	[tilespmem:s24], [sflag:$0x1] =	stream.linear.gather [hbm4b:s0+s2], $0x200, $0x38;
	[tilespmem:$0x2000] =	vst v63  }
0x10f: {  	s1 =	rddreg [dreg:$0x6]  }
0x110: {  	[tilespmem:s25], [sflag:$0x1] =	stream.linear.gather [hbm4b:s1+s2], $0x200, $0x38;
	[tilespmem:$0x2000] =	vst v63  }
0x111: {  	s0 =	rddreg [dreg:$0x7]  }
0x112: {  	[tilespmem:s26], [sflag:$0x1] =	stream.linear.gather [hbm4b:s0+s2], $0x200, $0x38;
	[tilespmem:$0x2000] =	vst v63  }
0x113: {  	_ = 	snop  }
0x114: {  	[tilespmem:s28], [sflag:$0x1] =	stream.linear.gather [hbm4b:s30+s2], $0x200, $0x38;
	[tilespmem:$0x2000] =	vst v63  }
0x115: {  	_ = 	snop  }
0x116: {  	[tilespmem:s29], [sflag:$0x1] =	stream.linear.gather [hbm4b:s31+s2], $0x200, $0x38;
	[tilespmem:$0x2000] =	vst v63  }
0x117: {  	_ =	swait.ge [sflag:s3], $0x200  }
0x118: {  	[sflag:s3] =	ssyncset.done $0x0  }
0x119: {  	[sflag:s3] =	ssyncadd.s32 $0xFFFFFE00  }
0x11a: {  	_ =	swait.ge [sflag:s3], $0x200  }
0x11b: {  	[sflag:s3] =	ssyncset.done $0x0  }
0x11c: {  	[sflag:s3] =	ssyncadd.s32 $0xFFFFFE00  }
0x11d: {  	_ =	swait.ge [sflag:s3], $0x200  }
0x11e: {  	[sflag:s3] =	ssyncset.done $0x0  }
0x11f: {  	[sflag:s3] =	ssyncadd.s32 $0xFFFFFE00  }
0x120: {  	_ =	swait.ge [sflag:s3], $0x200  }
0x121: {  	[sflag:s3] =	ssyncset.done $0x0  }
0x122: {  	[sflag:s3] =	ssyncadd.s32 $0xFFFFFE00  }
0x123: {  	_ =	swait.ge [sflag:s3], $0x200  }
0x124: {  	[sflag:s3] =	ssyncset.done $0x0  }
0x125: {  	[sflag:s3] =	ssyncadd.s32 $0xFFFFFE00  }
0x126: {  	_ =	swait.ge [sflag:s3], $0x200  }
0x127: {  	[sflag:s3] =	ssyncset.done $0x0  }
0x128: {  	[sflag:s3] =	ssyncadd.s32 $0xFFFFFE00  }
0x129: {  	_ =	swait.ge [sflag:s3], $0x200  }
0x12a: {  	[sflag:s3] =	ssyncset.done $0x0  }
0x12b: {  	[sflag:s3] =	ssyncadd.s32 $0xFFFFFE00  }
0x12c: {  	_ =	swait.ge [sflag:s3], $0x200  }
0x12d: {  	[sflag:s3] =	ssyncset.done $0x0  }
0x12e: {  	[sflag:s3] =	ssyncadd.s32 $0xFFFFFE00  }
0x12f: {  	[tilespmem:s14], [sflag:$0x1] =	stream.indirect.gather [hbm4b:s4+s22], $0x1, s2, s22, $0xb8;
	[tilespmem:$0x2000] =	vst v63  }
0x130: {  	_ = 	snop  }
0x131: {  	[tilespmem:s15], [sflag:$0x1] =	stream.indirect.gather [hbm4b:s4+s22], $0x1, s22, s22, $0xb8;
	[tilespmem:$0x2000] =	vst v63  }
0x132: {  	_ = 	snop  }
0x133: {  	[tilespmem:s16], [sflag:$0x1] =	stream.indirect.gather [hbm4b:s4+s22], $0x1, s23, s22, $0xb8;
	[tilespmem:$0x2000] =	vst v63  }
0x134: {  	_ = 	snop  }
0x135: {  	[tilespmem:s17], [sflag:$0x1] =	stream.indirect.gather [hbm4b:s4+s22], $0x1, s24, s22, $0xb8;
	[tilespmem:$0x2000] =	vst v63  }
0x136: {  	_ = 	snop  }
0x137: {  	[tilespmem:s18], [sflag:$0x1] =	stream.indirect.gather [hbm4b:s4+s22], $0x1, s25, s22, $0xb8;
	[tilespmem:$0x2000] =	vst v63  }
0x138: {  	_ = 	snop  }
0x139: {  	[tilespmem:s19], [sflag:$0x1] =	stream.indirect.gather [hbm4b:s4+s22], $0x1, s26, s22, $0xb8;
	[tilespmem:$0x2000] =	vst v63  }
0x13a: {  	_ = 	snop  }
0x13b: {  	[tilespmem:s20], [sflag:$0x1] =	stream.indirect.gather [hbm4b:s5+s22], $0x1, s28, s22, $0xb8;
	[tilespmem:$0x2000] =	vst v63  }
0x13c: {  	_ = 	snop  }
0x13d: {  	[tilespmem:s21], [sflag:$0x1] =	stream.indirect.gather [hbm4b:s5+s22], $0x1, s29, s22, $0xb8;
	[tilespmem:$0x2000] =	vst v63  }
0x13e: {  	_ =	swait.ge [sflag:s3], $0x200  }
0x13f: {  	[sflag:s3] =	ssyncset.done $0x0  }
0x140: {  	[sflag:s3] =	ssyncadd.s32 $0xFFFFFE00  }
0x141: {  	_ =	swait.ge [sflag:s3], $0x200  }
0x142: {  	[sflag:s3] =	ssyncset.done $0x0  }
0x143: {  	[sflag:s3] =	ssyncadd.s32 $0xFFFFFE00  }
0x144: {  	_ =	swait.ge [sflag:s3], $0x200  }
0x145: {  	[sflag:s3] =	ssyncset.done $0x0  }
0x146: {  	[sflag:s3] =	ssyncadd.s32 $0xFFFFFE00  }
0x147: {  	_ =	swait.ge [sflag:s3], $0x200  }
0x148: {  	[sflag:s3] =	ssyncset.done $0x0  }
0x149: {  	[sflag:s3] =	ssyncadd.s32 $0xFFFFFE00  }
0x14a: {  	_ =	swait.ge [sflag:s3], $0x200  }
0x14b: {  	[sflag:s3] =	ssyncset.done $0x0  }
0x14c: {  	[sflag:s3] =	ssyncadd.s32 $0xFFFFFE00  }
0x14d: {  	_ =	swait.ge [sflag:s3], $0x200  }
0x14e: {  	[sflag:s3] =	ssyncset.done $0x0  }
0x14f: {  	[sflag:s3] =	ssyncadd.s32 $0xFFFFFE00  }
0x150: {  	_ =	swait.ge [sflag:s3], $0x200  }
0x151: {  	[sflag:s3] =	ssyncset.done $0x0  }
0x152: {  	[sflag:s3] =	ssyncadd.s32 $0xFFFFFE00  }
0x153: {  	_ =	swait.ge [sflag:s3], $0x200  }
0x154: {  	[sflag:s3] =	ssyncset.done $0x0  }
0x155: {  	[sflag:s3] =	ssyncadd.s32 $0xFFFFFE00  }
0x156: {  	[hbm4b:s6+s2] =	stream.linear.scatter [tilespmem:s14], [sflag:$0x1], $0x200, $0x38;
	[tilespmem:$0x2000] =	vst v63  }
0x157: {  	_ = 	snop  }
0x158: {  	[hbm4b:s7+s2] =	stream.linear.scatter [tilespmem:s15], [sflag:$0x1], $0x200, $0x38;
	[tilespmem:$0x2000] =	vst v63  }
0x159: {  	_ = 	snop  }
0x15a: {  	[hbm4b:s8+s2] =	stream.linear.scatter [tilespmem:s16], [sflag:$0x1], $0x200, $0x38;
	[tilespmem:$0x2000] =	vst v63  }
0x15b: {  	_ = 	snop  }
0x15c: {  	[hbm4b:s9+s2] =	stream.linear.scatter [tilespmem:s17], [sflag:$0x1], $0x200, $0x38;
	[tilespmem:$0x2000] =	vst v63  }
0x15d: {  	_ = 	snop  }
0x15e: {  	[hbm4b:s10+s2] =	stream.linear.scatter [tilespmem:s18], [sflag:$0x1], $0x200, $0x38;
	[tilespmem:$0x2000] =	vst v63  }
0x15f: {  	_ = 	snop  }
0x160: {  	[hbm4b:s11+s2] =	stream.linear.scatter [tilespmem:s19], [sflag:$0x1], $0x200, $0x38;
	[tilespmem:$0x2000] =	vst v63  }
0x161: {  	_ = 	snop  }
0x162: {  	[hbm4b:s12+s2] =	stream.linear.scatter [tilespmem:s20], [sflag:$0x1], $0x200, $0x38;
	[tilespmem:$0x2000] =	vst v63  }
0x163: {  	_ = 	snop  }
0x164: {  	[hbm4b:s13+s2] =	stream.linear.scatter [tilespmem:s21], [sflag:$0x1], $0x200, $0x38;
	[tilespmem:$0x2000] =	vst v63  }
0x165: {  	_ =	swait.ge [sflag:s3], $0x200  }
0x166: {  	[sflag:s3] =	ssyncset.done $0x0  }
0x167: {  	[sflag:s3] =	ssyncadd.s32 $0xFFFFFE00  }
0x168: {  	_ =	swait.ge [sflag:s3], $0x200  }
0x169: {  	[sflag:s3] =	ssyncset.done $0x0  }
0x16a: {  	[sflag:s3] =	ssyncadd.s32 $0xFFFFFE00  }
0x16b: {  	_ =	swait.ge [sflag:s3], $0x200  }
0x16c: {  	[sflag:s3] =	ssyncset.done $0x0  }
0x16d: {  	[sflag:s3] =	ssyncadd.s32 $0xFFFFFE00  }
0x16e: {  	_ =	swait.ge [sflag:s3], $0x200  }
0x16f: {  	[sflag:s3] =	ssyncset.done $0x0  }
0x170: {  	[sflag:s3] =	ssyncadd.s32 $0xFFFFFE00  }
0x171: {  	_ =	swait.ge [sflag:s3], $0x200  }
0x172: {  	[sflag:s3] =	ssyncset.done $0x0  }
0x173: {  	[sflag:s3] =	ssyncadd.s32 $0xFFFFFE00  }
0x174: {  	_ =	swait.ge [sflag:s3], $0x200  }
0x175: {  	[sflag:s3] =	ssyncset.done $0x0  }
0x176: {  	[sflag:s3] =	ssyncadd.s32 $0xFFFFFE00  }
0x177: {  	_ =	swait.ge [sflag:s3], $0x200  }
0x178: {  	[sflag:s3] =	ssyncset.done $0x0  }
0x179: {  	[sflag:s3] =	ssyncadd.s32 $0xFFFFFE00  }
0x17a: {  	_ =	swait.ge [sflag:s3], $0x200  }
0x17b: {  	[sflag:s3] =	ssyncset.done $0x0  }
0x17c: {  	[sflag:s3] =	ssyncadd.s32 $0xFFFFFE00  }
0x17d: {  	_ =	sfence.sel $0x180000  }
0x17e: {  	[bflag:$0x0] =	sbarrier.arrive $0xFFFF  }
0x17f: {  	_ =	strace $0x90000047  }
0x180: {  	s31 =	stileid.u32;
	[bflag:$0x2] =	sbarrier.arrive $0xFFFF  }
0x181: {  	p0 =	sne.s32 s31, $0x0;
	s0 =	rddreg [dreg:$0x1]  }
0x182: {  	s0 =	sadd.s32 @!p0 $0x100000, s0  }
0x183: {  	[sflag:s0] =	ssyncadd.tile.s32 @!p0 $0x1;
	_ =	shalt  }
.Lfunc_end2:
_tile_overlayer_lowered:
.L_overlay_start_2:
0x184: {  	(tag) =	ssettag $0x2  }
0x185: {  	s0 =	rddreg [dreg:$0x0];
	s2 =	stileid.u32  }
0x186: {  	s1 =	rddreg [dreg:$0x1];
	p0 =	sne.s32 s2, $0x0  }
0x187: {  	s3 =	rddreg [dreg:$0x2];
	[bflag:$0x3] =	sbarrier.arrive $0xFFFF;
	s2 =	simm.s32 @!p0 $0x1C02  }
0x188: {  	[timem:s3], [sflag:s2] =	dma.local @!p0 [hbm:s0], s1  }
0x189: {  	s0 =	simm.s32 @!p0 $0x2  }
0x18a: {  	_ =	swait.ge @!p0 [sflag:s0], s1  }
0x18b: {  	s1 =	ssub.s32 @!p0 $0x0, s1;
	[sflag:s0] =	ssyncset.done @!p0 $0x0  }
0x18c: {  	[sflag:s0] =	ssyncadd.s32 @!p0 s1  }
0x18d: {  	[bflag:$0x3] =	sbarrier.arrive $0xFFFF  }
0x18e: {  	_ =	shalt  }

</sc_bundles>
